<compile_context>
chip_gen: v7x
topology: tpu7x:2x2x1
jax: 0.10.2.dev20260603
libtpu: 0.0.44.dev20260713+nightly
codegen_flags: <defaults>
</compile_context>

<pallas_src>
import functools

import jax
import jax.numpy as jnp
from jax import lax
from jax.experimental import pallas as pl
from jax.experimental.pallas import tpu as pltpu
from jax.experimental.pallas import tpu_sc as plsc

M, D, H, B = 100000, 512, 2048, 16384

_NC, _NS = 2, 16
_NW = _NC * _NS
_BPW = B // _NW
_GCH = 64
_SCH = 64

_mesh = plsc.VectorSubcoreMesh(core_axis_name="c", subcore_axis_name="s")


_NGC = _BPW // _GCH


_NBUF = 3


@functools.partial(
    pl.kernel,
    out_type=jax.ShapeDtypeStruct((B, D), jnp.float32),
    mesh=_mesh,
    scratch_types=[
        pltpu.VMEM((_BPW,), jnp.int32),
        pltpu.VMEM((_NBUF, _GCH, D), jnp.float32),
    ]
    + [pltpu.SemaphoreType.DMA] * (2 * _NBUF),
)
def _sc_gather(mem_hbm, idx_hbm, out_hbm, idx_v, rows_v, *sems):
    wid = lax.axis_index("s") * _NC + lax.axis_index("c")
    base = wid * _BPW
    pltpu.sync_copy(idx_hbm.at[pl.ds(base, _BPW)], idx_v)
    sg, ss = sems[:_NBUF], sems[_NBUF:]

    def g_copy(c):
        b = c % _NBUF
        return pltpu.make_async_copy(
            mem_hbm.at[idx_v.at[pl.ds(c * _GCH, _GCH)]], rows_v.at[b], sg[b]
        )

    def s_copy(c):
        b = c % _NBUF
        return pltpu.make_async_copy(
            rows_v.at[b], out_hbm.at[pl.ds(base + c * _GCH, _GCH)], ss[b]
        )

    for c in range(min(_NBUF, _NGC)):
        g_copy(c).start()
    for c in range(_NGC):
        g_copy(c).wait()
        s_copy(c).start()
        if c + _NBUF < _NGC:
            s_copy(c).wait()
            g_copy(c + _NBUF).start()
    for c in range(max(0, _NGC - _NBUF), _NGC):
        s_copy(c).wait()


_BM = 512
_GRID = B // _BM
_CPB = 3200


def _mlp_body(mem_ref, x_ref, w1_ref, w2_ref, cpy_ref, res_ref, p_ref,
              acc_ref):
    i = pl.program_id(0)

    cpy_ref[...] = mem_ref[...]

    x = x_ref[...].astype(jnp.bfloat16)
    h = jnp.maximum(
        jnp.dot(x, w1_ref[...], preferred_element_type=jnp.float32),
        0.0,
    ).astype(jnp.bfloat16)
    r = jnp.dot(h, w2_ref[...], preferred_element_type=jnp.float32)
    res_ref[...] = r

    @pl.when(i == 0)
    def _init():
        acc_ref[0, 0] = 0.0

    acc_ref[0, 0] += jnp.sum(r)

    @pl.when(i == _GRID - 1)
    def _fin():
        p_ref[0, 0] = jax.nn.sigmoid(acc_ref[0, 0] / (B * D))


def _tc_mlp(mem, gathered, W1, W2):
    return pl.pallas_call(
        _mlp_body,
        grid=(_GRID,),
        in_specs=[
            pl.BlockSpec((_CPB, D), lambda i: (i, 0)),
            pl.BlockSpec((_BM, D), lambda i: (i, 0)),
            pl.BlockSpec((D, H), lambda i: (0, 0)),
            pl.BlockSpec((H, D), lambda i: (0, 0)),
        ],
        out_specs=[
            pl.BlockSpec((_CPB, D), lambda i: (i, 0)),
            pl.BlockSpec((_BM, D), lambda i: (i, 0)),
            pl.BlockSpec(memory_space=pltpu.SMEM),
        ],
        out_shape=[
            jax.ShapeDtypeStruct((M, D), jnp.float32),
            jax.ShapeDtypeStruct((B, D), jnp.float32),
            jax.ShapeDtypeStruct((1, 1), jnp.float32),
        ],
        scratch_shapes=[
            pltpu.SMEM((1, 1), jnp.float32),
        ],
    )(mem, gathered, W1.astype(jnp.bfloat16), W2.astype(jnp.bfloat16))


_NCH = _BPW // _SCH
_SNBUF = 3
_MPAD = (M + 127) // 128 * 128


@functools.partial(
    pl.kernel,
    mesh=_mesh,
    scratch_types=[
        pltpu.VMEM((_NCH, _SCH), jnp.int32),
        pltpu.VMEM((_BPW,), jnp.int32),
        pltpu.VMEM((_SNBUF, _SCH, D), jnp.float32),
    ]
    + [pltpu.SemaphoreType.DMA] * (2 * _SNBUF),
)
def _sc_scatter(out_ref, res_hbm, tgt2d_hbm, src_hbm, tgt_v, src_v, rows_v, *sems):
    wid = lax.axis_index("s") * _NC + lax.axis_index("c")
    rbase = wid * _NCH
    pltpu.sync_copy(tgt2d_hbm.at[pl.ds(rbase, _NCH)], tgt_v)
    pltpu.sync_copy(src_hbm.at[pl.ds(wid * _BPW, _BPW)], src_v)
    sg, ss = sems[:_SNBUF], sems[_SNBUF:]

    def g_copy(c):
        b = c % _SNBUF
        return pltpu.make_async_copy(
            res_hbm.at[src_v.at[pl.ds(c * _SCH, _SCH)]], rows_v.at[b], sg[b]
        )

    def s_copy(c):
        b = c % _SNBUF
        return pltpu.make_async_copy(
            rows_v.at[b], out_ref.at[tgt_v.at[c]], ss[b]
        )

    for c in range(min(_SNBUF, _NCH)):
        g_copy(c).start()
    for c in range(_NCH):
        g_copy(c).wait()
        s_copy(c).start()
        if c + _SNBUF < _NCH:
            s_copy(c).wait()
            g_copy(c + _SNBUF).start()
    for c in range(max(0, _NCH - _SNBUF), _NCH):
        s_copy(c).wait()


@functools.partial(
    pl.kernel,
    out_type=jax.ShapeDtypeStruct((B,), jnp.int32),
    mesh=_mesh,
    scratch_types=[
        pltpu.VMEM((_MPAD,), jnp.int32),
        pltpu.VMEM((B,), jnp.int32),
        pltpu.VMEM((_BPW,), jnp.int32),
    ],
    compiler_params=pltpu.CompilerParams(needs_layout_passes=False),
)
def _sc_winner(tgt_hbm, src_hbm, win_v, tgt_v, src_v):
    wid = lax.axis_index("s") * _NC + lax.axis_index("c")
    pltpu.sync_copy(tgt_hbm, tgt_v)

    @pl.loop(0, B // 16)
    def _build(c):
        tv = tgt_v[pl.ds(c * 16, 16)]
        ids = c * 16 + lax.iota(jnp.int32, 16)
        _, is_last = plsc.scan_count(tv)
        plsc.store_scatter(win_v, [tv], ids, mask=is_last)

    base = wid * _BPW

    @pl.loop(0, _BPW // 16)
    def _emit(c):
        tv = tgt_v[pl.ds(base + c * 16, 16)]
        src_v[pl.ds(c * 16, 16)] = plsc.load_gather(win_v, [tv])

    pltpu.sync_copy(src_v, src_hbm.at[pl.ds(base, _BPW)])


def kernel(mem, W1, W2, prob, arg_idx, target_idx):
    gathered = _sc_gather(mem, arg_idx)
    src = _sc_winner(target_idx)
    new_mem0, res, p = _tc_mlp(mem, gathered, W1, W2)
    mem_ref = jax.new_ref(new_mem0)
    _sc_scatter(
        mem_ref,
        res,
        target_idx.reshape(_NW * _NCH, _SCH),
        src,
    )
    new_mem = mem_ref[...]
    new_prob = prob * p.reshape(1)
    return (new_mem, new_prob)

# --- scband reference (transcript-rebuilt; emitter-appended) ---
"""Pipeline reference for scband-assign-27419071217697 (READ-ONLY COPY).

The authoritative reference and input builder live on the scoring server;
editing this copy changes nothing except your own understanding.
"""

import jax, jax.numpy as jnp
import numpy as np

M, D, H, B = 100000, 512, 2048, 16384

def setup_inputs(seed: int = 0) -> dict:
    key = jax.random.key(seed)
    k1, k2, k3, k4, k5 = jax.random.split(key, 5)
    mem = jax.random.normal(k1, (M, D), dtype=jnp.float32)
    W1 = jax.random.normal(k2, (D, H), dtype=jnp.float32) * 0.02
    W2 = jax.random.normal(k3, (H, D), dtype=jnp.float32) * 0.02
    prob = jnp.ones((1,), dtype=jnp.float32)
    arg_idx = jax.random.randint(k4, (B,), 0, M, dtype=jnp.int32)
    target_idx = jax.random.randint(k5, (B,), 0, M, dtype=jnp.int32)
    return {"mem": mem, "W1": W1, "W2": W2, "prob": prob, "arg_idx": arg_idx, "target_idx": target_idx}

def reference(mem, W1, W2, prob, arg_idx, target_idx):
    # x.select_from_index(0, arg_idx): gather rows of the state memory
    gathered = jnp.take(mem, arg_idx, axis=0)
    # f(input): the assigned transition function (MLP), returns (res, p)
    hdn = jax.nn.relu(gathered @ W1)
    res = hdn @ W2
    p_step = jax.nn.sigmoid(jnp.mean(res))
    # x.set_from_index(target_idx, res): scatter-overwrite rows at target_idx
    new_mem = mem.at[target_idx].set(res)
    # symbol_table['probability'] = probability.mul(p)
    new_prob = prob * p_step
    return (new_mem, new_prob)

if __name__ == "__main__":
    import jax
    _d = setup_inputs()
    print(jax.jit(kernel)(*tuple(_d.values())))

</pallas_src>

<mosaic_0001>
#map = affine_map<(d0, d1) -> (0, 0)>
#map1 = affine_map<(d0, d1) -> (0)>
module attributes {stable_mosaic.version = 14 : i64} {
  func.func @_sc_gather(%arg0: i32, %arg1: i32, %arg2: memref<100000x512xf32, #tpu.memory_space<hbm>>, %arg3: memref<16384xi32, #tpu.memory_space<hbm>>, %arg4: memref<16384x512xf32, #tpu.memory_space<hbm>>, %arg5: memref<512xi32, #tpu.memory_space<vmem>>, %arg6: memref<3x64x512xf32, #tpu.memory_space<vmem>>, %arg7: memref<!tpu.dma_semaphore, #tpu.memory_space<semaphore_mem>>, %arg8: memref<!tpu.dma_semaphore, #tpu.memory_space<semaphore_mem>>, %arg9: memref<!tpu.dma_semaphore, #tpu.memory_space<semaphore_mem>>, %arg10: memref<!tpu.dma_semaphore, #tpu.memory_space<semaphore_mem>>, %arg11: memref<!tpu.dma_semaphore, #tpu.memory_space<semaphore_mem>>, %arg12: memref<!tpu.dma_semaphore, #tpu.memory_space<semaphore_mem>>) attributes {dimension_semantics = [#tpu.dimension_semantics<core_parallel>, #tpu.dimension_semantics<subcore_parallel>], iteration_bounds = array<i64: 2, 16>, scalar_prefetch = 0 : i64, scratch_operands = 8 : i64, tpu.core_type = #tpu.core_type<sc_vector_subcore>, window_params = [{transform_indices = #map}, {transform_indices = #map1}, {transform_indices = #map}]} {
    %mul3A = arith.constant 2 : i32
    %mul3A_0 = arith.muli %arg1, %mul3A : i32
    %add3A = arith.addi %mul3A_0, %arg0 : i32
    %mul3A_1 = arith.constant 512 : i32
    %mul3A_2 = arith.muli %add3A, %mul3A_1 : i32
    "tpu.region"() ({
      %run_scoped3A = tpu.sem_alloc : memref<!tpu.dma_semaphore, #tpu.memory_space<semaphore_mem>>
      %dma_start3A_401 = tpu.memref_slice %arg3[%mul3A_2] : memref<16384xi32, #tpu.memory_space<hbm>> -> memref<512xi32, #tpu.memory_space<hbm>>
      %dma_start3A_402 = tpu.memref_slice %arg3[%mul3A_2] : memref<16384xi32, #tpu.memory_space<hbm>> -> memref<512xi32, #tpu.memory_space<hbm>>
      tpu.enqueue_dma source(%dma_start3A_402 : memref<512xi32, #tpu.memory_space<hbm>>) target(%arg5 : memref<512xi32, #tpu.memory_space<vmem>>) target_semaphore(%run_scoped3A : memref<!tpu.dma_semaphore, #tpu.memory_space<semaphore_mem>>)
      %dma_wait3A_403 = tpu.memref_slice %arg3[%mul3A_2] : memref<16384xi32, #tpu.memory_space<hbm>> -> memref<512xi32, #tpu.memory_space<hbm>>
      %dma_wait3A_404 = tpu.memref_slice %arg3[%mul3A_2] : memref<16384xi32, #tpu.memory_space<hbm>> -> memref<512xi32, #tpu.memory_space<hbm>>
      tpu.wait_dma2 semaphore(%run_scoped3A : memref<!tpu.dma_semaphore, #tpu.memory_space<semaphore_mem>>) src(%dma_wait3A_404 : memref<512xi32, #tpu.memory_space<hbm>>) dst(%arg5 : memref<512xi32, #tpu.memory_space<vmem>>)
      tpu.yield
    }) : () -> ()
    %dma_start3A = arith.constant 0 : i32
    %dma_start3A_3 = arith.constant 0 : i32
    %dma_start3A_4 = arith.constant 0 : i32
    %dma_start3A_5 = tpu.memref_slice %arg6[%dma_start3A, %dma_start3A_3, %dma_start3A_4] : memref<3x64x512xf32, #tpu.memory_space<vmem>> -> memref<1x64x512xf32, #tpu.memory_space<vmem>>
    %dma_start3A_6 = tpu.memref_squeeze %dma_start3A_5 : memref<1x64x512xf32, #tpu.memory_space<vmem>> -> memref<64x512xf32, #tpu.memory_space<vmem>>
    %dma_start3A_7 = arith.constant 0 : i32
    %dma_start3A_8 = tpu.memref_slice %arg5[%dma_start3A_7] : memref<512xi32, #tpu.memory_space<vmem>> -> memref<64xi32, #tpu.memory_space<vmem>>
    %dma_start3A_9 = arith.constant 0 : i32
    %dma_start3A_10 = arith.constant 0 : i32
    %dma_start3A_11 = tpu.memref_slice %arg2[%dma_start3A_9, %dma_start3A_10] : memref<100000x512xf32, #tpu.memory_space<hbm>> -> memref<100000x512xf32, #tpu.memory_space<hbm>>
    tpu.enqueue_indirect_dma source(%dma_start3A_11 : memref<100000x512xf32, #tpu.memory_space<hbm>>) target(%dma_start3A_6 : memref<64x512xf32, #tpu.memory_space<vmem>>) offsets(%dma_start3A_8 : memref<64xi32, #tpu.memory_space<vmem>>) semaphore(%arg7 : memref<!tpu.dma_semaphore, #tpu.memory_space<semaphore_mem>>)
    %dma_start3A_12 = arith.constant 1 : i32
    %dma_start3A_13 = arith.constant 0 : i32
    %dma_start3A_14 = arith.constant 0 : i32
    %dma_start3A_15 = tpu.memref_slice %arg6[%dma_start3A_12, %dma_start3A_13, %dma_start3A_14] : memref<3x64x512xf32, #tpu.memory_space<vmem>> -> memref<1x64x512xf32, #tpu.memory_space<vmem>>
    %dma_start3A_16 = tpu.memref_squeeze %dma_start3A_15 : memref<1x64x512xf32, #tpu.memory_space<vmem>> -> memref<64x512xf32, #tpu.memory_space<vmem>>
    %dma_start3A_17 = arith.constant 64 : i32
    %dma_start3A_18 = tpu.memref_slice %arg5[%dma_start3A_17] : memref<512xi32, #tpu.memory_space<vmem>> -> memref<64xi32, #tpu.memory_space<vmem>>
    %dma_start3A_19 = arith.constant 0 : i32
    %dma_start3A_20 = arith.constant 0 : i32
    %dma_start3A_21 = tpu.memref_slice %arg2[%dma_start3A_19, %dma_start3A_20] : memref<100000x512xf32, #tpu.memory_space<hbm>> -> memref<100000x512xf32, #tpu.memory_space<hbm>>
    tpu.enqueue_indirect_dma source(%dma_start3A_21 : memref<100000x512xf32, #tpu.memory_space<hbm>>) target(%dma_start3A_16 : memref<64x512xf32, #tpu.memory_space<vmem>>) offsets(%dma_start3A_18 : memref<64xi32, #tpu.memory_space<vmem>>) semaphore(%arg8 : memref<!tpu.dma_semaphore, #tpu.memory_space<semaphore_mem>>)
    %dma_start3A_22 = arith.constant 2 : i32
    %dma_start3A_23 = arith.constant 0 : i32
    %dma_start3A_24 = arith.constant 0 : i32
    %dma_start3A_25 = tpu.memref_slice %arg6[%dma_start3A_22, %dma_start3A_23, %dma_start3A_24] : memref<3x64x512xf32, #tpu.memory_space<vmem>> -> memref<1x64x512xf32, #tpu.memory_space<vmem>>
    %dma_start3A_26 = tpu.memref_squeeze %dma_start3A_25 : memref<1x64x512xf32, #tpu.memory_space<vmem>> -> memref<64x512xf32, #tpu.memory_space<vmem>>
    %dma_start3A_27 = arith.constant 128 : i32
    %dma_start3A_28 = tpu.memref_slice %arg5[%dma_start3A_27] : memref<512xi32, #tpu.memory_space<vmem>> -> memref<64xi32, #tpu.memory_space<vmem>>
    %dma_start3A_29 = arith.constant 0 : i32
    %dma_start3A_30 = arith.constant 0 : i32
    %dma_start3A_31 = tpu.memref_slice %arg2[%dma_start3A_29, %dma_start3A_30] : memref<100000x512xf32, #tpu.memory_space<hbm>> -> memref<100000x512xf32, #tpu.memory_space<hbm>>
    tpu.enqueue_indirect_dma source(%dma_start3A_31 : memref<100000x512xf32, #tpu.memory_space<hbm>>) target(%dma_start3A_26 : memref<64x512xf32, #tpu.memory_space<vmem>>) offsets(%dma_start3A_28 : memref<64xi32, #tpu.memory_space<vmem>>) semaphore(%arg9 : memref<!tpu.dma_semaphore, #tpu.memory_space<semaphore_mem>>)
    %dma_wait3A = arith.constant 0 : i32
    %dma_wait3A_32 = arith.constant 0 : i32
    %dma_wait3A_33 = arith.constant 0 : i32
    %dma_wait3A_34 = tpu.memref_slice %arg6[%dma_wait3A, %dma_wait3A_32, %dma_wait3A_33] : memref<3x64x512xf32, #tpu.memory_space<vmem>> -> memref<1x64x512xf32, #tpu.memory_space<vmem>>
    %dma_wait3A_35 = tpu.memref_squeeze %dma_wait3A_34 : memref<1x64x512xf32, #tpu.memory_space<vmem>> -> memref<64x512xf32, #tpu.memory_space<vmem>>
    %dma_wait3A_36 = arith.constant 0 : i32
    %dma_wait3A_37 = tpu.memref_slice %arg5[%dma_wait3A_36] : memref<512xi32, #tpu.memory_space<vmem>> -> memref<64xi32, #tpu.memory_space<vmem>>
    %dma_wait3A_38 = arith.constant 0 : i32
    %dma_wait3A_39 = arith.constant 0 : i32
    %dma_wait3A_40 = tpu.memref_slice %arg2[%dma_wait3A_38, %dma_wait3A_39] : memref<100000x512xf32, #tpu.memory_space<hbm>> -> memref<100000x512xf32, #tpu.memory_space<hbm>>
    tpu.wait_indirect_dma semaphore(%arg7 : memref<!tpu.dma_semaphore, #tpu.memory_space<semaphore_mem>>) src(%dma_wait3A_40 : memref<100000x512xf32, #tpu.memory_space<hbm>>) dst(%dma_wait3A_35 : memref<64x512xf32, #tpu.memory_space<vmem>>)
    %add3A_41 = arith.constant 0 : i32
    %add3A_42 = arith.addi %mul3A_2, %add3A_41 : i32
    %dma_start3A_43 = arith.constant 0 : i32
    %dma_start3A_44 = arith.constant 0 : i32
    %dma_start3A_45 = arith.constant 0 : i32
    %dma_start3A_46 = tpu.memref_slice %arg6[%dma_start3A_43, %dma_start3A_44, %dma_start3A_45] : memref<3x64x512xf32, #tpu.memory_space<vmem>> -> memref<1x64x512xf32, #tpu.memory_space<vmem>>
    %dma_start3A_47 = tpu.memref_squeeze %dma_start3A_46 : memref<1x64x512xf32, #tpu.memory_space<vmem>> -> memref<64x512xf32, #tpu.memory_space<vmem>>
    %dma_start3A_48 = arith.constant 0 : i32
    %dma_start3A_49 = tpu.memref_slice %arg4[%add3A_42, %dma_start3A_48] : memref<16384x512xf32, #tpu.memory_space<hbm>> -> memref<64x512xf32, #tpu.memory_space<hbm>>
    %dma_start3A_50 = arith.constant 0 : i32
    %dma_start3A_51 = tpu.memref_slice %arg4[%add3A_42, %dma_start3A_50] : memref<16384x512xf32, #tpu.memory_space<hbm>> -> memref<64x512xf32, #tpu.memory_space<hbm>>
    %dma_start3A_52 = arith.constant 0 : i32
    %dma_start3A_53 = arith.constant 0 : i32
    %dma_start3A_54 = tpu.memref_slice %arg6[%dma_start3A_43, %dma_start3A_52, %dma_start3A_53] : memref<3x64x512xf32, #tpu.memory_space<vmem>> -> memref<1x64x512xf32, #tpu.memory_space<vmem>>
    %dma_start3A_55 = tpu.memref_squeeze %dma_start3A_54 : memref<1x64x512xf32, #tpu.memory_space<vmem>> -> memref<64x512xf32, #tpu.memory_space<vmem>>
    tpu.enqueue_dma source(%dma_start3A_55 : memref<64x512xf32, #tpu.memory_space<vmem>>) target(%dma_start3A_51 : memref<64x512xf32, #tpu.memory_space<hbm>>) target_semaphore(%arg10 : memref<!tpu.dma_semaphore, #tpu.memory_space<semaphore_mem>>)
    %add3A_56 = arith.constant 0 : i32
    %add3A_57 = arith.addi %mul3A_2, %add3A_56 : i32
    %dma_wait3A_58 = arith.constant 0 : i32
    %dma_wait3A_59 = arith.constant 0 : i32
    %dma_wait3A_60 = arith.constant 0 : i32
    %dma_wait3A_61 = tpu.memref_slice %arg6[%dma_wait3A_58, %dma_wait3A_59, %dma_wait3A_60] : memref<3x64x512xf32, #tpu.memory_space<vmem>> -> memref<1x64x512xf32, #tpu.memory_space<vmem>>
    %dma_wait3A_62 = tpu.memref_squeeze %dma_wait3A_61 : memref<1x64x512xf32, #tpu.memory_space<vmem>> -> memref<64x512xf32, #tpu.memory_space<vmem>>
    %dma_wait3A_63 = arith.constant 0 : i32
    %dma_wait3A_64 = tpu.memref_slice %arg4[%add3A_57, %dma_wait3A_63] : memref<16384x512xf32, #tpu.memory_space<hbm>> -> memref<64x512xf32, #tpu.memory_space<hbm>>
    %dma_wait3A_65 = arith.constant 0 : i32
    %dma_wait3A_66 = tpu.memref_slice %arg4[%add3A_57, %dma_wait3A_65] : memref<16384x512xf32, #tpu.memory_space<hbm>> -> memref<64x512xf32, #tpu.memory_space<hbm>>
    %dma_wait3A_67 = arith.constant 0 : i32
    %dma_wait3A_68 = arith.constant 0 : i32
    %dma_wait3A_69 = tpu.memref_slice %arg6[%dma_wait3A_58, %dma_wait3A_67, %dma_wait3A_68] : memref<3x64x512xf32, #tpu.memory_space<vmem>> -> memref<1x64x512xf32, #tpu.memory_space<vmem>>
    %dma_wait3A_70 = tpu.memref_squeeze %dma_wait3A_69 : memref<1x64x512xf32, #tpu.memory_space<vmem>> -> memref<64x512xf32, #tpu.memory_space<vmem>>
    tpu.wait_dma2 semaphore(%arg10 : memref<!tpu.dma_semaphore, #tpu.memory_space<semaphore_mem>>) src(%dma_wait3A_70 : memref<64x512xf32, #tpu.memory_space<vmem>>) dst(%dma_wait3A_66 : memref<64x512xf32, #tpu.memory_space<hbm>>)
    %dma_start3A_71 = arith.constant 0 : i32
    %dma_start3A_72 = arith.constant 0 : i32
    %dma_start3A_73 = arith.constant 0 : i32
    %dma_start3A_74 = tpu.memref_slice %arg6[%dma_start3A_71, %dma_start3A_72, %dma_start3A_73] : memref<3x64x512xf32, #tpu.memory_space<vmem>> -> memref<1x64x512xf32, #tpu.memory_space<vmem>>
    %dma_start3A_75 = tpu.memref_squeeze %dma_start3A_74 : memref<1x64x512xf32, #tpu.memory_space<vmem>> -> memref<64x512xf32, #tpu.memory_space<vmem>>
    %dma_start3A_76 = arith.constant 192 : i32
    %dma_start3A_77 = tpu.memref_slice %arg5[%dma_start3A_76] : memref<512xi32, #tpu.memory_space<vmem>> -> memref<64xi32, #tpu.memory_space<vmem>>
    %dma_start3A_78 = arith.constant 0 : i32
    %dma_start3A_79 = arith.constant 0 : i32
    %dma_start3A_80 = tpu.memref_slice %arg2[%dma_start3A_78, %dma_start3A_79] : memref<100000x512xf32, #tpu.memory_space<hbm>> -> memref<100000x512xf32, #tpu.memory_space<hbm>>
    tpu.enqueue_indirect_dma source(%dma_start3A_80 : memref<100000x512xf32, #tpu.memory_space<hbm>>) target(%dma_start3A_75 : memref<64x512xf32, #tpu.memory_space<vmem>>) offsets(%dma_start3A_77 : memref<64xi32, #tpu.memory_space<vmem>>) semaphore(%arg7 : memref<!tpu.dma_semaphore, #tpu.memory_space<semaphore_mem>>)
    %dma_wait3A_81 = arith.constant 1 : i32
    %dma_wait3A_82 = arith.constant 0 : i32
    %dma_wait3A_83 = arith.constant 0 : i32
    %dma_wait3A_84 = tpu.memref_slice %arg6[%dma_wait3A_81, %dma_wait3A_82, %dma_wait3A_83] : memref<3x64x512xf32, #tpu.memory_space<vmem>> -> memref<1x64x512xf32, #tpu.memory_space<vmem>>
    %dma_wait3A_85 = tpu.memref_squeeze %dma_wait3A_84 : memref<1x64x512xf32, #tpu.memory_space<vmem>> -> memref<64x512xf32, #tpu.memory_space<vmem>>
    %dma_wait3A_86 = arith.constant 64 : i32
    %dma_wait3A_87 = tpu.memref_slice %arg5[%dma_wait3A_86] : memref<512xi32, #tpu.memory_space<vmem>> -> memref<64xi32, #tpu.memory_space<vmem>>
    %dma_wait3A_88 = arith.constant 0 : i32
    %dma_wait3A_89 = arith.constant 0 : i32
    %dma_wait3A_90 = tpu.memref_slice %arg2[%dma_wait3A_88, %dma_wait3A_89] : memref<100000x512xf32, #tpu.memory_space<hbm>> -> memref<100000x512xf32, #tpu.memory_space<hbm>>
    tpu.wait_indirect_dma semaphore(%arg8 : memref<!tpu.dma_semaphore, #tpu.memory_space<semaphore_mem>>) src(%dma_wait3A_90 : memref<100000x512xf32, #tpu.memory_space<hbm>>) dst(%dma_wait3A_85 : memref<64x512xf32, #tpu.memory_space<vmem>>)
    %add3A_91 = arith.constant 64 : i32
    %add3A_92 = arith.addi %mul3A_2, %add3A_91 : i32
    %dma_start3A_93 = arith.constant 1 : i32
    %dma_start3A_94 = arith.constant 0 : i32
    %dma_start3A_95 = arith.constant 0 : i32
    %dma_start3A_96 = tpu.memref_slice %arg6[%dma_start3A_93, %dma_start3A_94, %dma_start3A_95] : memref<3x64x512xf32, #tpu.memory_space<vmem>> -> memref<1x64x512xf32, #tpu.memory_space<vmem>>
    %dma_start3A_97 = tpu.memref_squeeze %dma_start3A_96 : memref<1x64x512xf32, #tpu.memory_space<vmem>> -> memref<64x512xf32, #tpu.memory_space<vmem>>
    %dma_start3A_98 = arith.constant 0 : i32
    %dma_start3A_99 = tpu.memref_slice %arg4[%add3A_92, %dma_start3A_98] : memref<16384x512xf32, #tpu.memory_space<hbm>> -> memref<64x512xf32, #tpu.memory_space<hbm>>
    %dma_start3A_100 = arith.constant 0 : i32
    %dma_start3A_101 = tpu.memref_slice %arg4[%add3A_92, %dma_start3A_100] : memref<16384x512xf32, #tpu.memory_space<hbm>> -> memref<64x512xf32, #tpu.memory_space<hbm>>
    %dma_start3A_102 = arith.constant 0 : i32
    %dma_start3A_103 = arith.constant 0 : i32
    %dma_start3A_104 = tpu.memref_slice %arg6[%dma_start3A_93, %dma_start3A_102, %dma_start3A_103] : memref<3x64x512xf32, #tpu.memory_space<vmem>> -> memref<1x64x512xf32, #tpu.memory_space<vmem>>
    %dma_start3A_105 = tpu.memref_squeeze %dma_start3A_104 : memref<1x64x512xf32, #tpu.memory_space<vmem>> -> memref<64x512xf32, #tpu.memory_space<vmem>>
    tpu.enqueue_dma source(%dma_start3A_105 : memref<64x512xf32, #tpu.memory_space<vmem>>) target(%dma_start3A_101 : memref<64x512xf32, #tpu.memory_space<hbm>>) target_semaphore(%arg11 : memref<!tpu.dma_semaphore, #tpu.memory_space<semaphore_mem>>)
    %add3A_106 = arith.constant 64 : i32
    %add3A_107 = arith.addi %mul3A_2, %add3A_106 : i32
    %dma_wait3A_108 = arith.constant 1 : i32
    %dma_wait3A_109 = arith.constant 0 : i32
    %dma_wait3A_110 = arith.constant 0 : i32
    %dma_wait3A_111 = tpu.memref_slice %arg6[%dma_wait3A_108, %dma_wait3A_109, %dma_wait3A_110] : memref<3x64x512xf32, #tpu.memory_space<vmem>> -> memref<1x64x512xf32, #tpu.memory_space<vmem>>
    %dma_wait3A_112 = tpu.memref_squeeze %dma_wait3A_111 : memref<1x64x512xf32, #tpu.memory_space<vmem>> -> memref<64x512xf32, #tpu.memory_space<vmem>>
    %dma_wait3A_113 = arith.constant 0 : i32
    %dma_wait3A_114 = tpu.memref_slice %arg4[%add3A_107, %dma_wait3A_113] : memref<16384x512xf32, #tpu.memory_space<hbm>> -> memref<64x512xf32, #tpu.memory_space<hbm>>
    %dma_wait3A_115 = arith.constant 0 : i32
    %dma_wait3A_116 = tpu.memref_slice %arg4[%add3A_107, %dma_wait3A_115] : memref<16384x512xf32, #tpu.memory_space<hbm>> -> memref<64x512xf32, #tpu.memory_space<hbm>>
    %dma_wait3A_117 = arith.constant 0 : i32
    %dma_wait3A_118 = arith.constant 0 : i32
    %dma_wait3A_119 = tpu.memref_slice %arg6[%dma_wait3A_108, %dma_wait3A_117, %dma_wait3A_118] : memref<3x64x512xf32, #tpu.memory_space<vmem>> -> memref<1x64x512xf32, #tpu.memory_space<vmem>>
    %dma_wait3A_120 = tpu.memref_squeeze %dma_wait3A_119 : memref<1x64x512xf32, #tpu.memory_space<vmem>> -> memref<64x512xf32, #tpu.memory_space<vmem>>
    tpu.wait_dma2 semaphore(%arg11 : memref<!tpu.dma_semaphore, #tpu.memory_space<semaphore_mem>>) src(%dma_wait3A_120 : memref<64x512xf32, #tpu.memory_space<vmem>>) dst(%dma_wait3A_116 : memref<64x512xf32, #tpu.memory_space<hbm>>)
    %dma_start3A_121 = arith.constant 1 : i32
    %dma_start3A_122 = arith.constant 0 : i32
    %dma_start3A_123 = arith.constant 0 : i32
    %dma_start3A_124 = tpu.memref_slice %arg6[%dma_start3A_121, %dma_start3A_122, %dma_start3A_123] : memref<3x64x512xf32, #tpu.memory_space<vmem>> -> memref<1x64x512xf32, #tpu.memory_space<vmem>>
    %dma_start3A_125 = tpu.memref_squeeze %dma_start3A_124 : memref<1x64x512xf32, #tpu.memory_space<vmem>> -> memref<64x512xf32, #tpu.memory_space<vmem>>
    %dma_start3A_126 = arith.constant 256 : i32
    %dma_start3A_127 = tpu.memref_slice %arg5[%dma_start3A_126] : memref<512xi32, #tpu.memory_space<vmem>> -> memref<64xi32, #tpu.memory_space<vmem>>
    %dma_start3A_128 = arith.constant 0 : i32
    %dma_start3A_129 = arith.constant 0 : i32
    %dma_start3A_130 = tpu.memref_slice %arg2[%dma_start3A_128, %dma_start3A_129] : memref<100000x512xf32, #tpu.memory_space<hbm>> -> memref<100000x512xf32, #tpu.memory_space<hbm>>
    tpu.enqueue_indirect_dma source(%dma_start3A_130 : memref<100000x512xf32, #tpu.memory_space<hbm>>) target(%dma_start3A_125 : memref<64x512xf32, #tpu.memory_space<vmem>>) offsets(%dma_start3A_127 : memref<64xi32, #tpu.memory_space<vmem>>) semaphore(%arg8 : memref<!tpu.dma_semaphore, #tpu.memory_space<semaphore_mem>>)
    %dma_wait3A_131 = arith.constant 2 : i32
    %dma_wait3A_132 = arith.constant 0 : i32
    %dma_wait3A_133 = arith.constant 0 : i32
    %dma_wait3A_134 = tpu.memref_slice %arg6[%dma_wait3A_131, %dma_wait3A_132, %dma_wait3A_133] : memref<3x64x512xf32, #tpu.memory_space<vmem>> -> memref<1x64x512xf32, #tpu.memory_space<vmem>>
    %dma_wait3A_135 = tpu.memref_squeeze %dma_wait3A_134 : memref<1x64x512xf32, #tpu.memory_space<vmem>> -> memref<64x512xf32, #tpu.memory_space<vmem>>
    %dma_wait3A_136 = arith.constant 128 : i32
    %dma_wait3A_137 = tpu.memref_slice %arg5[%dma_wait3A_136] : memref<512xi32, #tpu.memory_space<vmem>> -> memref<64xi32, #tpu.memory_space<vmem>>
    %dma_wait3A_138 = arith.constant 0 : i32
    %dma_wait3A_139 = arith.constant 0 : i32
    %dma_wait3A_140 = tpu.memref_slice %arg2[%dma_wait3A_138, %dma_wait3A_139] : memref<100000x512xf32, #tpu.memory_space<hbm>> -> memref<100000x512xf32, #tpu.memory_space<hbm>>
    tpu.wait_indirect_dma semaphore(%arg9 : memref<!tpu.dma_semaphore, #tpu.memory_space<semaphore_mem>>) src(%dma_wait3A_140 : memref<100000x512xf32, #tpu.memory_space<hbm>>) dst(%dma_wait3A_135 : memref<64x512xf32, #tpu.memory_space<vmem>>)
    %add3A_141 = arith.constant 128 : i32
    %add3A_142 = arith.addi %mul3A_2, %add3A_141 : i32
    %dma_start3A_143 = arith.constant 2 : i32
    %dma_start3A_144 = arith.constant 0 : i32
    %dma_start3A_145 = arith.constant 0 : i32
    %dma_start3A_146 = tpu.memref_slice %arg6[%dma_start3A_143, %dma_start3A_144, %dma_start3A_145] : memref<3x64x512xf32, #tpu.memory_space<vmem>> -> memref<1x64x512xf32, #tpu.memory_space<vmem>>
    %dma_start3A_147 = tpu.memref_squeeze %dma_start3A_146 : memref<1x64x512xf32, #tpu.memory_space<vmem>> -> memref<64x512xf32, #tpu.memory_space<vmem>>
    %dma_start3A_148 = arith.constant 0 : i32
    %dma_start3A_149 = tpu.memref_slice %arg4[%add3A_142, %dma_start3A_148] : memref<16384x512xf32, #tpu.memory_space<hbm>> -> memref<64x512xf32, #tpu.memory_space<hbm>>
    %dma_start3A_150 = arith.constant 0 : i32
    %dma_start3A_151 = tpu.memref_slice %arg4[%add3A_142, %dma_start3A_150] : memref<16384x512xf32, #tpu.memory_space<hbm>> -> memref<64x512xf32, #tpu.memory_space<hbm>>
    %dma_start3A_152 = arith.constant 0 : i32
    %dma_start3A_153 = arith.constant 0 : i32
    %dma_start3A_154 = tpu.memref_slice %arg6[%dma_start3A_143, %dma_start3A_152, %dma_start3A_153] : memref<3x64x512xf32, #tpu.memory_space<vmem>> -> memref<1x64x512xf32, #tpu.memory_space<vmem>>
    %dma_start3A_155 = tpu.memref_squeeze %dma_start3A_154 : memref<1x64x512xf32, #tpu.memory_space<vmem>> -> memref<64x512xf32, #tpu.memory_space<vmem>>
    tpu.enqueue_dma source(%dma_start3A_155 : memref<64x512xf32, #tpu.memory_space<vmem>>) target(%dma_start3A_151 : memref<64x512xf32, #tpu.memory_space<hbm>>) target_semaphore(%arg12 : memref<!tpu.dma_semaphore, #tpu.memory_space<semaphore_mem>>)
    %add3A_156 = arith.constant 128 : i32
    %add3A_157 = arith.addi %mul3A_2, %add3A_156 : i32
    %dma_wait3A_158 = arith.constant 2 : i32
    %dma_wait3A_159 = arith.constant 0 : i32
    %dma_wait3A_160 = arith.constant 0 : i32
    %dma_wait3A_161 = tpu.memref_slice %arg6[%dma_wait3A_158, %dma_wait3A_159, %dma_wait3A_160] : memref<3x64x512xf32, #tpu.memory_space<vmem>> -> memref<1x64x512xf32, #tpu.memory_space<vmem>>
    %dma_wait3A_162 = tpu.memref_squeeze %dma_wait3A_161 : memref<1x64x512xf32, #tpu.memory_space<vmem>> -> memref<64x512xf32, #tpu.memory_space<vmem>>
    %dma_wait3A_163 = arith.constant 0 : i32
    %dma_wait3A_164 = tpu.memref_slice %arg4[%add3A_157, %dma_wait3A_163] : memref<16384x512xf32, #tpu.memory_space<hbm>> -> memref<64x512xf32, #tpu.memory_space<hbm>>
    %dma_wait3A_165 = arith.constant 0 : i32
    %dma_wait3A_166 = tpu.memref_slice %arg4[%add3A_157, %dma_wait3A_165] : memref<16384x512xf32, #tpu.memory_space<hbm>> -> memref<64x512xf32, #tpu.memory_space<hbm>>
    %dma_wait3A_167 = arith.constant 0 : i32
    %dma_wait3A_168 = arith.constant 0 : i32
    %dma_wait3A_169 = tpu.memref_slice %arg6[%dma_wait3A_158, %dma_wait3A_167, %dma_wait3A_168] : memref<3x64x512xf32, #tpu.memory_space<vmem>> -> memref<1x64x512xf32, #tpu.memory_space<vmem>>
    %dma_wait3A_170 = tpu.memref_squeeze %dma_wait3A_169 : memref<1x64x512xf32, #tpu.memory_space<vmem>> -> memref<64x512xf32, #tpu.memory_space<vmem>>
    tpu.wait_dma2 semaphore(%arg12 : memref<!tpu.dma_semaphore, #tpu.memory_space<semaphore_mem>>) src(%dma_wait3A_170 : memref<64x512xf32, #tpu.memory_space<vmem>>) dst(%dma_wait3A_166 : memref<64x512xf32, #tpu.memory_space<hbm>>)
    %dma_start3A_171 = arith.constant 2 : i32
    %dma_start3A_172 = arith.constant 0 : i32
    %dma_start3A_173 = arith.constant 0 : i32
    %dma_start3A_174 = tpu.memref_slice %arg6[%dma_start3A_171, %dma_start3A_172, %dma_start3A_173] : memref<3x64x512xf32, #tpu.memory_space<vmem>> -> memref<1x64x512xf32, #tpu.memory_space<vmem>>
    %dma_start3A_175 = tpu.memref_squeeze %dma_start3A_174 : memref<1x64x512xf32, #tpu.memory_space<vmem>> -> memref<64x512xf32, #tpu.memory_space<vmem>>
    %dma_start3A_176 = arith.constant 320 : i32
    %dma_start3A_177 = tpu.memref_slice %arg5[%dma_start3A_176] : memref<512xi32, #tpu.memory_space<vmem>> -> memref<64xi32, #tpu.memory_space<vmem>>
    %dma_start3A_178 = arith.constant 0 : i32
    %dma_start3A_179 = arith.constant 0 : i32
    %dma_start3A_180 = tpu.memref_slice %arg2[%dma_start3A_178, %dma_start3A_179] : memref<100000x512xf32, #tpu.memory_space<hbm>> -> memref<100000x512xf32, #tpu.memory_space<hbm>>
    tpu.enqueue_indirect_dma source(%dma_start3A_180 : memref<100000x512xf32, #tpu.memory_space<hbm>>) target(%dma_start3A_175 : memref<64x512xf32, #tpu.memory_space<vmem>>) offsets(%dma_start3A_177 : memref<64xi32, #tpu.memory_space<vmem>>) semaphore(%arg9 : memref<!tpu.dma_semaphore, #tpu.memory_space<semaphore_mem>>)
    %dma_wait3A_181 = arith.constant 0 : i32
    %dma_wait3A_182 = arith.constant 0 : i32
    %dma_wait3A_183 = arith.constant 0 : i32
    %dma_wait3A_184 = tpu.memref_slice %arg6[%dma_wait3A_181, %dma_wait3A_182, %dma_wait3A_183] : memref<3x64x512xf32, #tpu.memory_space<vmem>> -> memref<1x64x512xf32, #tpu.memory_space<vmem>>
    %dma_wait3A_185 = tpu.memref_squeeze %dma_wait3A_184 : memref<1x64x512xf32, #tpu.memory_space<vmem>> -> memref<64x512xf32, #tpu.memory_space<vmem>>
    %dma_wait3A_186 = arith.constant 192 : i32
    %dma_wait3A_187 = tpu.memref_slice %arg5[%dma_wait3A_186] : memref<512xi32, #tpu.memory_space<vmem>> -> memref<64xi32, #tpu.memory_space<vmem>>
    %dma_wait3A_188 = arith.constant 0 : i32
    %dma_wait3A_189 = arith.constant 0 : i32
    %dma_wait3A_190 = tpu.memref_slice %arg2[%dma_wait3A_188, %dma_wait3A_189] : memref<100000x512xf32, #tpu.memory_space<hbm>> -> memref<100000x512xf32, #tpu.memory_space<hbm>>
    tpu.wait_indirect_dma semaphore(%arg7 : memref<!tpu.dma_semaphore, #tpu.memory_space<semaphore_mem>>) src(%dma_wait3A_190 : memref<100000x512xf32, #tpu.memory_space<hbm>>) dst(%dma_wait3A_185 : memref<64x512xf32, #tpu.memory_space<vmem>>)
    %add3A_191 = arith.constant 192 : i32
    %add3A_192 = arith.addi %mul3A_2, %add3A_191 : i32
    %dma_start3A_193 = arith.constant 0 : i32
    %dma_start3A_194 = arith.constant 0 : i32
    %dma_start3A_195 = arith.constant 0 : i32
    %dma_start3A_196 = tpu.memref_slice %arg6[%dma_start3A_193, %dma_start3A_194, %dma_start3A_195] : memref<3x64x512xf32, #tpu.memory_space<vmem>> -> memref<1x64x512xf32, #tpu.memory_space<vmem>>
    %dma_start3A_197 = tpu.memref_squeeze %dma_start3A_196 : memref<1x64x512xf32, #tpu.memory_space<vmem>> -> memref<64x512xf32, #tpu.memory_space<vmem>>
    %dma_start3A_198 = arith.constant 0 : i32
    %dma_start3A_199 = tpu.memref_slice %arg4[%add3A_192, %dma_start3A_198] : memref<16384x512xf32, #tpu.memory_space<hbm>> -> memref<64x512xf32, #tpu.memory_space<hbm>>
    %dma_start3A_200 = arith.constant 0 : i32
    %dma_start3A_201 = tpu.memref_slice %arg4[%add3A_192, %dma_start3A_200] : memref<16384x512xf32, #tpu.memory_space<hbm>> -> memref<64x512xf32, #tpu.memory_space<hbm>>
    %dma_start3A_202 = arith.constant 0 : i32
    %dma_start3A_203 = arith.constant 0 : i32
    %dma_start3A_204 = tpu.memref_slice %arg6[%dma_start3A_193, %dma_start3A_202, %dma_start3A_203] : memref<3x64x512xf32, #tpu.memory_space<vmem>> -> memref<1x64x512xf32, #tpu.memory_space<vmem>>
    %dma_start3A_205 = tpu.memref_squeeze %dma_start3A_204 : memref<1x64x512xf32, #tpu.memory_space<vmem>> -> memref<64x512xf32, #tpu.memory_space<vmem>>
    tpu.enqueue_dma source(%dma_start3A_205 : memref<64x512xf32, #tpu.memory_space<vmem>>) target(%dma_start3A_201 : memref<64x512xf32, #tpu.memory_space<hbm>>) target_semaphore(%arg10 : memref<!tpu.dma_semaphore, #tpu.memory_space<semaphore_mem>>)
    %add3A_206 = arith.constant 192 : i32
    %add3A_207 = arith.addi %mul3A_2, %add3A_206 : i32
    %dma_wait3A_208 = arith.constant 0 : i32
    %dma_wait3A_209 = arith.constant 0 : i32
    %dma_wait3A_210 = arith.constant 0 : i32
    %dma_wait3A_211 = tpu.memref_slice %arg6[%dma_wait3A_208, %dma_wait3A_209, %dma_wait3A_210] : memref<3x64x512xf32, #tpu.memory_space<vmem>> -> memref<1x64x512xf32, #tpu.memory_space<vmem>>
    %dma_wait3A_212 = tpu.memref_squeeze %dma_wait3A_211 : memref<1x64x512xf32, #tpu.memory_space<vmem>> -> memref<64x512xf32, #tpu.memory_space<vmem>>
    %dma_wait3A_213 = arith.constant 0 : i32
    %dma_wait3A_214 = tpu.memref_slice %arg4[%add3A_207, %dma_wait3A_213] : memref<16384x512xf32, #tpu.memory_space<hbm>> -> memref<64x512xf32, #tpu.memory_space<hbm>>
    %dma_wait3A_215 = arith.constant 0 : i32
    %dma_wait3A_216 = tpu.memref_slice %arg4[%add3A_207, %dma_wait3A_215] : memref<16384x512xf32, #tpu.memory_space<hbm>> -> memref<64x512xf32, #tpu.memory_space<hbm>>
    %dma_wait3A_217 = arith.constant 0 : i32
    %dma_wait3A_218 = arith.constant 0 : i32
    %dma_wait3A_219 = tpu.memref_slice %arg6[%dma_wait3A_208, %dma_wait3A_217, %dma_wait3A_218] : memref<3x64x512xf32, #tpu.memory_space<vmem>> -> memref<1x64x512xf32, #tpu.memory_space<vmem>>
    %dma_wait3A_220 = tpu.memref_squeeze %dma_wait3A_219 : memref<1x64x512xf32, #tpu.memory_space<vmem>> -> memref<64x512xf32, #tpu.memory_space<vmem>>
    tpu.wait_dma2 semaphore(%arg10 : memref<!tpu.dma_semaphore, #tpu.memory_space<semaphore_mem>>) src(%dma_wait3A_220 : memref<64x512xf32, #tpu.memory_space<vmem>>) dst(%dma_wait3A_216 : memref<64x512xf32, #tpu.memory_space<hbm>>)
    %dma_start3A_221 = arith.constant 0 : i32
    %dma_start3A_222 = arith.constant 0 : i32
    %dma_start3A_223 = arith.constant 0 : i32
    %dma_start3A_224 = tpu.memref_slice %arg6[%dma_start3A_221, %dma_start3A_222, %dma_start3A_223] : memref<3x64x512xf32, #tpu.memory_space<vmem>> -> memref<1x64x512xf32, #tpu.memory_space<vmem>>
    %dma_start3A_225 = tpu.memref_squeeze %dma_start3A_224 : memref<1x64x512xf32, #tpu.memory_space<vmem>> -> memref<64x512xf32, #tpu.memory_space<vmem>>
    %dma_start3A_226 = arith.constant 384 : i32
    %dma_start3A_227 = tpu.memref_slice %arg5[%dma_start3A_226] : memref<512xi32, #tpu.memory_space<vmem>> -> memref<64xi32, #tpu.memory_space<vmem>>
    %dma_start3A_228 = arith.constant 0 : i32
    %dma_start3A_229 = arith.constant 0 : i32
    %dma_start3A_230 = tpu.memref_slice %arg2[%dma_start3A_228, %dma_start3A_229] : memref<100000x512xf32, #tpu.memory_space<hbm>> -> memref<100000x512xf32, #tpu.memory_space<hbm>>
    tpu.enqueue_indirect_dma source(%dma_start3A_230 : memref<100000x512xf32, #tpu.memory_space<hbm>>) target(%dma_start3A_225 : memref<64x512xf32, #tpu.memory_space<vmem>>) offsets(%dma_start3A_227 : memref<64xi32, #tpu.memory_space<vmem>>) semaphore(%arg7 : memref<!tpu.dma_semaphore, #tpu.memory_space<semaphore_mem>>)
    %dma_wait3A_231 = arith.constant 1 : i32
    %dma_wait3A_232 = arith.constant 0 : i32
    %dma_wait3A_233 = arith.constant 0 : i32
    %dma_wait3A_234 = tpu.memref_slice %arg6[%dma_wait3A_231, %dma_wait3A_232, %dma_wait3A_233] : memref<3x64x512xf32, #tpu.memory_space<vmem>> -> memref<1x64x512xf32, #tpu.memory_space<vmem>>
    %dma_wait3A_235 = tpu.memref_squeeze %dma_wait3A_234 : memref<1x64x512xf32, #tpu.memory_space<vmem>> -> memref<64x512xf32, #tpu.memory_space<vmem>>
    %dma_wait3A_236 = arith.constant 256 : i32
    %dma_wait3A_237 = tpu.memref_slice %arg5[%dma_wait3A_236] : memref<512xi32, #tpu.memory_space<vmem>> -> memref<64xi32, #tpu.memory_space<vmem>>
    %dma_wait3A_238 = arith.constant 0 : i32
    %dma_wait3A_239 = arith.constant 0 : i32
    %dma_wait3A_240 = tpu.memref_slice %arg2[%dma_wait3A_238, %dma_wait3A_239] : memref<100000x512xf32, #tpu.memory_space<hbm>> -> memref<100000x512xf32, #tpu.memory_space<hbm>>
    tpu.wait_indirect_dma semaphore(%arg8 : memref<!tpu.dma_semaphore, #tpu.memory_space<semaphore_mem>>) src(%dma_wait3A_240 : memref<100000x512xf32, #tpu.memory_space<hbm>>) dst(%dma_wait3A_235 : memref<64x512xf32, #tpu.memory_space<vmem>>)
    %add3A_241 = arith.constant 256 : i32
    %add3A_242 = arith.addi %mul3A_2, %add3A_241 : i32
    %dma_start3A_243 = arith.constant 1 : i32
    %dma_start3A_244 = arith.constant 0 : i32
    %dma_start3A_245 = arith.constant 0 : i32
    %dma_start3A_246 = tpu.memref_slice %arg6[%dma_start3A_243, %dma_start3A_244, %dma_start3A_245] : memref<3x64x512xf32, #tpu.memory_space<vmem>> -> memref<1x64x512xf32, #tpu.memory_space<vmem>>
    %dma_start3A_247 = tpu.memref_squeeze %dma_start3A_246 : memref<1x64x512xf32, #tpu.memory_space<vmem>> -> memref<64x512xf32, #tpu.memory_space<vmem>>
    %dma_start3A_248 = arith.constant 0 : i32
    %dma_start3A_249 = tpu.memref_slice %arg4[%add3A_242, %dma_start3A_248] : memref<16384x512xf32, #tpu.memory_space<hbm>> -> memref<64x512xf32, #tpu.memory_space<hbm>>
    %dma_start3A_250 = arith.constant 0 : i32
    %dma_start3A_251 = tpu.memref_slice %arg4[%add3A_242, %dma_start3A_250] : memref<16384x512xf32, #tpu.memory_space<hbm>> -> memref<64x512xf32, #tpu.memory_space<hbm>>
    %dma_start3A_252 = arith.constant 0 : i32
    %dma_start3A_253 = arith.constant 0 : i32
    %dma_start3A_254 = tpu.memref_slice %arg6[%dma_start3A_243, %dma_start3A_252, %dma_start3A_253] : memref<3x64x512xf32, #tpu.memory_space<vmem>> -> memref<1x64x512xf32, #tpu.memory_space<vmem>>
    %dma_start3A_255 = tpu.memref_squeeze %dma_start3A_254 : memref<1x64x512xf32, #tpu.memory_space<vmem>> -> memref<64x512xf32, #tpu.memory_space<vmem>>
    tpu.enqueue_dma source(%dma_start3A_255 : memref<64x512xf32, #tpu.memory_space<vmem>>) target(%dma_start3A_251 : memref<64x512xf32, #tpu.memory_space<hbm>>) target_semaphore(%arg11 : memref<!tpu.dma_semaphore, #tpu.memory_space<semaphore_mem>>)
    %add3A_256 = arith.constant 256 : i32
    %add3A_257 = arith.addi %mul3A_2, %add3A_256 : i32
    %dma_wait3A_258 = arith.constant 1 : i32
    %dma_wait3A_259 = arith.constant 0 : i32
    %dma_wait3A_260 = arith.constant 0 : i32
    %dma_wait3A_261 = tpu.memref_slice %arg6[%dma_wait3A_258, %dma_wait3A_259, %dma_wait3A_260] : memref<3x64x512xf32, #tpu.memory_space<vmem>> -> memref<1x64x512xf32, #tpu.memory_space<vmem>>
    %dma_wait3A_262 = tpu.memref_squeeze %dma_wait3A_261 : memref<1x64x512xf32, #tpu.memory_space<vmem>> -> memref<64x512xf32, #tpu.memory_space<vmem>>
    %dma_wait3A_263 = arith.constant 0 : i32
    %dma_wait3A_264 = tpu.memref_slice %arg4[%add3A_257, %dma_wait3A_263] : memref<16384x512xf32, #tpu.memory_space<hbm>> -> memref<64x512xf32, #tpu.memory_space<hbm>>
    %dma_wait3A_265 = arith.constant 0 : i32
    %dma_wait3A_266 = tpu.memref_slice %arg4[%add3A_257, %dma_wait3A_265] : memref<16384x512xf32, #tpu.memory_space<hbm>> -> memref<64x512xf32, #tpu.memory_space<hbm>>
    %dma_wait3A_267 = arith.constant 0 : i32
    %dma_wait3A_268 = arith.constant 0 : i32
    %dma_wait3A_269 = tpu.memref_slice %arg6[%dma_wait3A_258, %dma_wait3A_267, %dma_wait3A_268] : memref<3x64x512xf32, #tpu.memory_space<vmem>> -> memref<1x64x512xf32, #tpu.memory_space<vmem>>
    %dma_wait3A_270 = tpu.memref_squeeze %dma_wait3A_269 : memref<1x64x512xf32, #tpu.memory_space<vmem>> -> memref<64x512xf32, #tpu.memory_space<vmem>>
    tpu.wait_dma2 semaphore(%arg11 : memref<!tpu.dma_semaphore, #tpu.memory_space<semaphore_mem>>) src(%dma_wait3A_270 : memref<64x512xf32, #tpu.memory_space<vmem>>) dst(%dma_wait3A_266 : memref<64x512xf32, #tpu.memory_space<hbm>>)
    %dma_start3A_271 = arith.constant 1 : i32
    %dma_start3A_272 = arith.constant 0 : i32
    %dma_start3A_273 = arith.constant 0 : i32
    %dma_start3A_274 = tpu.memref_slice %arg6[%dma_start3A_271, %dma_start3A_272, %dma_start3A_273] : memref<3x64x512xf32, #tpu.memory_space<vmem>> -> memref<1x64x512xf32, #tpu.memory_space<vmem>>
    %dma_start3A_275 = tpu.memref_squeeze %dma_start3A_274 : memref<1x64x512xf32, #tpu.memory_space<vmem>> -> memref<64x512xf32, #tpu.memory_space<vmem>>
    %dma_start3A_276 = arith.constant 448 : i32
    %dma_start3A_277 = tpu.memref_slice %arg5[%dma_start3A_276] : memref<512xi32, #tpu.memory_space<vmem>> -> memref<64xi32, #tpu.memory_space<vmem>>
    %dma_start3A_278 = arith.constant 0 : i32
    %dma_start3A_279 = arith.constant 0 : i32
    %dma_start3A_280 = tpu.memref_slice %arg2[%dma_start3A_278, %dma_start3A_279] : memref<100000x512xf32, #tpu.memory_space<hbm>> -> memref<100000x512xf32, #tpu.memory_space<hbm>>
    tpu.enqueue_indirect_dma source(%dma_start3A_280 : memref<100000x512xf32, #tpu.memory_space<hbm>>) target(%dma_start3A_275 : memref<64x512xf32, #tpu.memory_space<vmem>>) offsets(%dma_start3A_277 : memref<64xi32, #tpu.memory_space<vmem>>) semaphore(%arg8 : memref<!tpu.dma_semaphore, #tpu.memory_space<semaphore_mem>>)
    %dma_wait3A_281 = arith.constant 2 : i32
    %dma_wait3A_282 = arith.constant 0 : i32
    %dma_wait3A_283 = arith.constant 0 : i32
    %dma_wait3A_284 = tpu.memref_slice %arg6[%dma_wait3A_281, %dma_wait3A_282, %dma_wait3A_283] : memref<3x64x512xf32, #tpu.memory_space<vmem>> -> memref<1x64x512xf32, #tpu.memory_space<vmem>>
    %dma_wait3A_285 = tpu.memref_squeeze %dma_wait3A_284 : memref<1x64x512xf32, #tpu.memory_space<vmem>> -> memref<64x512xf32, #tpu.memory_space<vmem>>
    %dma_wait3A_286 = arith.constant 320 : i32
    %dma_wait3A_287 = tpu.memref_slice %arg5[%dma_wait3A_286] : memref<512xi32, #tpu.memory_space<vmem>> -> memref<64xi32, #tpu.memory_space<vmem>>
    %dma_wait3A_288 = arith.constant 0 : i32
    %dma_wait3A_289 = arith.constant 0 : i32
    %dma_wait3A_290 = tpu.memref_slice %arg2[%dma_wait3A_288, %dma_wait3A_289] : memref<100000x512xf32, #tpu.memory_space<hbm>> -> memref<100000x512xf32, #tpu.memory_space<hbm>>
    tpu.wait_indirect_dma semaphore(%arg9 : memref<!tpu.dma_semaphore, #tpu.memory_space<semaphore_mem>>) src(%dma_wait3A_290 : memref<100000x512xf32, #tpu.memory_space<hbm>>) dst(%dma_wait3A_285 : memref<64x512xf32, #tpu.memory_space<vmem>>)
    %add3A_291 = arith.constant 320 : i32
    %add3A_292 = arith.addi %mul3A_2, %add3A_291 : i32
    %dma_start3A_293 = arith.constant 2 : i32
    %dma_start3A_294 = arith.constant 0 : i32
    %dma_start3A_295 = arith.constant 0 : i32
    %dma_start3A_296 = tpu.memref_slice %arg6[%dma_start3A_293, %dma_start3A_294, %dma_start3A_295] : memref<3x64x512xf32, #tpu.memory_space<vmem>> -> memref<1x64x512xf32, #tpu.memory_space<vmem>>
    %dma_start3A_297 = tpu.memref_squeeze %dma_start3A_296 : memref<1x64x512xf32, #tpu.memory_space<vmem>> -> memref<64x512xf32, #tpu.memory_space<vmem>>
    %dma_start3A_298 = arith.constant 0 : i32
    %dma_start3A_299 = tpu.memref_slice %arg4[%add3A_292, %dma_start3A_298] : memref<16384x512xf32, #tpu.memory_space<hbm>> -> memref<64x512xf32, #tpu.memory_space<hbm>>
    %dma_start3A_300 = arith.constant 0 : i32
    %dma_start3A_301 = tpu.memref_slice %arg4[%add3A_292, %dma_start3A_300] : memref<16384x512xf32, #tpu.memory_space<hbm>> -> memref<64x512xf32, #tpu.memory_space<hbm>>
    %dma_start3A_302 = arith.constant 0 : i32
    %dma_start3A_303 = arith.constant 0 : i32
    %dma_start3A_304 = tpu.memref_slice %arg6[%dma_start3A_293, %dma_start3A_302, %dma_start3A_303] : memref<3x64x512xf32, #tpu.memory_space<vmem>> -> memref<1x64x512xf32, #tpu.memory_space<vmem>>
    %dma_start3A_305 = tpu.memref_squeeze %dma_start3A_304 : memref<1x64x512xf32, #tpu.memory_space<vmem>> -> memref<64x512xf32, #tpu.memory_space<vmem>>
    tpu.enqueue_dma source(%dma_start3A_305 : memref<64x512xf32, #tpu.memory_space<vmem>>) target(%dma_start3A_301 : memref<64x512xf32, #tpu.memory_space<hbm>>) target_semaphore(%arg12 : memref<!tpu.dma_semaphore, #tpu.memory_space<semaphore_mem>>)
    %dma_wait3A_306 = arith.constant 0 : i32
    %dma_wait3A_307 = arith.constant 0 : i32
    %dma_wait3A_308 = arith.constant 0 : i32
    %dma_wait3A_309 = tpu.memref_slice %arg6[%dma_wait3A_306, %dma_wait3A_307, %dma_wait3A_308] : memref<3x64x512xf32, #tpu.memory_space<vmem>> -> memref<1x64x512xf32, #tpu.memory_space<vmem>>
    %dma_wait3A_310 = tpu.memref_squeeze %dma_wait3A_309 : memref<1x64x512xf32, #tpu.memory_space<vmem>> -> memref<64x512xf32, #tpu.memory_space<vmem>>
    %dma_wait3A_311 = arith.constant 384 : i32
    %dma_wait3A_312 = tpu.memref_slice %arg5[%dma_wait3A_311] : memref<512xi32, #tpu.memory_space<vmem>> -> memref<64xi32, #tpu.memory_space<vmem>>
    %dma_wait3A_313 = arith.constant 0 : i32
    %dma_wait3A_314 = arith.constant 0 : i32
    %dma_wait3A_315 = tpu.memref_slice %arg2[%dma_wait3A_313, %dma_wait3A_314] : memref<100000x512xf32, #tpu.memory_space<hbm>> -> memref<100000x512xf32, #tpu.memory_space<hbm>>
    tpu.wait_indirect_dma semaphore(%arg7 : memref<!tpu.dma_semaphore, #tpu.memory_space<semaphore_mem>>) src(%dma_wait3A_315 : memref<100000x512xf32, #tpu.memory_space<hbm>>) dst(%dma_wait3A_310 : memref<64x512xf32, #tpu.memory_space<vmem>>)
    %add3A_316 = arith.constant 384 : i32
    %add3A_317 = arith.addi %mul3A_2, %add3A_316 : i32
    %dma_start3A_318 = arith.constant 0 : i32
    %dma_start3A_319 = arith.constant 0 : i32
    %dma_start3A_320 = arith.constant 0 : i32
    %dma_start3A_321 = tpu.memref_slice %arg6[%dma_start3A_318, %dma_start3A_319, %dma_start3A_320] : memref<3x64x512xf32, #tpu.memory_space<vmem>> -> memref<1x64x512xf32, #tpu.memory_space<vmem>>
    %dma_start3A_322 = tpu.memref_squeeze %dma_start3A_321 : memref<1x64x512xf32, #tpu.memory_space<vmem>> -> memref<64x512xf32, #tpu.memory_space<vmem>>
    %dma_start3A_323 = arith.constant 0 : i32
    %dma_start3A_324 = tpu.memref_slice %arg4[%add3A_317, %dma_start3A_323] : memref<16384x512xf32, #tpu.memory_space<hbm>> -> memref<64x512xf32, #tpu.memory_space<hbm>>
    %dma_start3A_325 = arith.constant 0 : i32
    %dma_start3A_326 = tpu.memref_slice %arg4[%add3A_317, %dma_start3A_325] : memref<16384x512xf32, #tpu.memory_space<hbm>> -> memref<64x512xf32, #tpu.memory_space<hbm>>
    %dma_start3A_327 = arith.constant 0 : i32
    %dma_start3A_328 = arith.constant 0 : i32
    %dma_start3A_329 = tpu.memref_slice %arg6[%dma_start3A_318, %dma_start3A_327, %dma_start3A_328] : memref<3x64x512xf32, #tpu.memory_space<vmem>> -> memref<1x64x512xf32, #tpu.memory_space<vmem>>
    %dma_start3A_330 = tpu.memref_squeeze %dma_start3A_329 : memref<1x64x512xf32, #tpu.memory_space<vmem>> -> memref<64x512xf32, #tpu.memory_space<vmem>>
    tpu.enqueue_dma source(%dma_start3A_330 : memref<64x512xf32, #tpu.memory_space<vmem>>) target(%dma_start3A_326 : memref<64x512xf32, #tpu.memory_space<hbm>>) target_semaphore(%arg10 : memref<!tpu.dma_semaphore, #tpu.memory_space<semaphore_mem>>)
    %dma_wait3A_331 = arith.constant 1 : i32
    %dma_wait3A_332 = arith.constant 0 : i32
    %dma_wait3A_333 = arith.constant 0 : i32
    %dma_wait3A_334 = tpu.memref_slice %arg6[%dma_wait3A_331, %dma_wait3A_332, %dma_wait3A_333] : memref<3x64x512xf32, #tpu.memory_space<vmem>> -> memref<1x64x512xf32, #tpu.memory_space<vmem>>
    %dma_wait3A_335 = tpu.memref_squeeze %dma_wait3A_334 : memref<1x64x512xf32, #tpu.memory_space<vmem>> -> memref<64x512xf32, #tpu.memory_space<vmem>>
    %dma_wait3A_336 = arith.constant 448 : i32
    %dma_wait3A_337 = tpu.memref_slice %arg5[%dma_wait3A_336] : memref<512xi32, #tpu.memory_space<vmem>> -> memref<64xi32, #tpu.memory_space<vmem>>
    %dma_wait3A_338 = arith.constant 0 : i32
    %dma_wait3A_339 = arith.constant 0 : i32
    %dma_wait3A_340 = tpu.memref_slice %arg2[%dma_wait3A_338, %dma_wait3A_339] : memref<100000x512xf32, #tpu.memory_space<hbm>> -> memref<100000x512xf32, #tpu.memory_space<hbm>>
    tpu.wait_indirect_dma semaphore(%arg8 : memref<!tpu.dma_semaphore, #tpu.memory_space<semaphore_mem>>) src(%dma_wait3A_340 : memref<100000x512xf32, #tpu.memory_space<hbm>>) dst(%dma_wait3A_335 : memref<64x512xf32, #tpu.memory_space<vmem>>)
    %add3A_341 = arith.constant 448 : i32
    %add3A_342 = arith.addi %mul3A_2, %add3A_341 : i32
    %dma_start3A_343 = arith.constant 1 : i32
    %dma_start3A_344 = arith.constant 0 : i32
    %dma_start3A_345 = arith.constant 0 : i32
    %dma_start3A_346 = tpu.memref_slice %arg6[%dma_start3A_343, %dma_start3A_344, %dma_start3A_345] : memref<3x64x512xf32, #tpu.memory_space<vmem>> -> memref<1x64x512xf32, #tpu.memory_space<vmem>>
    %dma_start3A_347 = tpu.memref_squeeze %dma_start3A_346 : memref<1x64x512xf32, #tpu.memory_space<vmem>> -> memref<64x512xf32, #tpu.memory_space<vmem>>
    %dma_start3A_348 = arith.constant 0 : i32
    %dma_start3A_349 = tpu.memref_slice %arg4[%add3A_342, %dma_start3A_348] : memref<16384x512xf32, #tpu.memory_space<hbm>> -> memref<64x512xf32, #tpu.memory_space<hbm>>
    %dma_start3A_350 = arith.constant 0 : i32
    %dma_start3A_351 = tpu.memref_slice %arg4[%add3A_342, %dma_start3A_350] : memref<16384x512xf32, #tpu.memory_space<hbm>> -> memref<64x512xf32, #tpu.memory_space<hbm>>
    %dma_start3A_352 = arith.constant 0 : i32
    %dma_start3A_353 = arith.constant 0 : i32
    %dma_start3A_354 = tpu.memref_slice %arg6[%dma_start3A_343, %dma_start3A_352, %dma_start3A_353] : memref<3x64x512xf32, #tpu.memory_space<vmem>> -> memref<1x64x512xf32, #tpu.memory_space<vmem>>
    %dma_start3A_355 = tpu.memref_squeeze %dma_start3A_354 : memref<1x64x512xf32, #tpu.memory_space<vmem>> -> memref<64x512xf32, #tpu.memory_space<vmem>>
    tpu.enqueue_dma source(%dma_start3A_355 : memref<64x512xf32, #tpu.memory_space<vmem>>) target(%dma_start3A_351 : memref<64x512xf32, #tpu.memory_space<hbm>>) target_semaphore(%arg11 : memref<!tpu.dma_semaphore, #tpu.memory_space<semaphore_mem>>)
    %add3A_356 = arith.constant 320 : i32
    %add3A_357 = arith.addi %mul3A_2, %add3A_356 : i32
    %dma_wait3A_358 = arith.constant 2 : i32
    %dma_wait3A_359 = arith.constant 0 : i32
    %dma_wait3A_360 = arith.constant 0 : i32
    %dma_wait3A_361 = tpu.memref_slice %arg6[%dma_wait3A_358, %dma_wait3A_359, %dma_wait3A_360] : memref<3x64x512xf32, #tpu.memory_space<vmem>> -> memref<1x64x512xf32, #tpu.memory_space<vmem>>
    %dma_wait3A_362 = tpu.memref_squeeze %dma_wait3A_361 : memref<1x64x512xf32, #tpu.memory_space<vmem>> -> memref<64x512xf32, #tpu.memory_space<vmem>>
    %dma_wait3A_363 = arith.constant 0 : i32
    %dma_wait3A_364 = tpu.memref_slice %arg4[%add3A_357, %dma_wait3A_363] : memref<16384x512xf32, #tpu.memory_space<hbm>> -> memref<64x512xf32, #tpu.memory_space<hbm>>
    %dma_wait3A_365 = arith.constant 0 : i32
    %dma_wait3A_366 = tpu.memref_slice %arg4[%add3A_357, %dma_wait3A_365] : memref<16384x512xf32, #tpu.memory_space<hbm>> -> memref<64x512xf32, #tpu.memory_space<hbm>>
    %dma_wait3A_367 = arith.constant 0 : i32
    %dma_wait3A_368 = arith.constant 0 : i32
    %dma_wait3A_369 = tpu.memref_slice %arg6[%dma_wait3A_358, %dma_wait3A_367, %dma_wait3A_368] : memref<3x64x512xf32, #tpu.memory_space<vmem>> -> memref<1x64x512xf32, #tpu.memory_space<vmem>>
    %dma_wait3A_370 = tpu.memref_squeeze %dma_wait3A_369 : memref<1x64x512xf32, #tpu.memory_space<vmem>> -> memref<64x512xf32, #tpu.memory_space<vmem>>
    tpu.wait_dma2 semaphore(%arg12 : memref<!tpu.dma_semaphore, #tpu.memory_space<semaphore_mem>>) src(%dma_wait3A_370 : memref<64x512xf32, #tpu.memory_space<vmem>>) dst(%dma_wait3A_366 : memref<64x512xf32, #tpu.memory_space<hbm>>)
    %add3A_371 = arith.constant 384 : i32
    %add3A_372 = arith.addi %mul3A_2, %add3A_371 : i32
    %dma_wait3A_373 = arith.constant 0 : i32
    %dma_wait3A_374 = arith.constant 0 : i32
    %dma_wait3A_375 = arith.constant 0 : i32
    %dma_wait3A_376 = tpu.memref_slice %arg6[%dma_wait3A_373, %dma_wait3A_374, %dma_wait3A_375] : memref<3x64x512xf32, #tpu.memory_space<vmem>> -> memref<1x64x512xf32, #tpu.memory_space<vmem>>
    %dma_wait3A_377 = tpu.memref_squeeze %dma_wait3A_376 : memref<1x64x512xf32, #tpu.memory_space<vmem>> -> memref<64x512xf32, #tpu.memory_space<vmem>>
    %dma_wait3A_378 = arith.constant 0 : i32
    %dma_wait3A_379 = tpu.memref_slice %arg4[%add3A_372, %dma_wait3A_378] : memref<16384x512xf32, #tpu.memory_space<hbm>> -> memref<64x512xf32, #tpu.memory_space<hbm>>
    %dma_wait3A_380 = arith.constant 0 : i32
    %dma_wait3A_381 = tpu.memref_slice %arg4[%add3A_372, %dma_wait3A_380] : memref<16384x512xf32, #tpu.memory_space<hbm>> -> memref<64x512xf32, #tpu.memory_space<hbm>>
    %dma_wait3A_382 = arith.constant 0 : i32
    %dma_wait3A_383 = arith.constant 0 : i32
    %dma_wait3A_384 = tpu.memref_slice %arg6[%dma_wait3A_373, %dma_wait3A_382, %dma_wait3A_383] : memref<3x64x512xf32, #tpu.memory_space<vmem>> -> memref<1x64x512xf32, #tpu.memory_space<vmem>>
    %dma_wait3A_385 = tpu.memref_squeeze %dma_wait3A_384 : memref<1x64x512xf32, #tpu.memory_space<vmem>> -> memref<64x512xf32, #tpu.memory_space<vmem>>
    tpu.wait_dma2 semaphore(%arg10 : memref<!tpu.dma_semaphore, #tpu.memory_space<semaphore_mem>>) src(%dma_wait3A_385 : memref<64x512xf32, #tpu.memory_space<vmem>>) dst(%dma_wait3A_381 : memref<64x512xf32, #tpu.memory_space<hbm>>)
    %add3A_386 = arith.constant 448 : i32
    %add3A_387 = arith.addi %mul3A_2, %add3A_386 : i32
    %dma_wait3A_388 = arith.constant 1 : i32
    %dma_wait3A_389 = arith.constant 0 : i32
    %dma_wait3A_390 = arith.constant 0 : i32
    %dma_wait3A_391 = tpu.memref_slice %arg6[%dma_wait3A_388, %dma_wait3A_389, %dma_wait3A_390] : memref<3x64x512xf32, #tpu.memory_space<vmem>> -> memref<1x64x512xf32, #tpu.memory_space<vmem>>
    %dma_wait3A_392 = tpu.memref_squeeze %dma_wait3A_391 : memref<1x64x512xf32, #tpu.memory_space<vmem>> -> memref<64x512xf32, #tpu.memory_space<vmem>>
    %dma_wait3A_393 = arith.constant 0 : i32
    %dma_wait3A_394 = tpu.memref_slice %arg4[%add3A_387, %dma_wait3A_393] : memref<16384x512xf32, #tpu.memory_space<hbm>> -> memref<64x512xf32, #tpu.memory_space<hbm>>
    %dma_wait3A_395 = arith.constant 0 : i32
    %dma_wait3A_396 = tpu.memref_slice %arg4[%add3A_387, %dma_wait3A_395] : memref<16384x512xf32, #tpu.memory_space<hbm>> -> memref<64x512xf32, #tpu.memory_space<hbm>>
    %dma_wait3A_397 = arith.constant 0 : i32
    %dma_wait3A_398 = arith.constant 0 : i32
    %dma_wait3A_399 = tpu.memref_slice %arg6[%dma_wait3A_388, %dma_wait3A_397, %dma_wait3A_398] : memref<3x64x512xf32, #tpu.memory_space<vmem>> -> memref<1x64x512xf32, #tpu.memory_space<vmem>>
    %dma_wait3A_400 = tpu.memref_squeeze %dma_wait3A_399 : memref<1x64x512xf32, #tpu.memory_space<vmem>> -> memref<64x512xf32, #tpu.memory_space<vmem>>
    tpu.wait_dma2 semaphore(%arg11 : memref<!tpu.dma_semaphore, #tpu.memory_space<semaphore_mem>>) src(%dma_wait3A_400 : memref<64x512xf32, #tpu.memory_space<vmem>>) dst(%dma_wait3A_396 : memref<64x512xf32, #tpu.memory_space<hbm>>)
    return
  }
}

#map = affine_map<(d0, d1) -> (0)>
module attributes {stable_mosaic.version = 14 : i64} {
  func.func @_sc_winner(%arg0: i32, %arg1: i32, %arg2: memref<16384xi32, #tpu.memory_space<hbm>>, %arg3: memref<16384xi32, #tpu.memory_space<hbm>>, %arg4: memref<100096xi32, #tpu.memory_space<vmem>>, %arg5: memref<16384xi32, #tpu.memory_space<vmem>>, %arg6: memref<512xi32, #tpu.memory_space<vmem>>) attributes {dimension_semantics = [#tpu.dimension_semantics<core_parallel>, #tpu.dimension_semantics<subcore_parallel>], iteration_bounds = array<i64: 2, 16>, scalar_prefetch = 0 : i64, scratch_operands = 3 : i64, tpu.core_type = #tpu.core_type<sc_vector_subcore>, window_params = [{transform_indices = #map}, {transform_indices = #map}]} {
    %mul3A = arith.constant 2 : i32
    %mul3A_0 = arith.muli %arg1, %mul3A : i32
    %add3A = arith.addi %mul3A_0, %arg0 : i32
    "tpu.region"() ({
      %run_scoped3A = tpu.sem_alloc : memref<!tpu.dma_semaphore, #tpu.memory_space<semaphore_mem>>
      tpu.enqueue_dma source(%arg2 : memref<16384xi32, #tpu.memory_space<hbm>>) target(%arg5 : memref<16384xi32, #tpu.memory_space<vmem>>) target_semaphore(%run_scoped3A : memref<!tpu.dma_semaphore, #tpu.memory_space<semaphore_mem>>)
      tpu.wait_dma2 semaphore(%run_scoped3A : memref<!tpu.dma_semaphore, #tpu.memory_space<semaphore_mem>>) src(%arg2 : memref<16384xi32, #tpu.memory_space<hbm>>) dst(%arg5 : memref<16384xi32, #tpu.memory_space<vmem>>)
      tpu.yield
    }) : () -> ()
    %scan3A = arith.constant 0 : i32
    %scan3A_1 = arith.constant 1024 : i32
    %scan3A_2 = arith.addi %scan3A, %scan3A_1 : i32
    %scan3A_3 = arith.constant 1 : i32
    scf.for %scan3A_12 = %scan3A to %scan3A_2 step %scan3A_3  : i32 {
      %mul3A_13 = arith.constant 1 : i32
      %mul3A_14 = arith.muli %scan3A_12, %mul3A_13 : i32
      %add3A_15 = arith.constant 0 : i32
      %add3A_16 = arith.addi %add3A_15, %mul3A_14 : i32
      %mul3A_17 = arith.constant 16 : i32
      %mul3A_18 = arith.muli %add3A_16, %mul3A_17 : i32
      %get3A = arith.index_cast %mul3A_18 : i32 to index
      %get3A_19 = tpu.vector_load %arg5[%get3A] {strides = array<i32>} : memref<16384xi32, #tpu.memory_space<vmem>>, vector<16xi32>,
      %mul3A_20 = arith.constant 16 : i32
      %mul3A_21 = arith.muli %add3A_16, %mul3A_20 : i32
      %iota3A = tpu.iota {dimensions = array<i32: 0>} : vector<16xi32>
      %add3A_22 = vector.broadcast %mul3A_21 : i32 to vector<16xi32>
      %add3A_23 = arith.addi %add3A_22, %iota3A : vector<16xi32>
      %broadcast_in_dim3A = arith.constant true
      %broadcast_in_dim3A_24 = vector.broadcast %broadcast_in_dim3A : i1 to vector<16xi1>
      %unique3A, %unique3A_25 = tpu.scan_count mask(%broadcast_in_dim3A_24 : vector<16xi1>) value(%get3A_19 : vector<16xi32>) : vector<16xi1>, vector<16xi32>
      tpu.vector_store_idx %arg4[%get3A_19], %add3A_23 masked %unique3A : memref<100096xi32, #tpu.memory_space<vmem>>[vector<16xi32>], vector<16xi32>, vector<16xi1>
    }
    %scan3A_4 = arith.constant 1024 : i32
    %mul3A_5 = arith.constant 512 : i32
    %mul3A_6 = arith.muli %add3A, %mul3A_5 : i32
    %scan3A_7 = arith.constant 0 : i32
    %scan3A_8 = arith.constant 32 : i32
    %scan3A_9 = arith.addi %scan3A_7, %scan3A_8 : i32
    %scan3A_10 = arith.constant 1 : i32
    scf.for %scan3A_12 = %scan3A_7 to %scan3A_9 step %scan3A_10  : i32 {
      %mul3A_13 = arith.constant 1 : i32
      %mul3A_14 = arith.muli %scan3A_12, %mul3A_13 : i32
      %add3A_15 = arith.constant 0 : i32
      %add3A_16 = arith.addi %add3A_15, %mul3A_14 : i32
      %mul3A_17 = arith.constant 16 : i32
      %mul3A_18 = arith.muli %add3A_16, %mul3A_17 : i32
      %add3A_19 = arith.addi %mul3A_6, %mul3A_18 : i32
      %get3A = arith.index_cast %add3A_19 : i32 to index
      %get3A_20 = tpu.vector_load %arg5[%get3A] {strides = array<i32>} : memref<16384xi32, #tpu.memory_space<vmem>>, vector<16xi32>,
      %gather3A = tpu.vector_load_idx %arg4[%get3A_20] : memref<100096xi32, #tpu.memory_space<vmem>>[vector<16xi32>], vector<16xi32>,
      %mul3A_21 = arith.constant 16 : i32
      %mul3A_22 = arith.muli %add3A_16, %mul3A_21 : i32
      %swap3A = arith.index_cast %mul3A_22 : i32 to index
      %swap3A_23 = tpu.vector_load %arg6[%swap3A] {strides = array<i32>} : memref<512xi32, #tpu.memory_space<vmem>>, vector<16xi32>,
      tpu.vector_store %arg6[%swap3A], %gather3A {strides = array<i32>} : memref<512xi32, #tpu.memory_space<vmem>>, vector<16xi32>,
    }
    %scan3A_11 = arith.constant 32 : i32
    "tpu.region"() ({
      %run_scoped3A = tpu.sem_alloc : memref<!tpu.dma_semaphore, #tpu.memory_space<semaphore_mem>>
      %dma_start3A = tpu.memref_slice %arg3[%mul3A_6] : memref<16384xi32, #tpu.memory_space<hbm>> -> memref<512xi32, #tpu.memory_space<hbm>>
      %dma_start3A_12 = tpu.memref_slice %arg3[%mul3A_6] : memref<16384xi32, #tpu.memory_space<hbm>> -> memref<512xi32, #tpu.memory_space<hbm>>
      tpu.enqueue_dma source(%arg6 : memref<512xi32, #tpu.memory_space<vmem>>) target(%dma_start3A_12 : memref<512xi32, #tpu.memory_space<hbm>>) target_semaphore(%run_scoped3A : memref<!tpu.dma_semaphore, #tpu.memory_space<semaphore_mem>>)
      %dma_wait3A = tpu.memref_slice %arg3[%mul3A_6] : memref<16384xi32, #tpu.memory_space<hbm>> -> memref<512xi32, #tpu.memory_space<hbm>>
      %dma_wait3A_13 = tpu.memref_slice %arg3[%mul3A_6] : memref<16384xi32, #tpu.memory_space<hbm>> -> memref<512xi32, #tpu.memory_space<hbm>>
      tpu.wait_dma2 semaphore(%run_scoped3A : memref<!tpu.dma_semaphore, #tpu.memory_space<semaphore_mem>>) src(%arg6 : memref<512xi32, #tpu.memory_space<vmem>>) dst(%dma_wait3A_13 : memref<512xi32, #tpu.memory_space<hbm>>)
      tpu.yield
    }) : () -> ()
    return
  }
}

#map = affine_map<(d0, d1) -> (0, 0)>
#map1 = affine_map<(d0, d1) -> (0)>
module attributes {stable_mosaic.version = 14 : i64} {
  func.func @new_body(%arg0: i32, %arg1: i32, %arg2: memref<100000x512xf32, #tpu.memory_space<hbm>>, %arg3: memref<16384x512xf32, #tpu.memory_space<hbm>>, %arg4: memref<256x64xi32, #tpu.memory_space<hbm>>, %arg5: memref<16384xi32, #tpu.memory_space<hbm>>, %arg6: memref<100000x512xf32, #tpu.memory_space<hbm>>, %arg7: memref<8x64xi32, #tpu.memory_space<vmem>>, %arg8: memref<512xi32, #tpu.memory_space<vmem>>, %arg9: memref<3x64x512xf32, #tpu.memory_space<vmem>>, %arg10: memref<!tpu.dma_semaphore, #tpu.memory_space<semaphore_mem>>, %arg11: memref<!tpu.dma_semaphore, #tpu.memory_space<semaphore_mem>>, %arg12: memref<!tpu.dma_semaphore, #tpu.memory_space<semaphore_mem>>, %arg13: memref<!tpu.dma_semaphore, #tpu.memory_space<semaphore_mem>>, %arg14: memref<!tpu.dma_semaphore, #tpu.memory_space<semaphore_mem>>, %arg15: memref<!tpu.dma_semaphore, #tpu.memory_space<semaphore_mem>>) attributes {dimension_semantics = [#tpu.dimension_semantics<core_parallel>, #tpu.dimension_semantics<subcore_parallel>], iteration_bounds = array<i64: 2, 16>, scalar_prefetch = 0 : i64, scratch_operands = 9 : i64, tpu.core_type = #tpu.core_type<sc_vector_subcore>, window_params = [{transform_indices = #map}, {transform_indices = #map}, {transform_indices = #map}, {transform_indices = #map1}, {transform_indices = #map}]} {
    %mul3A = arith.constant 2 : i32
    %mul3A_0 = arith.muli %arg1, %mul3A : i32
    %add3A = arith.addi %mul3A_0, %arg0 : i32
    %mul3A_1 = arith.constant 8 : i32
    %mul3A_2 = arith.muli %add3A, %mul3A_1 : i32
    "tpu.region"() ({
      %run_scoped3A = tpu.sem_alloc : memref<!tpu.dma_semaphore, #tpu.memory_space<semaphore_mem>>
      %dma_start3A_355 = arith.constant 0 : i32
      %dma_start3A_356 = tpu.memref_slice %arg4[%mul3A_2, %dma_start3A_355] : memref<256x64xi32, #tpu.memory_space<hbm>> -> memref<8x64xi32, #tpu.memory_space<hbm>>
      %dma_start3A_357 = arith.constant 0 : i32
      %dma_start3A_358 = tpu.memref_slice %arg4[%mul3A_2, %dma_start3A_357] : memref<256x64xi32, #tpu.memory_space<hbm>> -> memref<8x64xi32, #tpu.memory_space<hbm>>
      tpu.enqueue_dma source(%dma_start3A_358 : memref<8x64xi32, #tpu.memory_space<hbm>>) target(%arg7 : memref<8x64xi32, #tpu.memory_space<vmem>>) target_semaphore(%run_scoped3A : memref<!tpu.dma_semaphore, #tpu.memory_space<semaphore_mem>>)
      %dma_wait3A_359 = arith.constant 0 : i32
      %dma_wait3A_360 = tpu.memref_slice %arg4[%mul3A_2, %dma_wait3A_359] : memref<256x64xi32, #tpu.memory_space<hbm>> -> memref<8x64xi32, #tpu.memory_space<hbm>>
      %dma_wait3A_361 = arith.constant 0 : i32
      %dma_wait3A_362 = tpu.memref_slice %arg4[%mul3A_2, %dma_wait3A_361] : memref<256x64xi32, #tpu.memory_space<hbm>> -> memref<8x64xi32, #tpu.memory_space<hbm>>
      tpu.wait_dma2 semaphore(%run_scoped3A : memref<!tpu.dma_semaphore, #tpu.memory_space<semaphore_mem>>) src(%dma_wait3A_362 : memref<8x64xi32, #tpu.memory_space<hbm>>) dst(%arg7 : memref<8x64xi32, #tpu.memory_space<vmem>>)
      tpu.yield
    }) : () -> ()
    %mul3A_3 = arith.constant 512 : i32
    %mul3A_4 = arith.muli %add3A, %mul3A_3 : i32
    "tpu.region"() ({
      %run_scoped3A = tpu.sem_alloc : memref<!tpu.dma_semaphore, #tpu.memory_space<semaphore_mem>>
      %dma_start3A_355 = tpu.memref_slice %arg5[%mul3A_4] : memref<16384xi32, #tpu.memory_space<hbm>> -> memref<512xi32, #tpu.memory_space<hbm>>
      %dma_start3A_356 = tpu.memref_slice %arg5[%mul3A_4] : memref<16384xi32, #tpu.memory_space<hbm>> -> memref<512xi32, #tpu.memory_space<hbm>>
      tpu.enqueue_dma source(%dma_start3A_356 : memref<512xi32, #tpu.memory_space<hbm>>) target(%arg8 : memref<512xi32, #tpu.memory_space<vmem>>) target_semaphore(%run_scoped3A : memref<!tpu.dma_semaphore, #tpu.memory_space<semaphore_mem>>)
      %dma_wait3A_357 = tpu.memref_slice %arg5[%mul3A_4] : memref<16384xi32, #tpu.memory_space<hbm>> -> memref<512xi32, #tpu.memory_space<hbm>>
      %dma_wait3A_358 = tpu.memref_slice %arg5[%mul3A_4] : memref<16384xi32, #tpu.memory_space<hbm>> -> memref<512xi32, #tpu.memory_space<hbm>>
      tpu.wait_dma2 semaphore(%run_scoped3A : memref<!tpu.dma_semaphore, #tpu.memory_space<semaphore_mem>>) src(%dma_wait3A_358 : memref<512xi32, #tpu.memory_space<hbm>>) dst(%arg8 : memref<512xi32, #tpu.memory_space<vmem>>)
      tpu.yield
    }) : () -> ()
    %dma_start3A = arith.constant 0 : i32
    %dma_start3A_5 = arith.constant 0 : i32
    %dma_start3A_6 = arith.constant 0 : i32
    %dma_start3A_7 = tpu.memref_slice %arg9[%dma_start3A, %dma_start3A_5, %dma_start3A_6] : memref<3x64x512xf32, #tpu.memory_space<vmem>> -> memref<1x64x512xf32, #tpu.memory_space<vmem>>
    %dma_start3A_8 = tpu.memref_squeeze %dma_start3A_7 : memref<1x64x512xf32, #tpu.memory_space<vmem>> -> memref<64x512xf32, #tpu.memory_space<vmem>>
    %dma_start3A_9 = arith.constant 0 : i32
    %dma_start3A_10 = tpu.memref_slice %arg8[%dma_start3A_9] : memref<512xi32, #tpu.memory_space<vmem>> -> memref<64xi32, #tpu.memory_space<vmem>>
    %dma_start3A_11 = arith.constant 0 : i32
    %dma_start3A_12 = arith.constant 0 : i32
    %dma_start3A_13 = tpu.memref_slice %arg3[%dma_start3A_11, %dma_start3A_12] : memref<16384x512xf32, #tpu.memory_space<hbm>> -> memref<16384x512xf32, #tpu.memory_space<hbm>>
    tpu.enqueue_indirect_dma source(%dma_start3A_13 : memref<16384x512xf32, #tpu.memory_space<hbm>>) target(%dma_start3A_8 : memref<64x512xf32, #tpu.memory_space<vmem>>) offsets(%dma_start3A_10 : memref<64xi32, #tpu.memory_space<vmem>>) semaphore(%arg10 : memref<!tpu.dma_semaphore, #tpu.memory_space<semaphore_mem>>)
    %dma_start3A_14 = arith.constant 1 : i32
    %dma_start3A_15 = arith.constant 0 : i32
    %dma_start3A_16 = arith.constant 0 : i32
    %dma_start3A_17 = tpu.memref_slice %arg9[%dma_start3A_14, %dma_start3A_15, %dma_start3A_16] : memref<3x64x512xf32, #tpu.memory_space<vmem>> -> memref<1x64x512xf32, #tpu.memory_space<vmem>>
    %dma_start3A_18 = tpu.memref_squeeze %dma_start3A_17 : memref<1x64x512xf32, #tpu.memory_space<vmem>> -> memref<64x512xf32, #tpu.memory_space<vmem>>
    %dma_start3A_19 = arith.constant 64 : i32
    %dma_start3A_20 = tpu.memref_slice %arg8[%dma_start3A_19] : memref<512xi32, #tpu.memory_space<vmem>> -> memref<64xi32, #tpu.memory_space<vmem>>
    %dma_start3A_21 = arith.constant 0 : i32
    %dma_start3A_22 = arith.constant 0 : i32
    %dma_start3A_23 = tpu.memref_slice %arg3[%dma_start3A_21, %dma_start3A_22] : memref<16384x512xf32, #tpu.memory_space<hbm>> -> memref<16384x512xf32, #tpu.memory_space<hbm>>
    tpu.enqueue_indirect_dma source(%dma_start3A_23 : memref<16384x512xf32, #tpu.memory_space<hbm>>) target(%dma_start3A_18 : memref<64x512xf32, #tpu.memory_space<vmem>>) offsets(%dma_start3A_20 : memref<64xi32, #tpu.memory_space<vmem>>) semaphore(%arg11 : memref<!tpu.dma_semaphore, #tpu.memory_space<semaphore_mem>>)
    %dma_start3A_24 = arith.constant 2 : i32
    %dma_start3A_25 = arith.constant 0 : i32
    %dma_start3A_26 = arith.constant 0 : i32
    %dma_start3A_27 = tpu.memref_slice %arg9[%dma_start3A_24, %dma_start3A_25, %dma_start3A_26] : memref<3x64x512xf32, #tpu.memory_space<vmem>> -> memref<1x64x512xf32, #tpu.memory_space<vmem>>
    %dma_start3A_28 = tpu.memref_squeeze %dma_start3A_27 : memref<1x64x512xf32, #tpu.memory_space<vmem>> -> memref<64x512xf32, #tpu.memory_space<vmem>>
    %dma_start3A_29 = arith.constant 128 : i32
    %dma_start3A_30 = tpu.memref_slice %arg8[%dma_start3A_29] : memref<512xi32, #tpu.memory_space<vmem>> -> memref<64xi32, #tpu.memory_space<vmem>>
    %dma_start3A_31 = arith.constant 0 : i32
    %dma_start3A_32 = arith.constant 0 : i32
    %dma_start3A_33 = tpu.memref_slice %arg3[%dma_start3A_31, %dma_start3A_32] : memref<16384x512xf32, #tpu.memory_space<hbm>> -> memref<16384x512xf32, #tpu.memory_space<hbm>>
    tpu.enqueue_indirect_dma source(%dma_start3A_33 : memref<16384x512xf32, #tpu.memory_space<hbm>>) target(%dma_start3A_28 : memref<64x512xf32, #tpu.memory_space<vmem>>) offsets(%dma_start3A_30 : memref<64xi32, #tpu.memory_space<vmem>>) semaphore(%arg12 : memref<!tpu.dma_semaphore, #tpu.memory_space<semaphore_mem>>)
    %dma_wait3A = arith.constant 0 : i32
    %dma_wait3A_34 = arith.constant 0 : i32
    %dma_wait3A_35 = arith.constant 0 : i32
    %dma_wait3A_36 = tpu.memref_slice %arg9[%dma_wait3A, %dma_wait3A_34, %dma_wait3A_35] : memref<3x64x512xf32, #tpu.memory_space<vmem>> -> memref<1x64x512xf32, #tpu.memory_space<vmem>>
    %dma_wait3A_37 = tpu.memref_squeeze %dma_wait3A_36 : memref<1x64x512xf32, #tpu.memory_space<vmem>> -> memref<64x512xf32, #tpu.memory_space<vmem>>
    %dma_wait3A_38 = arith.constant 0 : i32
    %dma_wait3A_39 = tpu.memref_slice %arg8[%dma_wait3A_38] : memref<512xi32, #tpu.memory_space<vmem>> -> memref<64xi32, #tpu.memory_space<vmem>>
    %dma_wait3A_40 = arith.constant 0 : i32
    %dma_wait3A_41 = arith.constant 0 : i32
    %dma_wait3A_42 = tpu.memref_slice %arg3[%dma_wait3A_40, %dma_wait3A_41] : memref<16384x512xf32, #tpu.memory_space<hbm>> -> memref<16384x512xf32, #tpu.memory_space<hbm>>
    tpu.wait_indirect_dma semaphore(%arg10 : memref<!tpu.dma_semaphore, #tpu.memory_space<semaphore_mem>>) src(%dma_wait3A_42 : memref<16384x512xf32, #tpu.memory_space<hbm>>) dst(%dma_wait3A_37 : memref<64x512xf32, #tpu.memory_space<vmem>>)
    %dma_start3A_43 = arith.constant 0 : i32
    %dma_start3A_44 = arith.constant 0 : i32
    %dma_start3A_45 = arith.constant 0 : i32
    %dma_start3A_46 = arith.constant 0 : i32
    %dma_start3A_47 = tpu.memref_slice %arg9[%dma_start3A_43, %dma_start3A_45, %dma_start3A_46] : memref<3x64x512xf32, #tpu.memory_space<vmem>> -> memref<1x64x512xf32, #tpu.memory_space<vmem>>
    %dma_start3A_48 = tpu.memref_squeeze %dma_start3A_47 : memref<1x64x512xf32, #tpu.memory_space<vmem>> -> memref<64x512xf32, #tpu.memory_space<vmem>>
    %dma_start3A_49 = arith.constant 0 : i32
    %dma_start3A_50 = tpu.memref_slice %arg7[%dma_start3A_44, %dma_start3A_49] : memref<8x64xi32, #tpu.memory_space<vmem>> -> memref<1x64xi32, #tpu.memory_space<vmem>>
    %dma_start3A_51 = tpu.memref_squeeze %dma_start3A_50 : memref<1x64xi32, #tpu.memory_space<vmem>> -> memref<64xi32, #tpu.memory_space<vmem>>
    %dma_start3A_52 = arith.constant 0 : i32
    %dma_start3A_53 = arith.constant 0 : i32
    %dma_start3A_54 = tpu.memref_slice %arg2[%dma_start3A_52, %dma_start3A_53] : memref<100000x512xf32, #tpu.memory_space<hbm>> -> memref<100000x512xf32, #tpu.memory_space<hbm>>
    tpu.enqueue_indirect_dma source(%dma_start3A_48 : memref<64x512xf32, #tpu.memory_space<vmem>>) target(%dma_start3A_54 : memref<100000x512xf32, #tpu.memory_space<hbm>>) offsets(%dma_start3A_51 : memref<64xi32, #tpu.memory_space<vmem>>) semaphore(%arg13 : memref<!tpu.dma_semaphore, #tpu.memory_space<semaphore_mem>>)
    %dma_wait3A_55 = arith.constant 0 : i32
    %dma_wait3A_56 = arith.constant 0 : i32
    %dma_wait3A_57 = arith.constant 0 : i32
    %dma_wait3A_58 = arith.constant 0 : i32
    %dma_wait3A_59 = tpu.memref_slice %arg9[%dma_wait3A_55, %dma_wait3A_57, %dma_wait3A_58] : memref<3x64x512xf32, #tpu.memory_space<vmem>> -> memref<1x64x512xf32, #tpu.memory_space<vmem>>
    %dma_wait3A_60 = tpu.memref_squeeze %dma_wait3A_59 : memref<1x64x512xf32, #tpu.memory_space<vmem>> -> memref<64x512xf32, #tpu.memory_space<vmem>>
    %dma_wait3A_61 = arith.constant 0 : i32
    %dma_wait3A_62 = tpu.memref_slice %arg7[%dma_wait3A_56, %dma_wait3A_61] : memref<8x64xi32, #tpu.memory_space<vmem>> -> memref<1x64xi32, #tpu.memory_space<vmem>>
    %dma_wait3A_63 = tpu.memref_squeeze %dma_wait3A_62 : memref<1x64xi32, #tpu.memory_space<vmem>> -> memref<64xi32, #tpu.memory_space<vmem>>
    %dma_wait3A_64 = arith.constant 0 : i32
    %dma_wait3A_65 = arith.constant 0 : i32
    %dma_wait3A_66 = tpu.memref_slice %arg2[%dma_wait3A_64, %dma_wait3A_65] : memref<100000x512xf32, #tpu.memory_space<hbm>> -> memref<100000x512xf32, #tpu.memory_space<hbm>>
    tpu.wait_indirect_dma semaphore(%arg13 : memref<!tpu.dma_semaphore, #tpu.memory_space<semaphore_mem>>) src(%dma_wait3A_60 : memref<64x512xf32, #tpu.memory_space<vmem>>) dst(%dma_wait3A_66 : memref<100000x512xf32, #tpu.memory_space<hbm>>)
    %dma_start3A_67 = arith.constant 0 : i32
    %dma_start3A_68 = arith.constant 0 : i32
    %dma_start3A_69 = arith.constant 0 : i32
    %dma_start3A_70 = tpu.memref_slice %arg9[%dma_start3A_67, %dma_start3A_68, %dma_start3A_69] : memref<3x64x512xf32, #tpu.memory_space<vmem>> -> memref<1x64x512xf32, #tpu.memory_space<vmem>>
    %dma_start3A_71 = tpu.memref_squeeze %dma_start3A_70 : memref<1x64x512xf32, #tpu.memory_space<vmem>> -> memref<64x512xf32, #tpu.memory_space<vmem>>
    %dma_start3A_72 = arith.constant 192 : i32
    %dma_start3A_73 = tpu.memref_slice %arg8[%dma_start3A_72] : memref<512xi32, #tpu.memory_space<vmem>> -> memref<64xi32, #tpu.memory_space<vmem>>
    %dma_start3A_74 = arith.constant 0 : i32
    %dma_start3A_75 = arith.constant 0 : i32
    %dma_start3A_76 = tpu.memref_slice %arg3[%dma_start3A_74, %dma_start3A_75] : memref<16384x512xf32, #tpu.memory_space<hbm>> -> memref<16384x512xf32, #tpu.memory_space<hbm>>
    tpu.enqueue_indirect_dma source(%dma_start3A_76 : memref<16384x512xf32, #tpu.memory_space<hbm>>) target(%dma_start3A_71 : memref<64x512xf32, #tpu.memory_space<vmem>>) offsets(%dma_start3A_73 : memref<64xi32, #tpu.memory_space<vmem>>) semaphore(%arg10 : memref<!tpu.dma_semaphore, #tpu.memory_space<semaphore_mem>>)
    %dma_wait3A_77 = arith.constant 1 : i32
    %dma_wait3A_78 = arith.constant 0 : i32
    %dma_wait3A_79 = arith.constant 0 : i32
    %dma_wait3A_80 = tpu.memref_slice %arg9[%dma_wait3A_77, %dma_wait3A_78, %dma_wait3A_79] : memref<3x64x512xf32, #tpu.memory_space<vmem>> -> memref<1x64x512xf32, #tpu.memory_space<vmem>>
    %dma_wait3A_81 = tpu.memref_squeeze %dma_wait3A_80 : memref<1x64x512xf32, #tpu.memory_space<vmem>> -> memref<64x512xf32, #tpu.memory_space<vmem>>
    %dma_wait3A_82 = arith.constant 64 : i32
    %dma_wait3A_83 = tpu.memref_slice %arg8[%dma_wait3A_82] : memref<512xi32, #tpu.memory_space<vmem>> -> memref<64xi32, #tpu.memory_space<vmem>>
    %dma_wait3A_84 = arith.constant 0 : i32
    %dma_wait3A_85 = arith.constant 0 : i32
    %dma_wait3A_86 = tpu.memref_slice %arg3[%dma_wait3A_84, %dma_wait3A_85] : memref<16384x512xf32, #tpu.memory_space<hbm>> -> memref<16384x512xf32, #tpu.memory_space<hbm>>
    tpu.wait_indirect_dma semaphore(%arg11 : memref<!tpu.dma_semaphore, #tpu.memory_space<semaphore_mem>>) src(%dma_wait3A_86 : memref<16384x512xf32, #tpu.memory_space<hbm>>) dst(%dma_wait3A_81 : memref<64x512xf32, #tpu.memory_space<vmem>>)
    %dma_start3A_87 = arith.constant 1 : i32
    %dma_start3A_88 = arith.constant 1 : i32
    %dma_start3A_89 = arith.constant 0 : i32
    %dma_start3A_90 = arith.constant 0 : i32
    %dma_start3A_91 = tpu.memref_slice %arg9[%dma_start3A_87, %dma_start3A_89, %dma_start3A_90] : memref<3x64x512xf32, #tpu.memory_space<vmem>> -> memref<1x64x512xf32, #tpu.memory_space<vmem>>
    %dma_start3A_92 = tpu.memref_squeeze %dma_start3A_91 : memref<1x64x512xf32, #tpu.memory_space<vmem>> -> memref<64x512xf32, #tpu.memory_space<vmem>>
    %dma_start3A_93 = arith.constant 0 : i32
    %dma_start3A_94 = tpu.memref_slice %arg7[%dma_start3A_88, %dma_start3A_93] : memref<8x64xi32, #tpu.memory_space<vmem>> -> memref<1x64xi32, #tpu.memory_space<vmem>>
    %dma_start3A_95 = tpu.memref_squeeze %dma_start3A_94 : memref<1x64xi32, #tpu.memory_space<vmem>> -> memref<64xi32, #tpu.memory_space<vmem>>
    %dma_start3A_96 = arith.constant 0 : i32
    %dma_start3A_97 = arith.constant 0 : i32
    %dma_start3A_98 = tpu.memref_slice %arg2[%dma_start3A_96, %dma_start3A_97] : memref<100000x512xf32, #tpu.memory_space<hbm>> -> memref<100000x512xf32, #tpu.memory_space<hbm>>
    tpu.enqueue_indirect_dma source(%dma_start3A_92 : memref<64x512xf32, #tpu.memory_space<vmem>>) target(%dma_start3A_98 : memref<100000x512xf32, #tpu.memory_space<hbm>>) offsets(%dma_start3A_95 : memref<64xi32, #tpu.memory_space<vmem>>) semaphore(%arg14 : memref<!tpu.dma_semaphore, #tpu.memory_space<semaphore_mem>>)
    %dma_wait3A_99 = arith.constant 1 : i32
    %dma_wait3A_100 = arith.constant 1 : i32
    %dma_wait3A_101 = arith.constant 0 : i32
    %dma_wait3A_102 = arith.constant 0 : i32
    %dma_wait3A_103 = tpu.memref_slice %arg9[%dma_wait3A_99, %dma_wait3A_101, %dma_wait3A_102] : memref<3x64x512xf32, #tpu.memory_space<vmem>> -> memref<1x64x512xf32, #tpu.memory_space<vmem>>
    %dma_wait3A_104 = tpu.memref_squeeze %dma_wait3A_103 : memref<1x64x512xf32, #tpu.memory_space<vmem>> -> memref<64x512xf32, #tpu.memory_space<vmem>>
    %dma_wait3A_105 = arith.constant 0 : i32
    %dma_wait3A_106 = tpu.memref_slice %arg7[%dma_wait3A_100, %dma_wait3A_105] : memref<8x64xi32, #tpu.memory_space<vmem>> -> memref<1x64xi32, #tpu.memory_space<vmem>>
    %dma_wait3A_107 = tpu.memref_squeeze %dma_wait3A_106 : memref<1x64xi32, #tpu.memory_space<vmem>> -> memref<64xi32, #tpu.memory_space<vmem>>
    %dma_wait3A_108 = arith.constant 0 : i32
    %dma_wait3A_109 = arith.constant 0 : i32
    %dma_wait3A_110 = tpu.memref_slice %arg2[%dma_wait3A_108, %dma_wait3A_109] : memref<100000x512xf32, #tpu.memory_space<hbm>> -> memref<100000x512xf32, #tpu.memory_space<hbm>>
    tpu.wait_indirect_dma semaphore(%arg14 : memref<!tpu.dma_semaphore, #tpu.memory_space<semaphore_mem>>) src(%dma_wait3A_104 : memref<64x512xf32, #tpu.memory_space<vmem>>) dst(%dma_wait3A_110 : memref<100000x512xf32, #tpu.memory_space<hbm>>)
    %dma_start3A_111 = arith.constant 1 : i32
    %dma_start3A_112 = arith.constant 0 : i32
    %dma_start3A_113 = arith.constant 0 : i32
    %dma_start3A_114 = tpu.memref_slice %arg9[%dma_start3A_111, %dma_start3A_112, %dma_start3A_113] : memref<3x64x512xf32, #tpu.memory_space<vmem>> -> memref<1x64x512xf32, #tpu.memory_space<vmem>>
    %dma_start3A_115 = tpu.memref_squeeze %dma_start3A_114 : memref<1x64x512xf32, #tpu.memory_space<vmem>> -> memref<64x512xf32, #tpu.memory_space<vmem>>
    %dma_start3A_116 = arith.constant 256 : i32
    %dma_start3A_117 = tpu.memref_slice %arg8[%dma_start3A_116] : memref<512xi32, #tpu.memory_space<vmem>> -> memref<64xi32, #tpu.memory_space<vmem>>
    %dma_start3A_118 = arith.constant 0 : i32
    %dma_start3A_119 = arith.constant 0 : i32
    %dma_start3A_120 = tpu.memref_slice %arg3[%dma_start3A_118, %dma_start3A_119] : memref<16384x512xf32, #tpu.memory_space<hbm>> -> memref<16384x512xf32, #tpu.memory_space<hbm>>
    tpu.enqueue_indirect_dma source(%dma_start3A_120 : memref<16384x512xf32, #tpu.memory_space<hbm>>) target(%dma_start3A_115 : memref<64x512xf32, #tpu.memory_space<vmem>>) offsets(%dma_start3A_117 : memref<64xi32, #tpu.memory_space<vmem>>) semaphore(%arg11 : memref<!tpu.dma_semaphore, #tpu.memory_space<semaphore_mem>>)
    %dma_wait3A_121 = arith.constant 2 : i32
    %dma_wait3A_122 = arith.constant 0 : i32
    %dma_wait3A_123 = arith.constant 0 : i32
    %dma_wait3A_124 = tpu.memref_slice %arg9[%dma_wait3A_121, %dma_wait3A_122, %dma_wait3A_123] : memref<3x64x512xf32, #tpu.memory_space<vmem>> -> memref<1x64x512xf32, #tpu.memory_space<vmem>>
    %dma_wait3A_125 = tpu.memref_squeeze %dma_wait3A_124 : memref<1x64x512xf32, #tpu.memory_space<vmem>> -> memref<64x512xf32, #tpu.memory_space<vmem>>
    %dma_wait3A_126 = arith.constant 128 : i32
    %dma_wait3A_127 = tpu.memref_slice %arg8[%dma_wait3A_126] : memref<512xi32, #tpu.memory_space<vmem>> -> memref<64xi32, #tpu.memory_space<vmem>>
    %dma_wait3A_128 = arith.constant 0 : i32
    %dma_wait3A_129 = arith.constant 0 : i32
    %dma_wait3A_130 = tpu.memref_slice %arg3[%dma_wait3A_128, %dma_wait3A_129] : memref<16384x512xf32, #tpu.memory_space<hbm>> -> memref<16384x512xf32, #tpu.memory_space<hbm>>
    tpu.wait_indirect_dma semaphore(%arg12 : memref<!tpu.dma_semaphore, #tpu.memory_space<semaphore_mem>>) src(%dma_wait3A_130 : memref<16384x512xf32, #tpu.memory_space<hbm>>) dst(%dma_wait3A_125 : memref<64x512xf32, #tpu.memory_space<vmem>>)
    %dma_start3A_131 = arith.constant 2 : i32
    %dma_start3A_132 = arith.constant 2 : i32
    %dma_start3A_133 = arith.constant 0 : i32
    %dma_start3A_134 = arith.constant 0 : i32
    %dma_start3A_135 = tpu.memref_slice %arg9[%dma_start3A_131, %dma_start3A_133, %dma_start3A_134] : memref<3x64x512xf32, #tpu.memory_space<vmem>> -> memref<1x64x512xf32, #tpu.memory_space<vmem>>
    %dma_start3A_136 = tpu.memref_squeeze %dma_start3A_135 : memref<1x64x512xf32, #tpu.memory_space<vmem>> -> memref<64x512xf32, #tpu.memory_space<vmem>>
    %dma_start3A_137 = arith.constant 0 : i32
    %dma_start3A_138 = tpu.memref_slice %arg7[%dma_start3A_132, %dma_start3A_137] : memref<8x64xi32, #tpu.memory_space<vmem>> -> memref<1x64xi32, #tpu.memory_space<vmem>>
    %dma_start3A_139 = tpu.memref_squeeze %dma_start3A_138 : memref<1x64xi32, #tpu.memory_space<vmem>> -> memref<64xi32, #tpu.memory_space<vmem>>
    %dma_start3A_140 = arith.constant 0 : i32
    %dma_start3A_141 = arith.constant 0 : i32
    %dma_start3A_142 = tpu.memref_slice %arg2[%dma_start3A_140, %dma_start3A_141] : memref<100000x512xf32, #tpu.memory_space<hbm>> -> memref<100000x512xf32, #tpu.memory_space<hbm>>
    tpu.enqueue_indirect_dma source(%dma_start3A_136 : memref<64x512xf32, #tpu.memory_space<vmem>>) target(%dma_start3A_142 : memref<100000x512xf32, #tpu.memory_space<hbm>>) offsets(%dma_start3A_139 : memref<64xi32, #tpu.memory_space<vmem>>) semaphore(%arg15 : memref<!tpu.dma_semaphore, #tpu.memory_space<semaphore_mem>>)
    %dma_wait3A_143 = arith.constant 2 : i32
    %dma_wait3A_144 = arith.constant 2 : i32
    %dma_wait3A_145 = arith.constant 0 : i32
    %dma_wait3A_146 = arith.constant 0 : i32
    %dma_wait3A_147 = tpu.memref_slice %arg9[%dma_wait3A_143, %dma_wait3A_145, %dma_wait3A_146] : memref<3x64x512xf32, #tpu.memory_space<vmem>> -> memref<1x64x512xf32, #tpu.memory_space<vmem>>
    %dma_wait3A_148 = tpu.memref_squeeze %dma_wait3A_147 : memref<1x64x512xf32, #tpu.memory_space<vmem>> -> memref<64x512xf32, #tpu.memory_space<vmem>>
    %dma_wait3A_149 = arith.constant 0 : i32
    %dma_wait3A_150 = tpu.memref_slice %arg7[%dma_wait3A_144, %dma_wait3A_149] : memref<8x64xi32, #tpu.memory_space<vmem>> -> memref<1x64xi32, #tpu.memory_space<vmem>>
    %dma_wait3A_151 = tpu.memref_squeeze %dma_wait3A_150 : memref<1x64xi32, #tpu.memory_space<vmem>> -> memref<64xi32, #tpu.memory_space<vmem>>
    %dma_wait3A_152 = arith.constant 0 : i32
    %dma_wait3A_153 = arith.constant 0 : i32
    %dma_wait3A_154 = tpu.memref_slice %arg2[%dma_wait3A_152, %dma_wait3A_153] : memref<100000x512xf32, #tpu.memory_space<hbm>> -> memref<100000x512xf32, #tpu.memory_space<hbm>>
    tpu.wait_indirect_dma semaphore(%arg15 : memref<!tpu.dma_semaphore, #tpu.memory_space<semaphore_mem>>) src(%dma_wait3A_148 : memref<64x512xf32, #tpu.memory_space<vmem>>) dst(%dma_wait3A_154 : memref<100000x512xf32, #tpu.memory_space<hbm>>)
    %dma_start3A_155 = arith.constant 2 : i32
    %dma_start3A_156 = arith.constant 0 : i32
    %dma_start3A_157 = arith.constant 0 : i32
    %dma_start3A_158 = tpu.memref_slice %arg9[%dma_start3A_155, %dma_start3A_156, %dma_start3A_157] : memref<3x64x512xf32, #tpu.memory_space<vmem>> -> memref<1x64x512xf32, #tpu.memory_space<vmem>>
    %dma_start3A_159 = tpu.memref_squeeze %dma_start3A_158 : memref<1x64x512xf32, #tpu.memory_space<vmem>> -> memref<64x512xf32, #tpu.memory_space<vmem>>
    %dma_start3A_160 = arith.constant 320 : i32
    %dma_start3A_161 = tpu.memref_slice %arg8[%dma_start3A_160] : memref<512xi32, #tpu.memory_space<vmem>> -> memref<64xi32, #tpu.memory_space<vmem>>
    %dma_start3A_162 = arith.constant 0 : i32
    %dma_start3A_163 = arith.constant 0 : i32
    %dma_start3A_164 = tpu.memref_slice %arg3[%dma_start3A_162, %dma_start3A_163] : memref<16384x512xf32, #tpu.memory_space<hbm>> -> memref<16384x512xf32, #tpu.memory_space<hbm>>
    tpu.enqueue_indirect_dma source(%dma_start3A_164 : memref<16384x512xf32, #tpu.memory_space<hbm>>) target(%dma_start3A_159 : memref<64x512xf32, #tpu.memory_space<vmem>>) offsets(%dma_start3A_161 : memref<64xi32, #tpu.memory_space<vmem>>) semaphore(%arg12 : memref<!tpu.dma_semaphore, #tpu.memory_space<semaphore_mem>>)
    %dma_wait3A_165 = arith.constant 0 : i32
    %dma_wait3A_166 = arith.constant 0 : i32
    %dma_wait3A_167 = arith.constant 0 : i32
    %dma_wait3A_168 = tpu.memref_slice %arg9[%dma_wait3A_165, %dma_wait3A_166, %dma_wait3A_167] : memref<3x64x512xf32, #tpu.memory_space<vmem>> -> memref<1x64x512xf32, #tpu.memory_space<vmem>>
    %dma_wait3A_169 = tpu.memref_squeeze %dma_wait3A_168 : memref<1x64x512xf32, #tpu.memory_space<vmem>> -> memref<64x512xf32, #tpu.memory_space<vmem>>
    %dma_wait3A_170 = arith.constant 192 : i32
    %dma_wait3A_171 = tpu.memref_slice %arg8[%dma_wait3A_170] : memref<512xi32, #tpu.memory_space<vmem>> -> memref<64xi32, #tpu.memory_space<vmem>>
    %dma_wait3A_172 = arith.constant 0 : i32
    %dma_wait3A_173 = arith.constant 0 : i32
    %dma_wait3A_174 = tpu.memref_slice %arg3[%dma_wait3A_172, %dma_wait3A_173] : memref<16384x512xf32, #tpu.memory_space<hbm>> -> memref<16384x512xf32, #tpu.memory_space<hbm>>
    tpu.wait_indirect_dma semaphore(%arg10 : memref<!tpu.dma_semaphore, #tpu.memory_space<semaphore_mem>>) src(%dma_wait3A_174 : memref<16384x512xf32, #tpu.memory_space<hbm>>) dst(%dma_wait3A_169 : memref<64x512xf32, #tpu.memory_space<vmem>>)
    %dma_start3A_175 = arith.constant 0 : i32
    %dma_start3A_176 = arith.constant 3 : i32
    %dma_start3A_177 = arith.constant 0 : i32
    %dma_start3A_178 = arith.constant 0 : i32
    %dma_start3A_179 = tpu.memref_slice %arg9[%dma_start3A_175, %dma_start3A_177, %dma_start3A_178] : memref<3x64x512xf32, #tpu.memory_space<vmem>> -> memref<1x64x512xf32, #tpu.memory_space<vmem>>
    %dma_start3A_180 = tpu.memref_squeeze %dma_start3A_179 : memref<1x64x512xf32, #tpu.memory_space<vmem>> -> memref<64x512xf32, #tpu.memory_space<vmem>>
    %dma_start3A_181 = arith.constant 0 : i32
    %dma_start3A_182 = tpu.memref_slice %arg7[%dma_start3A_176, %dma_start3A_181] : memref<8x64xi32, #tpu.memory_space<vmem>> -> memref<1x64xi32, #tpu.memory_space<vmem>>
    %dma_start3A_183 = tpu.memref_squeeze %dma_start3A_182 : memref<1x64xi32, #tpu.memory_space<vmem>> -> memref<64xi32, #tpu.memory_space<vmem>>
    %dma_start3A_184 = arith.constant 0 : i32
    %dma_start3A_185 = arith.constant 0 : i32
    %dma_start3A_186 = tpu.memref_slice %arg2[%dma_start3A_184, %dma_start3A_185] : memref<100000x512xf32, #tpu.memory_space<hbm>> -> memref<100000x512xf32, #tpu.memory_space<hbm>>
    tpu.enqueue_indirect_dma source(%dma_start3A_180 : memref<64x512xf32, #tpu.memory_space<vmem>>) target(%dma_start3A_186 : memref<100000x512xf32, #tpu.memory_space<hbm>>) offsets(%dma_start3A_183 : memref<64xi32, #tpu.memory_space<vmem>>) semaphore(%arg13 : memref<!tpu.dma_semaphore, #tpu.memory_space<semaphore_mem>>)
    %dma_wait3A_187 = arith.constant 0 : i32
    %dma_wait3A_188 = arith.constant 3 : i32
    %dma_wait3A_189 = arith.constant 0 : i32
    %dma_wait3A_190 = arith.constant 0 : i32
    %dma_wait3A_191 = tpu.memref_slice %arg9[%dma_wait3A_187, %dma_wait3A_189, %dma_wait3A_190] : memref<3x64x512xf32, #tpu.memory_space<vmem>> -> memref<1x64x512xf32, #tpu.memory_space<vmem>>
    %dma_wait3A_192 = tpu.memref_squeeze %dma_wait3A_191 : memref<1x64x512xf32, #tpu.memory_space<vmem>> -> memref<64x512xf32, #tpu.memory_space<vmem>>
    %dma_wait3A_193 = arith.constant 0 : i32
    %dma_wait3A_194 = tpu.memref_slice %arg7[%dma_wait3A_188, %dma_wait3A_193] : memref<8x64xi32, #tpu.memory_space<vmem>> -> memref<1x64xi32, #tpu.memory_space<vmem>>
    %dma_wait3A_195 = tpu.memref_squeeze %dma_wait3A_194 : memref<1x64xi32, #tpu.memory_space<vmem>> -> memref<64xi32, #tpu.memory_space<vmem>>
    %dma_wait3A_196 = arith.constant 0 : i32
    %dma_wait3A_197 = arith.constant 0 : i32
    %dma_wait3A_198 = tpu.memref_slice %arg2[%dma_wait3A_196, %dma_wait3A_197] : memref<100000x512xf32, #tpu.memory_space<hbm>> -> memref<100000x512xf32, #tpu.memory_space<hbm>>
    tpu.wait_indirect_dma semaphore(%arg13 : memref<!tpu.dma_semaphore, #tpu.memory_space<semaphore_mem>>) src(%dma_wait3A_192 : memref<64x512xf32, #tpu.memory_space<vmem>>) dst(%dma_wait3A_198 : memref<100000x512xf32, #tpu.memory_space<hbm>>)
    %dma_start3A_199 = arith.constant 0 : i32
    %dma_start3A_200 = arith.constant 0 : i32
    %dma_start3A_201 = arith.constant 0 : i32
    %dma_start3A_202 = tpu.memref_slice %arg9[%dma_start3A_199, %dma_start3A_200, %dma_start3A_201] : memref<3x64x512xf32, #tpu.memory_space<vmem>> -> memref<1x64x512xf32, #tpu.memory_space<vmem>>
    %dma_start3A_203 = tpu.memref_squeeze %dma_start3A_202 : memref<1x64x512xf32, #tpu.memory_space<vmem>> -> memref<64x512xf32, #tpu.memory_space<vmem>>
    %dma_start3A_204 = arith.constant 384 : i32
    %dma_start3A_205 = tpu.memref_slice %arg8[%dma_start3A_204] : memref<512xi32, #tpu.memory_space<vmem>> -> memref<64xi32, #tpu.memory_space<vmem>>
    %dma_start3A_206 = arith.constant 0 : i32
    %dma_start3A_207 = arith.constant 0 : i32
    %dma_start3A_208 = tpu.memref_slice %arg3[%dma_start3A_206, %dma_start3A_207] : memref<16384x512xf32, #tpu.memory_space<hbm>> -> memref<16384x512xf32, #tpu.memory_space<hbm>>
    tpu.enqueue_indirect_dma source(%dma_start3A_208 : memref<16384x512xf32, #tpu.memory_space<hbm>>) target(%dma_start3A_203 : memref<64x512xf32, #tpu.memory_space<vmem>>) offsets(%dma_start3A_205 : memref<64xi32, #tpu.memory_space<vmem>>) semaphore(%arg10 : memref<!tpu.dma_semaphore, #tpu.memory_space<semaphore_mem>>)
    %dma_wait3A_209 = arith.constant 1 : i32
    %dma_wait3A_210 = arith.constant 0 : i32
    %dma_wait3A_211 = arith.constant 0 : i32
    %dma_wait3A_212 = tpu.memref_slice %arg9[%dma_wait3A_209, %dma_wait3A_210, %dma_wait3A_211] : memref<3x64x512xf32, #tpu.memory_space<vmem>> -> memref<1x64x512xf32, #tpu.memory_space<vmem>>
    %dma_wait3A_213 = tpu.memref_squeeze %dma_wait3A_212 : memref<1x64x512xf32, #tpu.memory_space<vmem>> -> memref<64x512xf32, #tpu.memory_space<vmem>>
    %dma_wait3A_214 = arith.constant 256 : i32
    %dma_wait3A_215 = tpu.memref_slice %arg8[%dma_wait3A_214] : memref<512xi32, #tpu.memory_space<vmem>> -> memref<64xi32, #tpu.memory_space<vmem>>
    %dma_wait3A_216 = arith.constant 0 : i32
    %dma_wait3A_217 = arith.constant 0 : i32
    %dma_wait3A_218 = tpu.memref_slice %arg3[%dma_wait3A_216, %dma_wait3A_217] : memref<16384x512xf32, #tpu.memory_space<hbm>> -> memref<16384x512xf32, #tpu.memory_space<hbm>>
    tpu.wait_indirect_dma semaphore(%arg11 : memref<!tpu.dma_semaphore, #tpu.memory_space<semaphore_mem>>) src(%dma_wait3A_218 : memref<16384x512xf32, #tpu.memory_space<hbm>>) dst(%dma_wait3A_213 : memref<64x512xf32, #tpu.memory_space<vmem>>)
    %dma_start3A_219 = arith.constant 1 : i32
    %dma_start3A_220 = arith.constant 4 : i32
    %dma_start3A_221 = arith.constant 0 : i32
    %dma_start3A_222 = arith.constant 0 : i32
    %dma_start3A_223 = tpu.memref_slice %arg9[%dma_start3A_219, %dma_start3A_221, %dma_start3A_222] : memref<3x64x512xf32, #tpu.memory_space<vmem>> -> memref<1x64x512xf32, #tpu.memory_space<vmem>>
    %dma_start3A_224 = tpu.memref_squeeze %dma_start3A_223 : memref<1x64x512xf32, #tpu.memory_space<vmem>> -> memref<64x512xf32, #tpu.memory_space<vmem>>
    %dma_start3A_225 = arith.constant 0 : i32
    %dma_start3A_226 = tpu.memref_slice %arg7[%dma_start3A_220, %dma_start3A_225] : memref<8x64xi32, #tpu.memory_space<vmem>> -> memref<1x64xi32, #tpu.memory_space<vmem>>
    %dma_start3A_227 = tpu.memref_squeeze %dma_start3A_226 : memref<1x64xi32, #tpu.memory_space<vmem>> -> memref<64xi32, #tpu.memory_space<vmem>>
    %dma_start3A_228 = arith.constant 0 : i32
    %dma_start3A_229 = arith.constant 0 : i32
    %dma_start3A_230 = tpu.memref_slice %arg2[%dma_start3A_228, %dma_start3A_229] : memref<100000x512xf32, #tpu.memory_space<hbm>> -> memref<100000x512xf32, #tpu.memory_space<hbm>>
    tpu.enqueue_indirect_dma source(%dma_start3A_224 : memref<64x512xf32, #tpu.memory_space<vmem>>) target(%dma_start3A_230 : memref<100000x512xf32, #tpu.memory_space<hbm>>) offsets(%dma_start3A_227 : memref<64xi32, #tpu.memory_space<vmem>>) semaphore(%arg14 : memref<!tpu.dma_semaphore, #tpu.memory_space<semaphore_mem>>)
    %dma_wait3A_231 = arith.constant 1 : i32
    %dma_wait3A_232 = arith.constant 4 : i32
    %dma_wait3A_233 = arith.constant 0 : i32
    %dma_wait3A_234 = arith.constant 0 : i32
    %dma_wait3A_235 = tpu.memref_slice %arg9[%dma_wait3A_231, %dma_wait3A_233, %dma_wait3A_234] : memref<3x64x512xf32, #tpu.memory_space<vmem>> -> memref<1x64x512xf32, #tpu.memory_space<vmem>>
    %dma_wait3A_236 = tpu.memref_squeeze %dma_wait3A_235 : memref<1x64x512xf32, #tpu.memory_space<vmem>> -> memref<64x512xf32, #tpu.memory_space<vmem>>
    %dma_wait3A_237 = arith.constant 0 : i32
    %dma_wait3A_238 = tpu.memref_slice %arg7[%dma_wait3A_232, %dma_wait3A_237] : memref<8x64xi32, #tpu.memory_space<vmem>> -> memref<1x64xi32, #tpu.memory_space<vmem>>
    %dma_wait3A_239 = tpu.memref_squeeze %dma_wait3A_238 : memref<1x64xi32, #tpu.memory_space<vmem>> -> memref<64xi32, #tpu.memory_space<vmem>>
    %dma_wait3A_240 = arith.constant 0 : i32
    %dma_wait3A_241 = arith.constant 0 : i32
    %dma_wait3A_242 = tpu.memref_slice %arg2[%dma_wait3A_240, %dma_wait3A_241] : memref<100000x512xf32, #tpu.memory_space<hbm>> -> memref<100000x512xf32, #tpu.memory_space<hbm>>
    tpu.wait_indirect_dma semaphore(%arg14 : memref<!tpu.dma_semaphore, #tpu.memory_space<semaphore_mem>>) src(%dma_wait3A_236 : memref<64x512xf32, #tpu.memory_space<vmem>>) dst(%dma_wait3A_242 : memref<100000x512xf32, #tpu.memory_space<hbm>>)
    %dma_start3A_243 = arith.constant 1 : i32
    %dma_start3A_244 = arith.constant 0 : i32
    %dma_start3A_245 = arith.constant 0 : i32
    %dma_start3A_246 = tpu.memref_slice %arg9[%dma_start3A_243, %dma_start3A_244, %dma_start3A_245] : memref<3x64x512xf32, #tpu.memory_space<vmem>> -> memref<1x64x512xf32, #tpu.memory_space<vmem>>
    %dma_start3A_247 = tpu.memref_squeeze %dma_start3A_246 : memref<1x64x512xf32, #tpu.memory_space<vmem>> -> memref<64x512xf32, #tpu.memory_space<vmem>>
    %dma_start3A_248 = arith.constant 448 : i32
    %dma_start3A_249 = tpu.memref_slice %arg8[%dma_start3A_248] : memref<512xi32, #tpu.memory_space<vmem>> -> memref<64xi32, #tpu.memory_space<vmem>>
    %dma_start3A_250 = arith.constant 0 : i32
    %dma_start3A_251 = arith.constant 0 : i32
    %dma_start3A_252 = tpu.memref_slice %arg3[%dma_start3A_250, %dma_start3A_251] : memref<16384x512xf32, #tpu.memory_space<hbm>> -> memref<16384x512xf32, #tpu.memory_space<hbm>>
    tpu.enqueue_indirect_dma source(%dma_start3A_252 : memref<16384x512xf32, #tpu.memory_space<hbm>>) target(%dma_start3A_247 : memref<64x512xf32, #tpu.memory_space<vmem>>) offsets(%dma_start3A_249 : memref<64xi32, #tpu.memory_space<vmem>>) semaphore(%arg11 : memref<!tpu.dma_semaphore, #tpu.memory_space<semaphore_mem>>)
    %dma_wait3A_253 = arith.constant 2 : i32
    %dma_wait3A_254 = arith.constant 0 : i32
    %dma_wait3A_255 = arith.constant 0 : i32
    %dma_wait3A_256 = tpu.memref_slice %arg9[%dma_wait3A_253, %dma_wait3A_254, %dma_wait3A_255] : memref<3x64x512xf32, #tpu.memory_space<vmem>> -> memref<1x64x512xf32, #tpu.memory_space<vmem>>
    %dma_wait3A_257 = tpu.memref_squeeze %dma_wait3A_256 : memref<1x64x512xf32, #tpu.memory_space<vmem>> -> memref<64x512xf32, #tpu.memory_space<vmem>>
    %dma_wait3A_258 = arith.constant 320 : i32
    %dma_wait3A_259 = tpu.memref_slice %arg8[%dma_wait3A_258] : memref<512xi32, #tpu.memory_space<vmem>> -> memref<64xi32, #tpu.memory_space<vmem>>
    %dma_wait3A_260 = arith.constant 0 : i32
    %dma_wait3A_261 = arith.constant 0 : i32
    %dma_wait3A_262 = tpu.memref_slice %arg3[%dma_wait3A_260, %dma_wait3A_261] : memref<16384x512xf32, #tpu.memory_space<hbm>> -> memref<16384x512xf32, #tpu.memory_space<hbm>>
    tpu.wait_indirect_dma semaphore(%arg12 : memref<!tpu.dma_semaphore, #tpu.memory_space<semaphore_mem>>) src(%dma_wait3A_262 : memref<16384x512xf32, #tpu.memory_space<hbm>>) dst(%dma_wait3A_257 : memref<64x512xf32, #tpu.memory_space<vmem>>)
    %dma_start3A_263 = arith.constant 2 : i32
    %dma_start3A_264 = arith.constant 5 : i32
    %dma_start3A_265 = arith.constant 0 : i32
    %dma_start3A_266 = arith.constant 0 : i32
    %dma_start3A_267 = tpu.memref_slice %arg9[%dma_start3A_263, %dma_start3A_265, %dma_start3A_266] : memref<3x64x512xf32, #tpu.memory_space<vmem>> -> memref<1x64x512xf32, #tpu.memory_space<vmem>>
    %dma_start3A_268 = tpu.memref_squeeze %dma_start3A_267 : memref<1x64x512xf32, #tpu.memory_space<vmem>> -> memref<64x512xf32, #tpu.memory_space<vmem>>
    %dma_start3A_269 = arith.constant 0 : i32
    %dma_start3A_270 = tpu.memref_slice %arg7[%dma_start3A_264, %dma_start3A_269] : memref<8x64xi32, #tpu.memory_space<vmem>> -> memref<1x64xi32, #tpu.memory_space<vmem>>
    %dma_start3A_271 = tpu.memref_squeeze %dma_start3A_270 : memref<1x64xi32, #tpu.memory_space<vmem>> -> memref<64xi32, #tpu.memory_space<vmem>>
    %dma_start3A_272 = arith.constant 0 : i32
    %dma_start3A_273 = arith.constant 0 : i32
    %dma_start3A_274 = tpu.memref_slice %arg2[%dma_start3A_272, %dma_start3A_273] : memref<100000x512xf32, #tpu.memory_space<hbm>> -> memref<100000x512xf32, #tpu.memory_space<hbm>>
    tpu.enqueue_indirect_dma source(%dma_start3A_268 : memref<64x512xf32, #tpu.memory_space<vmem>>) target(%dma_start3A_274 : memref<100000x512xf32, #tpu.memory_space<hbm>>) offsets(%dma_start3A_271 : memref<64xi32, #tpu.memory_space<vmem>>) semaphore(%arg15 : memref<!tpu.dma_semaphore, #tpu.memory_space<semaphore_mem>>)
    %dma_wait3A_275 = arith.constant 0 : i32
    %dma_wait3A_276 = arith.constant 0 : i32
    %dma_wait3A_277 = arith.constant 0 : i32
    %dma_wait3A_278 = tpu.memref_slice %arg9[%dma_wait3A_275, %dma_wait3A_276, %dma_wait3A_277] : memref<3x64x512xf32, #tpu.memory_space<vmem>> -> memref<1x64x512xf32, #tpu.memory_space<vmem>>
    %dma_wait3A_279 = tpu.memref_squeeze %dma_wait3A_278 : memref<1x64x512xf32, #tpu.memory_space<vmem>> -> memref<64x512xf32, #tpu.memory_space<vmem>>
    %dma_wait3A_280 = arith.constant 384 : i32
    %dma_wait3A_281 = tpu.memref_slice %arg8[%dma_wait3A_280] : memref<512xi32, #tpu.memory_space<vmem>> -> memref<64xi32, #tpu.memory_space<vmem>>
    %dma_wait3A_282 = arith.constant 0 : i32
    %dma_wait3A_283 = arith.constant 0 : i32
    %dma_wait3A_284 = tpu.memref_slice %arg3[%dma_wait3A_282, %dma_wait3A_283] : memref<16384x512xf32, #tpu.memory_space<hbm>> -> memref<16384x512xf32, #tpu.memory_space<hbm>>
    tpu.wait_indirect_dma semaphore(%arg10 : memref<!tpu.dma_semaphore, #tpu.memory_space<semaphore_mem>>) src(%dma_wait3A_284 : memref<16384x512xf32, #tpu.memory_space<hbm>>) dst(%dma_wait3A_279 : memref<64x512xf32, #tpu.memory_space<vmem>>)
    %dma_start3A_285 = arith.constant 0 : i32
    %dma_start3A_286 = arith.constant 6 : i32
    %dma_start3A_287 = arith.constant 0 : i32
    %dma_start3A_288 = arith.constant 0 : i32
    %dma_start3A_289 = tpu.memref_slice %arg9[%dma_start3A_285, %dma_start3A_287, %dma_start3A_288] : memref<3x64x512xf32, #tpu.memory_space<vmem>> -> memref<1x64x512xf32, #tpu.memory_space<vmem>>
    %dma_start3A_290 = tpu.memref_squeeze %dma_start3A_289 : memref<1x64x512xf32, #tpu.memory_space<vmem>> -> memref<64x512xf32, #tpu.memory_space<vmem>>
    %dma_start3A_291 = arith.constant 0 : i32
    %dma_start3A_292 = tpu.memref_slice %arg7[%dma_start3A_286, %dma_start3A_291] : memref<8x64xi32, #tpu.memory_space<vmem>> -> memref<1x64xi32, #tpu.memory_space<vmem>>
    %dma_start3A_293 = tpu.memref_squeeze %dma_start3A_292 : memref<1x64xi32, #tpu.memory_space<vmem>> -> memref<64xi32, #tpu.memory_space<vmem>>
    %dma_start3A_294 = arith.constant 0 : i32
    %dma_start3A_295 = arith.constant 0 : i32
    %dma_start3A_296 = tpu.memref_slice %arg2[%dma_start3A_294, %dma_start3A_295] : memref<100000x512xf32, #tpu.memory_space<hbm>> -> memref<100000x512xf32, #tpu.memory_space<hbm>>
    tpu.enqueue_indirect_dma source(%dma_start3A_290 : memref<64x512xf32, #tpu.memory_space<vmem>>) target(%dma_start3A_296 : memref<100000x512xf32, #tpu.memory_space<hbm>>) offsets(%dma_start3A_293 : memref<64xi32, #tpu.memory_space<vmem>>) semaphore(%arg13 : memref<!tpu.dma_semaphore, #tpu.memory_space<semaphore_mem>>)
    %dma_wait3A_297 = arith.constant 1 : i32
    %dma_wait3A_298 = arith.constant 0 : i32
    %dma_wait3A_299 = arith.constant 0 : i32
    %dma_wait3A_300 = tpu.memref_slice %arg9[%dma_wait3A_297, %dma_wait3A_298, %dma_wait3A_299] : memref<3x64x512xf32, #tpu.memory_space<vmem>> -> memref<1x64x512xf32, #tpu.memory_space<vmem>>
    %dma_wait3A_301 = tpu.memref_squeeze %dma_wait3A_300 : memref<1x64x512xf32, #tpu.memory_space<vmem>> -> memref<64x512xf32, #tpu.memory_space<vmem>>
    %dma_wait3A_302 = arith.constant 448 : i32
    %dma_wait3A_303 = tpu.memref_slice %arg8[%dma_wait3A_302] : memref<512xi32, #tpu.memory_space<vmem>> -> memref<64xi32, #tpu.memory_space<vmem>>
    %dma_wait3A_304 = arith.constant 0 : i32
    %dma_wait3A_305 = arith.constant 0 : i32
    %dma_wait3A_306 = tpu.memref_slice %arg3[%dma_wait3A_304, %dma_wait3A_305] : memref<16384x512xf32, #tpu.memory_space<hbm>> -> memref<16384x512xf32, #tpu.memory_space<hbm>>
    tpu.wait_indirect_dma semaphore(%arg11 : memref<!tpu.dma_semaphore, #tpu.memory_space<semaphore_mem>>) src(%dma_wait3A_306 : memref<16384x512xf32, #tpu.memory_space<hbm>>) dst(%dma_wait3A_301 : memref<64x512xf32, #tpu.memory_space<vmem>>)
    %dma_start3A_307 = arith.constant 1 : i32
    %dma_start3A_308 = arith.constant 7 : i32
    %dma_start3A_309 = arith.constant 0 : i32
    %dma_start3A_310 = arith.constant 0 : i32
    %dma_start3A_311 = tpu.memref_slice %arg9[%dma_start3A_307, %dma_start3A_309, %dma_start3A_310] : memref<3x64x512xf32, #tpu.memory_space<vmem>> -> memref<1x64x512xf32, #tpu.memory_space<vmem>>
    %dma_start3A_312 = tpu.memref_squeeze %dma_start3A_311 : memref<1x64x512xf32, #tpu.memory_space<vmem>> -> memref<64x512xf32, #tpu.memory_space<vmem>>
    %dma_start3A_313 = arith.constant 0 : i32
    %dma_start3A_314 = tpu.memref_slice %arg7[%dma_start3A_308, %dma_start3A_313] : memref<8x64xi32, #tpu.memory_space<vmem>> -> memref<1x64xi32, #tpu.memory_space<vmem>>
    %dma_start3A_315 = tpu.memref_squeeze %dma_start3A_314 : memref<1x64xi32, #tpu.memory_space<vmem>> -> memref<64xi32, #tpu.memory_space<vmem>>
    %dma_start3A_316 = arith.constant 0 : i32
    %dma_start3A_317 = arith.constant 0 : i32
    %dma_start3A_318 = tpu.memref_slice %arg2[%dma_start3A_316, %dma_start3A_317] : memref<100000x512xf32, #tpu.memory_space<hbm>> -> memref<100000x512xf32, #tpu.memory_space<hbm>>
    tpu.enqueue_indirect_dma source(%dma_start3A_312 : memref<64x512xf32, #tpu.memory_space<vmem>>) target(%dma_start3A_318 : memref<100000x512xf32, #tpu.memory_space<hbm>>) offsets(%dma_start3A_315 : memref<64xi32, #tpu.memory_space<vmem>>) semaphore(%arg14 : memref<!tpu.dma_semaphore, #tpu.memory_space<semaphore_mem>>)
    %dma_wait3A_319 = arith.constant 2 : i32
    %dma_wait3A_320 = arith.constant 5 : i32
    %dma_wait3A_321 = arith.constant 0 : i32
    %dma_wait3A_322 = arith.constant 0 : i32
    %dma_wait3A_323 = tpu.memref_slice %arg9[%dma_wait3A_319, %dma_wait3A_321, %dma_wait3A_322] : memref<3x64x512xf32, #tpu.memory_space<vmem>> -> memref<1x64x512xf32, #tpu.memory_space<vmem>>
    %dma_wait3A_324 = tpu.memref_squeeze %dma_wait3A_323 : memref<1x64x512xf32, #tpu.memory_space<vmem>> -> memref<64x512xf32, #tpu.memory_space<vmem>>
    %dma_wait3A_325 = arith.constant 0 : i32
    %dma_wait3A_326 = tpu.memref_slice %arg7[%dma_wait3A_320, %dma_wait3A_325] : memref<8x64xi32, #tpu.memory_space<vmem>> -> memref<1x64xi32, #tpu.memory_space<vmem>>
    %dma_wait3A_327 = tpu.memref_squeeze %dma_wait3A_326 : memref<1x64xi32, #tpu.memory_space<vmem>> -> memref<64xi32, #tpu.memory_space<vmem>>
    %dma_wait3A_328 = arith.constant 0 : i32
    %dma_wait3A_329 = arith.constant 0 : i32
    %dma_wait3A_330 = tpu.memref_slice %arg2[%dma_wait3A_328, %dma_wait3A_329] : memref<100000x512xf32, #tpu.memory_space<hbm>> -> memref<100000x512xf32, #tpu.memory_space<hbm>>
    tpu.wait_indirect_dma semaphore(%arg15 : memref<!tpu.dma_semaphore, #tpu.memory_space<semaphore_mem>>) src(%dma_wait3A_324 : memref<64x512xf32, #tpu.memory_space<vmem>>) dst(%dma_wait3A_330 : memref<100000x512xf32, #tpu.memory_space<hbm>>)
    %dma_wait3A_331 = arith.constant 0 : i32
    %dma_wait3A_332 = arith.constant 6 : i32
    %dma_wait3A_333 = arith.constant 0 : i32
    %dma_wait3A_334 = arith.constant 0 : i32
    %dma_wait3A_335 = tpu.memref_slice %arg9[%dma_wait3A_331, %dma_wait3A_333, %dma_wait3A_334] : memref<3x64x512xf32, #tpu.memory_space<vmem>> -> memref<1x64x512xf32, #tpu.memory_space<vmem>>
    %dma_wait3A_336 = tpu.memref_squeeze %dma_wait3A_335 : memref<1x64x512xf32, #tpu.memory_space<vmem>> -> memref<64x512xf32, #tpu.memory_space<vmem>>
    %dma_wait3A_337 = arith.constant 0 : i32
    %dma_wait3A_338 = tpu.memref_slice %arg7[%dma_wait3A_332, %dma_wait3A_337] : memref<8x64xi32, #tpu.memory_space<vmem>> -> memref<1x64xi32, #tpu.memory_space<vmem>>
    %dma_wait3A_339 = tpu.memref_squeeze %dma_wait3A_338 : memref<1x64xi32, #tpu.memory_space<vmem>> -> memref<64xi32, #tpu.memory_space<vmem>>
    %dma_wait3A_340 = arith.constant 0 : i32
    %dma_wait3A_341 = arith.constant 0 : i32
    %dma_wait3A_342 = tpu.memref_slice %arg2[%dma_wait3A_340, %dma_wait3A_341] : memref<100000x512xf32, #tpu.memory_space<hbm>> -> memref<100000x512xf32, #tpu.memory_space<hbm>>
    tpu.wait_indirect_dma semaphore(%arg13 : memref<!tpu.dma_semaphore, #tpu.memory_space<semaphore_mem>>) src(%dma_wait3A_336 : memref<64x512xf32, #tpu.memory_space<vmem>>) dst(%dma_wait3A_342 : memref<100000x512xf32, #tpu.memory_space<hbm>>)
    %dma_wait3A_343 = arith.constant 1 : i32
    %dma_wait3A_344 = arith.constant 7 : i32
    %dma_wait3A_345 = arith.constant 0 : i32
    %dma_wait3A_346 = arith.constant 0 : i32
    %dma_wait3A_347 = tpu.memref_slice %arg9[%dma_wait3A_343, %dma_wait3A_345, %dma_wait3A_346] : memref<3x64x512xf32, #tpu.memory_space<vmem>> -> memref<1x64x512xf32, #tpu.memory_space<vmem>>
    %dma_wait3A_348 = tpu.memref_squeeze %dma_wait3A_347 : memref<1x64x512xf32, #tpu.memory_space<vmem>> -> memref<64x512xf32, #tpu.memory_space<vmem>>
    %dma_wait3A_349 = arith.constant 0 : i32
    %dma_wait3A_350 = tpu.memref_slice %arg7[%dma_wait3A_344, %dma_wait3A_349] : memref<8x64xi32, #tpu.memory_space<vmem>> -> memref<1x64xi32, #tpu.memory_space<vmem>>
    %dma_wait3A_351 = tpu.memref_squeeze %dma_wait3A_350 : memref<1x64xi32, #tpu.memory_space<vmem>> -> memref<64xi32, #tpu.memory_space<vmem>>
    %dma_wait3A_352 = arith.constant 0 : i32
    %dma_wait3A_353 = arith.constant 0 : i32
    %dma_wait3A_354 = tpu.memref_slice %arg2[%dma_wait3A_352, %dma_wait3A_353] : memref<100000x512xf32, #tpu.memory_space<hbm>> -> memref<100000x512xf32, #tpu.memory_space<hbm>>
    tpu.wait_indirect_dma semaphore(%arg14 : memref<!tpu.dma_semaphore, #tpu.memory_space<semaphore_mem>>) src(%dma_wait3A_348 : memref<64x512xf32, #tpu.memory_space<vmem>>) dst(%dma_wait3A_354 : memref<100000x512xf32, #tpu.memory_space<hbm>>)
    return
  }
}

module attributes {stable_mosaic.version = 14 : i64} {
  func.func @_mlp_body(%arg0: i32, %arg1: memref<3200x512xf32, #tpu.memory_space<vmem>>, %arg2: memref<512x512xf32, #tpu.memory_space<vmem>>, %arg3: memref<512x2048xbf16, #tpu.memory_space<vmem>>, %arg4: memref<2048x512xbf16, #tpu.memory_space<vmem>>, %arg5: memref<3200x512xf32, #tpu.memory_space<vmem>>, %arg6: memref<512x512xf32, #tpu.memory_space<vmem>>, %arg7: memref<1x1xf32, #tpu.memory_space<smem>>, %arg8: memref<1x1xf32, #tpu.memory_space<smem>>) attributes {dimension_semantics = [#tpu.dimension_semantics<arbitrary>], iteration_bounds = array<i64: 32>, scalar_prefetch = 0 : i64, scratch_operands = 1 : i64, tpu.core_type = #tpu.core_type<tc>, window_params = [{transform_indices = @transform_0, window_bounds = array<i64: 3200, 512>}, {transform_indices = @transform_1, window_bounds = array<i64: 512, 512>}, {pipeline_mode = #tpu.pipeline_mode<synchronous>, transform_indices = @transform_2, window_bounds = array<i64: 512, 2048>}, {pipeline_mode = #tpu.pipeline_mode<synchronous>, transform_indices = @transform_3, window_bounds = array<i64: 2048, 512>}, {transform_indices = @transform_4, window_bounds = array<i64: 3200, 512>}, {transform_indices = @transform_5, window_bounds = array<i64: 512, 512>}, {transform_indices = @transform_6, window_bounds = array<i64: 1, 1>}]} {
    %get3A = arith.constant 0 : index
    %get3A_0 = arith.constant 0 : index
    %get3A_1 = vector.load %arg1[%get3A, %get3A_0] : memref<3200x512xf32, #tpu.memory_space<vmem>>, vector<3200x512xf32>
    %swap3A = arith.constant 0 : index
    %swap3A_2 = arith.constant 0 : index
    %swap3A_3 = vector.load %arg5[%swap3A, %swap3A_2] : memref<3200x512xf32, #tpu.memory_space<vmem>>, vector<3200x512xf32>
    tpu.vector_store %arg5[%swap3A, %swap3A_2], %get3A_1 {strides = array<i32>} : memref<3200x512xf32, #tpu.memory_space<vmem>>, vector<3200x512xf32>,
    %get3A_4 = arith.constant 0 : index
    %get3A_5 = arith.constant 0 : index
    %get3A_6 = vector.load %arg2[%get3A_4, %get3A_5] : memref<512x512xf32, #tpu.memory_space<vmem>>, vector<512x512xf32>
    %convert_element_type3A = arith.truncf %get3A_6 : vector<512x512xf32> to vector<512x512xbf16>
    %get3A_7 = arith.constant 0 : index
    %get3A_8 = arith.constant 0 : index
    %get3A_9 = vector.load %arg3[%get3A_7, %get3A_8] : memref<512x2048xbf16, #tpu.memory_space<vmem>>, vector<512x2048xbf16>
    %dot_general3A = arith.constant dense<0.000000e+00> : vector<512x2048xf32>
    %dot_general3A_10 = tpu.matmul %convert_element_type3A, %get3A_9, %dot_general3A {dimension_numbers = #tpu.dot_dimension_numbers<[1], [0], [0], [1], [0, 0, 1, 1], [], []>, transpose_lhs_hint = false} : vector<512x512xbf16>, vector<512x2048xbf16>, vector<512x2048xf32> -> vector<512x2048xf32>
    %max3A = arith.constant 0.000000e+00 : f32
    %max3A_11 = vector.broadcast %max3A : f32 to vector<512x2048xf32>
    %max3A_12 = arith.maximumf %dot_general3A_10, %max3A_11 : vector<512x2048xf32>
    %convert_element_type3A_13 = arith.truncf %max3A_12 : vector<512x2048xf32> to vector<512x2048xbf16>
    %get3A_14 = arith.constant 0 : index
    %get3A_15 = arith.constant 0 : index
    %get3A_16 = vector.load %arg4[%get3A_14, %get3A_15] : memref<2048x512xbf16, #tpu.memory_space<vmem>>, vector<2048x512xbf16>
    %dot_general3A_17 = arith.constant dense<0.000000e+00> : vector<512x512xf32>
    %dot_general3A_18 = tpu.matmul %convert_element_type3A_13, %get3A_16, %dot_general3A_17 {dimension_numbers = #tpu.dot_dimension_numbers<[1], [0], [0], [1], [0, 0, 1, 1], [], []>, transpose_lhs_hint = false} : vector<512x2048xbf16>, vector<2048x512xbf16>, vector<512x512xf32> -> vector<512x512xf32>
    %swap3A_19 = arith.constant 0 : index
    %swap3A_20 = arith.constant 0 : index
    %swap3A_21 = vector.load %arg6[%swap3A_19, %swap3A_20] : memref<512x512xf32, #tpu.memory_space<vmem>>, vector<512x512xf32>
    tpu.vector_store %arg6[%swap3A_19, %swap3A_20], %dot_general3A_18 {strides = array<i32>} : memref<512x512xf32, #tpu.memory_space<vmem>>, vector<512x512xf32>,
    %eq3A = arith.constant 0 : i32
    %eq3A_22 = arith.cmpi eq, %arg0, %eq3A : i32
    %convert_element_type3A_23 = arith.extui %eq3A_22 : i1 to i32
    %cond3A = arith.constant 0 : i32
    %cond3A_24 = arith.cmpi ne, %convert_element_type3A_23, %cond3A : i32
    scf.if %cond3A_24 {
      %swap3A_40 = arith.constant 0.000000e+00 : f32
      %swap3A_41 = arith.constant 0 : index
      %swap3A_42 = arith.constant 0 : index
      %swap3A_43 = memref.load %arg8[%swap3A_41, %swap3A_42] : memref<1x1xf32, #tpu.memory_space<smem>>
      memref.store %swap3A_40, %arg8[%swap3A_41, %swap3A_42] : memref<1x1xf32, #tpu.memory_space<smem>>
    } else {
    }
    %get3A_25 = arith.constant 0 : index
    %get3A_26 = arith.constant 0 : index
    %get3A_27 = memref.load %arg8[%get3A_25, %get3A_26] : memref<1x1xf32, #tpu.memory_space<smem>>
    %reduce_sum3A = vector.shape_cast %dot_general3A_18 : vector<512x512xf32> to vector<1x512x512xf32>
    %reduce_sum3A_28 = arith.constant dense<0.000000e+00> : vector<1xf32>
    %reduce_sum3A_29 = vector.multi_reduction <add>, %reduce_sum3A, %reduce_sum3A_28 [1, 2] : vector<1x512x512xf32> to vector<1xf32>
    %reduce_sum3A_30 = vector.shape_cast %reduce_sum3A_29 : vector<1xf32> to vector<1x1x1xf32>
    %reduce_sum3A_31 = vector.extract %reduce_sum3A_30[0, 0, 0] : f32 from vector<1x1x1xf32>
    %add3A = arith.addf %get3A_27, %reduce_sum3A_31 : f32
    %swap3A_32 = arith.constant 0 : index
    %swap3A_33 = arith.constant 0 : index
    %swap3A_34 = memref.load %arg8[%swap3A_32, %swap3A_33] : memref<1x1xf32, #tpu.memory_space<smem>>
    memref.store %add3A, %arg8[%swap3A_32, %swap3A_33] : memref<1x1xf32, #tpu.memory_space<smem>>
    %eq3A_35 = arith.constant 31 : i32
    %eq3A_36 = arith.cmpi eq, %arg0, %eq3A_35 : i32
    %convert_element_type3A_37 = arith.extui %eq3A_36 : i1 to i32
    %cond3A_38 = arith.constant 0 : i32
    %cond3A_39 = arith.cmpi ne, %convert_element_type3A_37, %cond3A_38 : i32
    scf.if %cond3A_39 {
      %get3A_40 = arith.constant 0 : index
      %get3A_41 = arith.constant 0 : index
      %get3A_42 = memref.load %arg8[%get3A_40, %get3A_41] : memref<1x1xf32, #tpu.memory_space<smem>>
      %div3A = arith.constant 0x4B000000 : f32
      %div3A_43 = arith.divf %get3A_42, %div3A : f32
      %logistic3A = arith.negf %div3A_43 : f32
      %logistic3A_44 = math.exp %logistic3A : f32
      %logistic3A_45 = arith.constant 1.000000e+00 : f32
      %logistic3A_46 = arith.addf %logistic3A_45, %logistic3A_44 : f32
      %logistic3A_47 = arith.divf %logistic3A_45, %logistic3A_46 : f32
      %swap3A_48 = arith.constant 0 : index
      %swap3A_49 = arith.constant 0 : index
      %swap3A_50 = memref.load %arg7[%swap3A_48, %swap3A_49] : memref<1x1xf32, #tpu.memory_space<smem>>
      memref.store %logistic3A_47, %arg7[%swap3A_48, %swap3A_49] : memref<1x1xf32, #tpu.memory_space<smem>>
    } else {
    }
    return
  }
  func.func @transform_0(%arg0: i32) -> (i32, i32) {
    %c0_i32 = arith.constant 0 : i32
    %c0_i32_0 = arith.constant 0 : i32
    return %arg0, %c0_i32 : i32, i32
  }
  func.func @transform_1(%arg0: i32) -> (i32, i32) {
    %c0_i32 = arith.constant 0 : i32
    %c0_i32_0 = arith.constant 0 : i32
    return %arg0, %c0_i32 : i32, i32
  }
  func.func @transform_2(%arg0: i32) -> (i32, i32) {
    %c0_i32 = arith.constant 0 : i32
    %c0_i32_0 = arith.constant 0 : i32
    %c0_i32_1 = arith.constant 0 : i32
    return %c0_i32, %c0_i32_0 : i32, i32
  }
  func.func @transform_3(%arg0: i32) -> (i32, i32) {
    %c0_i32 = arith.constant 0 : i32
    %c0_i32_0 = arith.constant 0 : i32
    %c0_i32_1 = arith.constant 0 : i32
    return %c0_i32, %c0_i32_0 : i32, i32
  }
  func.func @transform_4(%arg0: i32) -> (i32, i32) {
    %c0_i32 = arith.constant 0 : i32
    %c0_i32_0 = arith.constant 0 : i32
    return %arg0, %c0_i32 : i32, i32
  }
  func.func @transform_5(%arg0: i32) -> (i32, i32) {
    %c0_i32 = arith.constant 0 : i32
    %c0_i32_0 = arith.constant 0 : i32
    return %arg0, %c0_i32 : i32, i32
  }
  func.func @transform_6(%arg0: i32) -> (i32, i32) {
    %c0_i32 = arith.constant 0 : i32
    %c0_i32_0 = arith.constant 0 : i32
    %c0_i32_1 = arith.constant 0 : i32
    return %c0_i32, %c0_i32_0 : i32, i32
  }
}

</mosaic_0001>

<sc_bundles>
// kernel: kernel.12.cloned.1.call-start
scs
__scs_entry_jumppad:
0x0: {  	(pc) =	sbr.rel $0x88, $3  }
0x1: {  	(tag) =	ssettag $0x0;
	lr =	simm.s32 $0x1  }
0x2: {  	[smem:$0x3F9B] =	sst lr;
	_ =	strace $0xD0000000  }
0x3: {  	_ = 	snop  }
0x4: {  	_ = 	snop  }
0x5: {  	_ = 	snop  }
0x6: {  	_ = 	snop  }
0x7: {  	_ = 	snop  }
__scs_overlays_trampoline_lowered:
0x8: {  	[smem:$0x3FAA] =	sst s0  }
0x9: {  	[smem:$0x3FAB] =	sst s1  }
0xa: {  	[smem:$0x3FAC] =	sst s2  }
0xb: {  	[smem:$0x3FAD] =	sst s3  }
0xc: {  	[smem:$0x3FAE] =	sst s4  }
0xd: {  	[smem:$0x3FAF] =	sst s5  }
0xe: {  	[smem:$0x3FB0] =	sst s6  }
0xf: {  	[smem:$0x3FB1] =	sst s7  }
0x10: {  	[smem:$0x3FB2] =	sst s8  }
0x11: {  	[smem:$0x3FB3] =	sst s9;
	s0 =	simm.s32 @!p0 $0x0  }
0x12: {  	s1 =	sld [smem:$0x3F99];
	s0 =	simm.s32 @p0 $0x1  }
0x13: {  	[smem:$0x3FB4] =	sst s0;
	s0 =	simm.s32 @!p1 $0x0  }
0x14: {  	s2 =	sld [smem:$0x3F98];
	s0 =	simm.s32 @p1 $0x1  }
0x15: {  	[smem:$0x3FB5] =	sst s0;
	s0 =	simm.s32 @!p2 $0x0  }
0x16: {  	s3 =	sld [smem:$0x3FDB];
	s0 =	simm.s32 @p2 $0x1  }
0x17: {  	s4 =	simm.s32 $0x1BF5;
	[smem:$0x3FB7] =	sst s0  }
0x18: {  	s0 =	sld [smem:$0x3F9A];
	_ =	swait.ge [sflag:s4], $0x0  }
0x19: {  	s7 =	sld [smem:$0x3F9B]  }
0x1a: {  	s8 =	sadd.s32 $0xFFFFE003, lr  }
0x1b: {  	s9 =	sadd.s32 $0xFFFFFEF7, lr;
	s5 =	simm.s32 $0xFFFFFFFF;
	p2 =	slt.u32 s8, $0xFFFFF086  }
0x1c: {  	p1 =	slt.u32 s9, $0xF7A;
	s5 =	simm.s32 @!p2 $0x0  }
0x1d: {  	s5 =	simm.s32 @p1 $0x1;
	p0 =	seq.s32 s7, s2  }
0x1e: {  	s7 =	smul.u32 @!p0 $0xF7A, s2;
	p2 =	seq.s32 @!p0 s5, $0x0  }
0x1f: {  	s9 =	smul.u32 $0xF7A, s1;
	s8 =	simm.s32 @!p0 $0x1BF5;
	p2 =	por !p2, p0  }
0x20: {  	[sflag:s8] =	ssyncset.s32 @!p0 $0xFFFFF086;
	s6 =	sadd.s32 @!p0 s3, s7;
	s7 =	simm.s32 @!p0 $0x108  }
0x21: {  	s3 =	sadd.s32 s3, s9;
	s6 =	sadd.s32 @!p0 $0x88, s6;
	s7 =	simm.s32 @p2 $0x1082  }
0x22: {  	[simem:s7], [sflag:s8] =	dma.local @!p0 [hbm:s6], $0xF7A  }
0x23: {  	s9 =	sor.u32 $0xD0000000, s2;
	s6 =	simm.s32 $0x108;
	_ =	swait.ge @!p0 [sflag:s8], $0x0  }
0x24: {  	s3 =	sadd.s32 $0x88, s3;
	s6 =	simm.s32 @!p1 $0x1082;
	[sflag:s4] =	ssyncset.s32 $0xFFFFF086  }
0x25: {  	[simem:s6], [sflag:s4] =	dma.local [hbm:s3], $0xF7A  }
0x26: {  	[smem:$0x3F9B] =	sst s1;
	(tag) =	ssettag s2;
	_ =	strace s9  }
0x27: {  	s1 =	sld [smem:$0x3FAB]  }
0x28: {  	s2 =	sld [smem:$0x3FAC]  }
0x29: {  	s4 =	sld [smem:$0x3FAE]  }
0x2a: {  	p0 =	seq.s32 s5, $0x0;
	s5 =	sld [smem:$0x3FAF]  }
0x2b: {  	s6 =	sld [smem:$0x3FB0]  }
0x2c: {  	s7 =	sld [smem:$0x3FB1]  }
0x2d: {  	s3 =	simm.s32 $0x108;
	s8 =	sld [smem:$0x3FB2]  }
0x2e: {  	s3 =	simm.s32 @!p0 $0x1082;
	s9 =	sld [smem:$0x3FB3]  }
0x2f: {  	lr =	sadd.s32 s0, s3;
	s0 =	sld [smem:$0x3FAA]  }
0x30: {  	s3 =	sld [smem:$0x3FAD]  }
0x31: {  	[smem:$0x3FB6] =	sst s10  }
0x32: {  	s10 =	sld [smem:$0x3FB4];
	_ =	sdelay $0x3  }
0x33: {  	p0 =	seq.s32 s10, $0x1;
	s10 =	sld [smem:$0x3FB6];
	_ =	sdelay $0x3  }
0x34: {  	[smem:$0x3FB6] =	sst s10  }
0x35: {  	s10 =	sld [smem:$0x3FB5];
	_ =	sdelay $0x3  }
0x36: {  	p1 =	seq.s32 s10, $0x1;
	s10 =	sld [smem:$0x3FB6];
	_ =	sdelay $0x3  }
0x37: {  	[smem:$0x3FB6] =	sst s10  }
0x38: {  	s10 =	sld [smem:$0x3FB7]  }
0x39: {  	_ = 	snop;
	(pc) =	sbr.ind lr, $3  }
0x3a: {  	_ = 	snop  }
0x3b: {  	_ = 	snop  }
0x3c: {  	p2 =	seq.s32 s10, $0x1;
	s10 =	sld [smem:$0x3FB6]  }
0x3d: {  	_ =	shalt  }
0x3e: {  	_ =	shalt  }
0x3f: {  	_ =	shalt  }
0x40: {  	_ =	shalt  }
0x41: {  	_ =	shalt  }
0x42: {  	_ =	shalt  }
0x43: {  	_ =	shalt  }
0x44: {  	_ =	shalt  }
0x45: {  	_ =	shalt  }
0x46: {  	_ =	shalt  }
0x47: {  	_ =	shalt  }
0x48: {  	_ =	shalt  }
0x49: {  	_ =	shalt  }
0x4a: {  	_ =	shalt  }
0x4b: {  	_ =	shalt  }
0x4c: {  	_ =	shalt  }
0x4d: {  	_ =	shalt  }
0x4e: {  	_ =	shalt  }
0x4f: {  	_ =	shalt  }
0x50: {  	_ =	shalt  }
0x51: {  	_ =	shalt  }
0x52: {  	_ =	shalt  }
0x53: {  	_ =	shalt  }
0x54: {  	_ =	shalt  }
0x55: {  	_ =	shalt  }
0x56: {  	_ =	shalt  }
0x57: {  	_ =	shalt  }
0x58: {  	_ =	shalt  }
0x59: {  	_ =	shalt  }
0x5a: {  	_ =	shalt  }
0x5b: {  	_ =	shalt  }
0x5c: {  	_ =	shalt  }
0x5d: {  	_ =	shalt  }
0x5e: {  	_ =	shalt  }
0x5f: {  	_ =	shalt  }
0x60: {  	_ =	shalt  }
0x61: {  	_ =	shalt  }
0x62: {  	_ =	shalt  }
0x63: {  	_ =	shalt  }
0x64: {  	_ =	shalt  }
0x65: {  	_ =	shalt  }
0x66: {  	_ =	shalt  }
0x67: {  	_ =	shalt  }
0x68: {  	_ =	shalt  }
0x69: {  	_ =	shalt  }
0x6a: {  	_ =	shalt  }
0x6b: {  	_ =	shalt  }
0x6c: {  	_ =	shalt  }
0x6d: {  	_ =	shalt  }
0x6e: {  	_ =	shalt  }
0x6f: {  	_ =	shalt  }
0x70: {  	_ =	shalt  }
0x71: {  	_ =	shalt  }
0x72: {  	_ =	shalt  }
0x73: {  	_ =	shalt  }
0x74: {  	_ =	shalt  }
0x75: {  	_ =	shalt  }
0x76: {  	_ =	shalt  }
0x77: {  	_ =	shalt  }
0x78: {  	_ =	shalt  }
0x79: {  	_ =	shalt  }
0x7a: {  	_ =	shalt  }
0x7b: {  	_ =	shalt  }
0x7c: {  	_ =	shalt  }
0x7d: {  	_ =	shalt  }
0x7e: {  	_ =	shalt  }
0x7f: {  	_ =	shalt  }
0x80: {  	_ =	shalt  }
0x81: {  	_ =	shalt  }
0x82: {  	_ =	shalt  }
0x83: {  	_ =	shalt  }
0x84: {  	_ =	shalt  }
0x85: {  	_ =	shalt  }
0x86: {  	_ =	shalt  }
0x87: {  	_ =	shalt  }
.Lfunc_end0:
.L_simem_size_0:
called_computation.2_lowered:
.L_overlay_start_0:
0x88: {  	s2 =	sld [smem:$0x3FD9]  }
0x89: {  	s3 =	sld [smem:$0x3FFE];
	_ =	sdelay $0x1  }
0x8a: {  	s1 =	srdreg.scid  }
0x8b: {  	s0 =	sand.u32 $0x1, s1  }
0x8c: {  	s14 =	sshll.u32 s0, $0xA;
	s2 =	sadd.s32 s3, s2  }
0x8d: {  	s2 =	sadd.s32 s2, s14  }
0x8e: {  	[smem:$0x3FC2] =	sst s2  }
0x8f: {  	_ = 	snop  }
0x90: {  	s2 =	sld [smem:$0x3FD0];
	_ =	sdelay $0x2  }
0x91: {  	s15 =	simm.s32 $0xB;
	s4 =	simm.s32 $0x10  }
0x92: {  	[smem:s4], [sflag:s15] =	dma.local [hbm:s2], $0x1  }
0x93: {  	_ =	swait.eq [sflag:s15], $0x1  }
0x94: {  	[sflag:s15] =	ssyncset.done $0x0  }
0x95: {  	[sflag:s15] =	ssyncadd.s32 $0xFFFFFFFF  }
0x96: {  	s16 =	sld [smem:$0x10];
	(tm) =	ssettm $0x1  }
0x97: {  	s17 =	sld [smem:$0x3FFB];
	_ =	sdelay $0x3  }
0x98: {  	_ =	strace s17  }
0x99: {  	s3 =	sld [smem:$0x3FFC];
	_ =	sdelay $0x3  }
0x9a: {  	_ =	strace s3  }
0x9b: {  	s3 =	sld [smem:$0x3FFD];
	_ =	sdelay $0x3  }
0x9c: {  	_ =	strace s3  }
0x9d: {  	_ =	strace $0x8FFFFFFF  }
0x9e: {  	s18 =	sld [smem:$0x3FDB];
	_ =	sdelay $0x1  }
0x9f: {  	s19 =	simm.s32 $_scs_section_size  }
0xa0: {  	s5 =	simm.s32 $_size__tile_overlayer_lowered;
	s6 =	simm.s32 $_tile_overlayer_lowered  }
0xa1: {  	s22 =	simm.s32 $0x1BFF;
	s21 =	sshll.u32 s6, $0x1;
	s3 =	sadd.s32 s19, s18  }
0xa2: {  	s7 =	simm.s32 $0x0;
	s20 =	sshll.u32 s5, $0x1;
	s5 =	sadd.s32 s21, s3  }
0xa3: {  	[timem:s7], [sflag:s22] =	dma.local [hbm:s5], s20  }
0xa4: {  	_ =	swait.ge [sflag:s22], s20  }
0xa5: {  	s4 =	ssub.s32 $0x0, s20;
	[sflag:s22] =	ssyncset.done $0x0  }
0xa6: {  	[sflag:s22] =	ssyncadd.s32 s4;
	_ =	sdelay $0x1  }
0xa7: {  	s23 =	simm.s32 $0x1B8B  }
0xa8: {  	_ =	swait.ge [sflag:s23], $0x1  }
0xa9: {  	[sflag:s23] =	ssyncset.done $0x0  }
0xaa: {  	s25 =	simm.s32 $0x1B8E;
	s24 =	sld [smem:$0x3FFE];
	[sflag:s23] =	ssyncadd.s32 $0xFFFFFFFF  }
0xab: {  	s26 =	simm.s32 $execute0_lowered;
	[smem:$0x3FD2] =	sst s25  }
0xac: {  	s5 =	sshll.u32 s26, $0x1;
	_ =	strace $0x8000004C;
	[dreg:$0x1] =	wrdreg $0xFFFFFFFF  }
0xad: {  	s28 =	simm.s32 $_size_execute0_lowered;
	s3 =	sadd.s32 s3, s5;
	[dreg:$0x0] =	wrdreg $0x0  }
0xae: {  	s5 =	sshll.u32 s28, $0x1;
	[dreg:$0x2] =	wrdreg s3  }
0xaf: {  	[dreg:$0x3] =	wrdreg s5  }
0xb0: {  	[dreg:$0x4] =	wrdreg $0xC0  }
0xb1: {  	_ =	task [dreg:s7], $0x5FFFF  }
0xb2: {  	[dreg:$0x1] =	wrdreg $0xFFFFFFFF  }
0xb3: {  	[dreg:$0x0] =	wrdreg $0x60  }
0xb4: {  	[dreg:$0x2] =	wrdreg s16  }
0xb5: {  	[dreg:$0x3] =	wrdreg s24  }
0xb6: {  	[dreg:$0x4] =	wrdreg $0x9  }
0xb7: {  	_ =	task.clear_ibuf [dreg:s7], $0x5FFFF;
	_ =	strace $0x9000004C  }
0xb8: {  	s29 =	simm.s32 $0x9;
	_ =	strace $0x8000004E  }
0xb9: {  	_ =	swait.ge [sflag:s29], $0x1  }
0xba: {  	[sflag:s29] =	ssyncadd.s32 $0xFFFFFFFF  }
0xbb: {  	_ =	strace $0x9000004E  }
0xbc: {  	_ =	sfence  }
0xbd: {  	s30 =	sld [smem:$0x0];
	_ =	sdelay $0x2  }
0xbe: {  	s31 =	sshll.u32 s1, $0xD;
	s1 =	sshrl.u32 s1, $0x2  }
0xbf: {  	s3 =	sand.u32 $0x4000, s31;
	s1 =	sadd.s32 s1, s30  }
0xc0: {  	s0 =	sor.u32 s3, s0;
	s1 =	sshll.u32 s1, $0x11  }
0xc1: {  	s0 =	sor.u32 s1, s0  }
0xc2: {  	s0 =	sadd.s32 $0x8F2B, s0  }
0xc3: {  	[sflag:s0] =	ssyncadd.remote.s32 $0x1  }
0xc4: {  	_ =	sfence.sel $0xFFFF  }
0xc5: {  	[dreg:$0x0] =	wrdreg $0xFFFFFFFF;
	(pc) =	sbr.abs _section_cstart, $3  }
0xc6: {  	[dreg:$0x1] =	wrdreg $0xFFFFFFFF  }
0xc7: {  	_ =	task.clear_ibuf [dreg:s7], $0x2FFFF;
	_ =	strace $0x9FFFFFFF  }
0xc8: {  	(tm) =	ssettm $0x7FFFFFFF  }
0xc9: {  	_ =	shalt  }
tec
execute0_lowered:
.L_overlay_start_1:
0x0: {  	(tag) =	ssettag $0x1  }
0x1: {  	s2 =	rddreg [dreg:$0x0];
	s0 =	srdreg.scid  }
0x2: {  	s3 =	stileid.u32;
	s1 =	rddreg [dreg:$0x1];
	s31 =	simm.s32 $0x400  }
0x3: {  	s17 =	simm.s32 $0x1;
	s0 =	sand.u32 $0x1, s0;
	s4 =	sshll.u32 s3, $0x1  }
0x4: {  	s18 =	simm.s32 $0x4;
	s3 =	simm.s32 $0x0;
	s4 =	sor.u32 s0, s4  }
0x5: {  	[smem:$0x7FF] =	sst s3;
	s0 =	ssub.s32 $0x2, s0;
	s5 =	sshll.u32 s4, $0x7  }
0x6: {  	_ =	strace $0x8000004D;
	s4 =	sshll.u32 s4, $0x6;
	s6 =	sshrl.u32 s0, $0x1  }
0x7: {  	[dreg:$0x5] =	wrdreg s31;
	s5 =	sadd.s32 s5, s1;
	s4 =	sadd.s32 s4, s1  }
0x8: {  	v2 =	vlaneseq.u32;
	s0 =	ssub.s32 s0, s6;
	s6 =	sadd.s32 $0x100, s2;
	s5 =	sadd.s32 $0x101C00, s5  }
0x9: {  	vm0 =	vmmov $0xffff;
	v1 =	vshrl.u32 v2, $0x3;
	s29 =	sadd.s32 $0x101400, s4;
	s4 =	sadd.s32 $0x102C00, s1;
	[dreg:$0x3] =	wrdreg s5  }
0xa: {  	v0 =	vand.u32 $0x7, v2;
	v2 =	vor.u32 $0x8, v2;
	v1 =	vmul.u32 $0x8, v1;
	s30 =	smax.u32 s0, $0x1;
	[dreg:$0x4] =	wrdreg s29;
	s5 =	sadd.s32 $0x102D00, s1  }
.LBB2_1:
0xb: {  	s22 =	rddreg [dreg:$0x3];
	s24 =	simm.s32 $0x7  }
0xc: {  	[tilespmem:s3], [sflag:$0x7] =	stream.linear.gather [hbm4b:s22+s3], $0x400, $0x38;
	[tilespmem:$0x18600] =	vst v63  }
0xd: {  	_ =	swait.ge [sflag:s24], $0x400  }
0xe: {  	s7 =	rddreg [dreg:$0x4];
	[sflag:s24] =	ssyncset.done $0x0  }
0xf: {  	s23 =	rddreg [dreg:$0x5];
	[sflag:s24] =	ssyncadd.s32 $0xFFFFFC00  }
0x10: {  	[tilespmem:s23], [sflag:$0x7] =	stream.linear.gather [hbm4b:s7+s3], $0x200, $0x38;
	[tilespmem:$0x18600] =	vst v63  }
0x11: {  	_ =	swait.ge [sflag:s24], $0x200  }
0x12: {  	[sflag:s24] =	ssyncset.done $0x0  }
0x13: {  	[sflag:s24] =	ssyncadd.s32 $0xFFFFFE00  }
0x14: {  	v3 =	vld [tilespmem:$0x400];
	_ =	sdelay $0x4  }
0x15: {  	v4 =	vshll.u32 v3, $0x2  }
0x16: {  	v3 =	vand.u32 $0x7, v3;
	v4 =	vand.u32 $0xFFFFFFE0, v4  }
0x17: {  	v3 =	vor.u32 v3, v4  }
0x18: {  	v4 =	vperm.xlane v3, v0;
	_ =	sdelay $0x1  }
0x19: {  	v4 =	vadd.s32 v1, v4;
	_ =	sdelay $0x1  }
0x1a: {  	v3 =	vperm.xlane v3, v2;
	_ =	sdelay $0x1  }
0x1b: {  	s0 =	simm.s32 $0x600;
	v3 =	vadd.s32 v1, v3  }
0x1c: {  	[tilespmem:s0], [sflag:$0x1] =	stream.indirect_vreg.gather [hbm4b:s4+s3], $0x80, v4, vm0, $0xb8;
	[tilespmem:$0x18600] =	vst v63  }
0x1d: {  	s8 =	simm.s32 $0xE00  }
0x1e: {  	[tilespmem:s8], [sflag:$0x1] =	stream.indirect_vreg.gather [hbm4b:s5+s3], $0x80, v4, vm0, $0xb8;
	[tilespmem:$0x18600] =	vst v63  }
0x1f: {  	s9 =	simm.s32 $0x1600  }
0x20: {  	[tilespmem:s9], [sflag:$0x1] =	stream.indirect_vreg.gather [hbm4b:s4+s3], $0x80, v3, vm0, $0xb8;
	[tilespmem:$0x18600] =	vst v63  }
0x21: {  	s10 =	simm.s32 $0x1E00  }
0x22: {  	[tilespmem:s10], [sflag:$0x1] =	stream.indirect_vreg.gather [hbm4b:s5+s3], $0x80, v3, vm0, $0xb8;
	[tilespmem:$0x18600] =	vst v63  }
0x23: {  	v3 =	vld [tilespmem:$0x410];
	_ =	sdelay $0x4  }
0x24: {  	v57 =	vshll.u32 v3, $0x2  }
0x25: {  	v3 =	vand.u32 $0x7, v3;
	v4 =	vand.u32 $0xFFFFFFE0, v57  }
0x26: {  	v3 =	vor.u32 v3, v4  }
0x27: {  	v4 =	vperm.xlane v3, v0;
	_ =	sdelay $0x1  }
0x28: {  	v4 =	vadd.s32 v1, v4;
	_ =	sdelay $0x1  }
0x29: {  	v3 =	vperm.xlane v3, v2;
	_ =	sdelay $0x1  }
0x2a: {  	s11 =	simm.s32 $0x2600;
	v3 =	vadd.s32 v1, v3  }
0x2b: {  	[tilespmem:s11], [sflag:$0x1] =	stream.indirect_vreg.gather [hbm4b:s4+s3], $0x80, v4, vm0, $0xb8;
	[tilespmem:$0x18600] =	vst v63  }
0x2c: {  	s12 =	simm.s32 $0x2E00  }
0x2d: {  	[tilespmem:s12], [sflag:$0x1] =	stream.indirect_vreg.gather [hbm4b:s5+s3], $0x80, v4, vm0, $0xb8;
	[tilespmem:$0x18600] =	vst v63  }
0x2e: {  	s13 =	simm.s32 $0x3600  }
0x2f: {  	[tilespmem:s13], [sflag:$0x1] =	stream.indirect_vreg.gather [hbm4b:s4+s3], $0x80, v3, vm0, $0xb8;
	[tilespmem:$0x18600] =	vst v63  }
0x30: {  	s14 =	simm.s32 $0x3E00  }
0x31: {  	[tilespmem:s14], [sflag:$0x1] =	stream.indirect_vreg.gather [hbm4b:s5+s3], $0x80, v3, vm0, $0xb8;
	[tilespmem:$0x18600] =	vst v63  }
0x32: {  	v3 =	vld [tilespmem:$0x420];
	_ =	sdelay $0x4  }
0x33: {  	v58 =	vshll.u32 v3, $0x2  }
0x34: {  	v3 =	vand.u32 $0x7, v3;
	v4 =	vand.u32 $0xFFFFFFE0, v58  }
0x35: {  	v3 =	vor.u32 v3, v4  }
0x36: {  	v4 =	vperm.xlane v3, v0;
	_ =	sdelay $0x1  }
0x37: {  	v4 =	vadd.s32 v1, v4;
	_ =	sdelay $0x1  }
0x38: {  	v3 =	vperm.xlane v3, v2;
	_ =	sdelay $0x1  }
0x39: {  	s15 =	simm.s32 $0x4600;
	v3 =	vadd.s32 v1, v3  }
0x3a: {  	[tilespmem:s15], [sflag:$0x1] =	stream.indirect_vreg.gather [hbm4b:s4+s3], $0x80, v4, vm0, $0xb8;
	[tilespmem:$0x18600] =	vst v63  }
0x3b: {  	s16 =	simm.s32 $0x4E00  }
0x3c: {  	[tilespmem:s16], [sflag:$0x1] =	stream.indirect_vreg.gather [hbm4b:s5+s3], $0x80, v4, vm0, $0xb8;
	[tilespmem:$0x18600] =	vst v63  }
0x3d: {  	s20 =	simm.s32 $0x5600  }
0x3e: {  	[tilespmem:s20], [sflag:$0x1] =	stream.indirect_vreg.gather [hbm4b:s4+s3], $0x80, v3, vm0, $0xb8;
	[tilespmem:$0x18600] =	vst v63  }
0x3f: {  	s24 =	simm.s32 $0x5E00  }
0x40: {  	[tilespmem:s24], [sflag:$0x1] =	stream.indirect_vreg.gather [hbm4b:s5+s3], $0x80, v3, vm0, $0xb8;
	[tilespmem:$0x18600] =	vst v63  }
0x41: {  	v3 =	vld [tilespmem:$0x430];
	_ =	sdelay $0x4  }
0x42: {  	v59 =	vshll.u32 v3, $0x2  }
0x43: {  	v3 =	vand.u32 $0x7, v3;
	v4 =	vand.u32 $0xFFFFFFE0, v59  }
0x44: {  	v3 =	vor.u32 v3, v4  }
0x45: {  	v4 =	vperm.xlane v3, v0;
	_ =	sdelay $0x1  }
0x46: {  	v4 =	vadd.s32 v1, v4;
	_ =	sdelay $0x1  }
0x47: {  	v3 =	vperm.xlane v3, v2;
	_ =	sdelay $0x1  }
0x48: {  	s25 =	simm.s32 $0x6600;
	v3 =	vadd.s32 v1, v3  }
0x49: {  	[tilespmem:s25], [sflag:$0x1] =	stream.indirect_vreg.gather [hbm4b:s4+s3], $0x80, v4, vm0, $0xb8;
	[tilespmem:$0x18600] =	vst v63  }
0x4a: {  	s28 =	simm.s32 $0x6E00  }
0x4b: {  	[tilespmem:s28], [sflag:$0x1] =	stream.indirect_vreg.gather [hbm4b:s5+s3], $0x80, v4, vm0, $0xb8;
	[tilespmem:$0x18600] =	vst v63  }
0x4c: {  	s29 =	simm.s32 $0x7600  }
0x4d: {  	[tilespmem:s29], [sflag:$0x1] =	stream.indirect_vreg.gather [hbm4b:s4+s3], $0x80, v3, vm0, $0xb8;
	[tilespmem:$0x18600] =	vst v63  }
0x4e: {  	s31 =	simm.s32 $0x7E00  }
0x4f: {  	[tilespmem:s31], [sflag:$0x1] =	stream.indirect_vreg.gather [hbm4b:s5+s3], $0x80, v3, vm0, $0xb8;
	[tilespmem:$0x18600] =	vst v63  }
0x50: {  	v3 =	vld [tilespmem:$0x440];
	_ =	sdelay $0x4  }
0x51: {  	v60 =	vshll.u32 v3, $0x2  }
0x52: {  	v3 =	vand.u32 $0x7, v3;
	v4 =	vand.u32 $0xFFFFFFE0, v60  }
0x53: {  	v3 =	vor.u32 v3, v4  }
0x54: {  	v4 =	vperm.xlane v3, v0;
	_ =	sdelay $0x1  }
0x55: {  	v4 =	vadd.s32 v1, v4;
	_ =	sdelay $0x1  }
0x56: {  	v3 =	vperm.xlane v3, v2;
	_ =	sdelay $0x1  }
0x57: {  	s12 =	simm.s32 $0x8600;
	v3 =	vadd.s32 v1, v3  }
0x58: {  	[tilespmem:s12], [sflag:$0x2] =	stream.indirect_vreg.gather [hbm4b:s4+s3], $0x80, v4, vm0, $0xb8;
	[tilespmem:$0x18600] =	vst v63  }
0x59: {  	s13 =	simm.s32 $0x8E00  }
0x5a: {  	[tilespmem:s13], [sflag:$0x2] =	stream.indirect_vreg.gather [hbm4b:s5+s3], $0x80, v4, vm0, $0xb8;
	[tilespmem:$0x18600] =	vst v63  }
0x5b: {  	s14 =	simm.s32 $0x9600  }
0x5c: {  	[tilespmem:s14], [sflag:$0x2] =	stream.indirect_vreg.gather [hbm4b:s4+s3], $0x80, v3, vm0, $0xb8;
	[tilespmem:$0x18600] =	vst v63  }
0x5d: {  	s24 =	simm.s32 $0x9E00  }
0x5e: {  	[tilespmem:s24], [sflag:$0x2] =	stream.indirect_vreg.gather [hbm4b:s5+s3], $0x80, v3, vm0, $0xb8;
	[tilespmem:$0x18600] =	vst v63  }
0x5f: {  	v3 =	vld [tilespmem:$0x450];
	_ =	sdelay $0x4  }
0x60: {  	v61 =	vshll.u32 v3, $0x2  }
0x61: {  	v3 =	vand.u32 $0x7, v3;
	v4 =	vand.u32 $0xFFFFFFE0, v61  }
0x62: {  	v3 =	vor.u32 v3, v4  }
0x63: {  	v4 =	vperm.xlane v3, v0;
	_ =	sdelay $0x1  }
0x64: {  	v4 =	vadd.s32 v1, v4;
	_ =	sdelay $0x1  }
0x65: {  	v3 =	vperm.xlane v3, v2;
	_ =	sdelay $0x1  }
0x66: {  	s25 =	simm.s32 $0xA600;
	v3 =	vadd.s32 v1, v3  }
0x67: {  	[tilespmem:s25], [sflag:$0x2] =	stream.indirect_vreg.gather [hbm4b:s4+s3], $0x80, v4, vm0, $0xb8;
	[tilespmem:$0x18600] =	vst v63  }
0x68: {  	s31 =	simm.s32 $0xAE00  }
0x69: {  	[tilespmem:s31], [sflag:$0x2] =	stream.indirect_vreg.gather [hbm4b:s5+s3], $0x80, v4, vm0, $0xb8;
	[tilespmem:$0x18600] =	vst v63  }
0x6a: {  	s14 =	simm.s32 $0xB600  }
0x6b: {  	[tilespmem:s14], [sflag:$0x2] =	stream.indirect_vreg.gather [hbm4b:s4+s3], $0x80, v3, vm0, $0xb8;
	[tilespmem:$0x18600] =	vst v63  }
0x6c: {  	s24 =	simm.s32 $0xBE00  }
0x6d: {  	[tilespmem:s24], [sflag:$0x2] =	stream.indirect_vreg.gather [hbm4b:s5+s3], $0x80, v3, vm0, $0xb8;
	[tilespmem:$0x18600] =	vst v63  }
0x6e: {  	v3 =	vld [tilespmem:$0x460];
	_ =	sdelay $0x4  }
0x6f: {  	v62 =	vshll.u32 v3, $0x2  }
0x70: {  	v3 =	vand.u32 $0x7, v3;
	v4 =	vand.u32 $0xFFFFFFE0, v62  }
0x71: {  	v3 =	vor.u32 v3, v4  }
0x72: {  	v4 =	vperm.xlane v3, v0;
	_ =	sdelay $0x1  }
0x73: {  	v4 =	vadd.s32 v1, v4;
	_ =	sdelay $0x1  }
0x74: {  	v3 =	vperm.xlane v3, v2;
	_ =	sdelay $0x1  }
0x75: {  	s25 =	simm.s32 $0xC600;
	v3 =	vadd.s32 v1, v3  }
0x76: {  	[tilespmem:s25], [sflag:$0x2] =	stream.indirect_vreg.gather [hbm4b:s4+s3], $0x80, v4, vm0, $0xb8;
	[tilespmem:$0x18600] =	vst v63  }
0x77: {  	s31 =	simm.s32 $0xCE00  }
0x78: {  	[tilespmem:s31], [sflag:$0x2] =	stream.indirect_vreg.gather [hbm4b:s5+s3], $0x80, v4, vm0, $0xb8;
	[tilespmem:$0x18600] =	vst v63  }
0x79: {  	s24 =	simm.s32 $0xD600  }
0x7a: {  	[tilespmem:s24], [sflag:$0x2] =	stream.indirect_vreg.gather [hbm4b:s4+s3], $0x80, v3, vm0, $0xb8;
	[tilespmem:$0x18600] =	vst v63  }
0x7b: {  	s25 =	simm.s32 $0xDE00  }
0x7c: {  	[tilespmem:s25], [sflag:$0x2] =	stream.indirect_vreg.gather [hbm4b:s5+s3], $0x80, v3, vm0, $0xb8;
	[tilespmem:$0x18600] =	vst v63  }
0x7d: {  	v3 =	vld [tilespmem:$0x470];
	_ =	sdelay $0x4  }
0x7e: {  	v63 =	vshll.u32 v3, $0x2  }
0x7f: {  	v3 =	vand.u32 $0x7, v3;
	v4 =	vand.u32 $0xFFFFFFE0, v63  }
0x80: {  	v3 =	vor.u32 v3, v4  }
0x81: {  	v4 =	vperm.xlane v3, v0;
	_ =	sdelay $0x1  }
0x82: {  	v4 =	vadd.s32 v1, v4;
	_ =	sdelay $0x1  }
0x83: {  	v3 =	vperm.xlane v3, v2;
	_ =	sdelay $0x1  }
0x84: {  	s31 =	simm.s32 $0xE600;
	v3 =	vadd.s32 v1, v3  }
0x85: {  	[tilespmem:s31], [sflag:$0x2] =	stream.indirect_vreg.gather [hbm4b:s4+s3], $0x80, v4, vm0, $0xb8;
	[tilespmem:$0x18600] =	vst v63  }
0x86: {  	s24 =	simm.s32 $0xEE00  }
0x87: {  	[tilespmem:s24], [sflag:$0x2] =	stream.indirect_vreg.gather [hbm4b:s5+s3], $0x80, v4, vm0, $0xb8;
	[tilespmem:$0x18600] =	vst v63  }
0x88: {  	s31 =	simm.s32 $0xF600  }
0x89: {  	[tilespmem:s31], [sflag:$0x2] =	stream.indirect_vreg.gather [hbm4b:s4+s3], $0x80, v3, vm0, $0xb8;
	[tilespmem:$0x18600] =	vst v63  }
0x8a: {  	s24 =	simm.s32 $0xFE00  }
0x8b: {  	[tilespmem:s24], [sflag:$0x2] =	stream.indirect_vreg.gather [hbm4b:s5+s3], $0x80, v3, vm0, $0xb8;
	[tilespmem:$0x18600] =	vst v63  }
0x8c: {  	v3 =	vld [tilespmem:$0x480];
	_ =	sdelay $0x4  }
0x8d: {  	v8 =	vshll.u32 v3, $0x2  }
0x8e: {  	v3 =	vand.u32 $0x7, v3;
	v4 =	vand.u32 $0xFFFFFFE0, v8  }
0x8f: {  	v3 =	vor.u32 v3, v4  }
0x90: {  	v4 =	vperm.xlane v3, v0;
	_ =	sdelay $0x1  }
0x91: {  	v4 =	vadd.s32 v1, v4;
	_ =	sdelay $0x1  }
0x92: {  	v3 =	vperm.xlane v3, v2;
	_ =	sdelay $0x1  }
0x93: {  	s31 =	simm.s32 $0x10600;
	v3 =	vadd.s32 v1, v3  }
0x94: {  	[tilespmem:s31], [sflag:$0x3] =	stream.indirect_vreg.gather [hbm4b:s4+s3], $0x80, v4, vm0, $0xb8;
	[tilespmem:$0x18600] =	vst v63  }
0x95: {  	s24 =	simm.s32 $0x10E00  }
0x96: {  	[tilespmem:s24], [sflag:$0x3] =	stream.indirect_vreg.gather [hbm4b:s5+s3], $0x80, v4, vm0, $0xb8;
	[tilespmem:$0x18600] =	vst v63  }
0x97: {  	s31 =	simm.s32 $0x11600  }
0x98: {  	[tilespmem:s31], [sflag:$0x3] =	stream.indirect_vreg.gather [hbm4b:s4+s3], $0x80, v3, vm0, $0xb8;
	[tilespmem:$0x18600] =	vst v63  }
0x99: {  	s24 =	simm.s32 $0x11E00  }
0x9a: {  	[tilespmem:s24], [sflag:$0x3] =	stream.indirect_vreg.gather [hbm4b:s5+s3], $0x80, v3, vm0, $0xb8;
	[tilespmem:$0x18600] =	vst v63  }
0x9b: {  	v3 =	vld [tilespmem:$0x490];
	_ =	sdelay $0x4  }
0x9c: {  	v9 =	vshll.u32 v3, $0x2  }
0x9d: {  	v3 =	vand.u32 $0x7, v3;
	v4 =	vand.u32 $0xFFFFFFE0, v9  }
0x9e: {  	v3 =	vor.u32 v3, v4  }
0x9f: {  	v4 =	vperm.xlane v3, v0;
	_ =	sdelay $0x1  }
0xa0: {  	v4 =	vadd.s32 v1, v4;
	_ =	sdelay $0x1  }
0xa1: {  	v3 =	vperm.xlane v3, v2;
	_ =	sdelay $0x1  }
0xa2: {  	s31 =	simm.s32 $0x12600;
	v3 =	vadd.s32 v1, v3  }
0xa3: {  	[tilespmem:s31], [sflag:$0x3] =	stream.indirect_vreg.gather [hbm4b:s4+s3], $0x80, v4, vm0, $0xb8;
	[tilespmem:$0x18600] =	vst v63  }
0xa4: {  	s24 =	simm.s32 $0x12E00  }
0xa5: {  	[tilespmem:s24], [sflag:$0x3] =	stream.indirect_vreg.gather [hbm4b:s5+s3], $0x80, v4, vm0, $0xb8;
	[tilespmem:$0x18600] =	vst v63  }
0xa6: {  	s31 =	simm.s32 $0x13600  }
0xa7: {  	[tilespmem:s31], [sflag:$0x3] =	stream.indirect_vreg.gather [hbm4b:s4+s3], $0x80, v3, vm0, $0xb8;
	[tilespmem:$0x18600] =	vst v63  }
0xa8: {  	s24 =	simm.s32 $0x13E00  }
0xa9: {  	[tilespmem:s24], [sflag:$0x3] =	stream.indirect_vreg.gather [hbm4b:s5+s3], $0x80, v3, vm0, $0xb8;
	[tilespmem:$0x18600] =	vst v63  }
0xaa: {  	v3 =	vld [tilespmem:$0x4A0];
	_ =	sdelay $0x4  }
0xab: {  	v10 =	vshll.u32 v3, $0x2  }
0xac: {  	v3 =	vand.u32 $0x7, v3;
	v4 =	vand.u32 $0xFFFFFFE0, v10  }
0xad: {  	v3 =	vor.u32 v3, v4  }
0xae: {  	v4 =	vperm.xlane v3, v0;
	_ =	sdelay $0x1  }
0xaf: {  	v4 =	vadd.s32 v1, v4;
	_ =	sdelay $0x1  }
0xb0: {  	v3 =	vperm.xlane v3, v2;
	_ =	sdelay $0x1  }
0xb1: {  	s31 =	simm.s32 $0x14600;
	v3 =	vadd.s32 v1, v3  }
0xb2: {  	[tilespmem:s31], [sflag:$0x3] =	stream.indirect_vreg.gather [hbm4b:s4+s3], $0x80, v4, vm0, $0xb8;
	[tilespmem:$0x18600] =	vst v63  }
0xb3: {  	s24 =	simm.s32 $0x14E00  }
0xb4: {  	[tilespmem:s24], [sflag:$0x3] =	stream.indirect_vreg.gather [hbm4b:s5+s3], $0x80, v4, vm0, $0xb8;
	[tilespmem:$0x18600] =	vst v63  }
0xb5: {  	s31 =	simm.s32 $0x15600  }
0xb6: {  	[tilespmem:s31], [sflag:$0x3] =	stream.indirect_vreg.gather [hbm4b:s4+s3], $0x80, v3, vm0, $0xb8;
	[tilespmem:$0x18600] =	vst v63  }
0xb7: {  	s24 =	simm.s32 $0x15E00  }
0xb8: {  	[tilespmem:s24], [sflag:$0x3] =	stream.indirect_vreg.gather [hbm4b:s5+s3], $0x80, v3, vm0, $0xb8;
	[tilespmem:$0x18600] =	vst v63  }
0xb9: {  	v3 =	vld [tilespmem:$0x4B0];
	_ =	sdelay $0x4  }
0xba: {  	v11 =	vshll.u32 v3, $0x2  }
0xbb: {  	v3 =	vand.u32 $0x7, v3;
	v4 =	vand.u32 $0xFFFFFFE0, v11  }
0xbc: {  	v3 =	vor.u32 v3, v4  }
0xbd: {  	v4 =	vperm.xlane v3, v0;
	_ =	sdelay $0x1  }
0xbe: {  	v4 =	vadd.s32 v1, v4;
	_ =	sdelay $0x1  }
0xbf: {  	v3 =	vperm.xlane v3, v2;
	_ =	sdelay $0x1  }
0xc0: {  	s31 =	simm.s32 $0x16600;
	v3 =	vadd.s32 v1, v3  }
0xc1: {  	[tilespmem:s31], [sflag:$0x3] =	stream.indirect_vreg.gather [hbm4b:s4+s3], $0x80, v4, vm0, $0xb8;
	[tilespmem:$0x18600] =	vst v63  }
0xc2: {  	s24 =	simm.s32 $0x16E00  }
0xc3: {  	[tilespmem:s24], [sflag:$0x3] =	stream.indirect_vreg.gather [hbm4b:s5+s3], $0x80, v4, vm0, $0xb8;
	[tilespmem:$0x18600] =	vst v63  }
0xc4: {  	s31 =	simm.s32 $0x17600  }
0xc5: {  	[tilespmem:s31], [sflag:$0x3] =	stream.indirect_vreg.gather [hbm4b:s4+s3], $0x80, v3, vm0, $0xb8;
	[tilespmem:$0x18600] =	vst v63  }
0xc6: {  	s24 =	simm.s32 $0x17E00  }
0xc7: {  	[tilespmem:s24], [sflag:$0x3] =	stream.indirect_vreg.gather [hbm4b:s5+s3], $0x80, v3, vm0, $0xb8;
	[tilespmem:$0x18600] =	vst v63  }
0xc8: {  	_ =	swait.ge [sflag:s17], $0x8000  }
0xc9: {  	[sflag:s17] =	ssyncset.done $0x0  }
0xca: {  	[sflag:s17] =	ssyncadd.s32 $0xFFFF8000  }
0xcb: {  	v3 =	vld [tilespmem:$0x0];
	_ =	sdelay $0x4  }
0xcc: {  	v12 =	vshll.u32 v3, $0x2  }
0xcd: {  	v3 =	vand.u32 $0x7, v3;
	v4 =	vand.u32 $0xFFFFFFE0, v12  }
0xce: {  	v3 =	vor.u32 v3, v4  }
0xcf: {  	v4 =	vperm.xlane v3, v0;
	_ =	sdelay $0x1  }
0xd0: {  	v4 =	vadd.s32 v1, v4;
	_ =	sdelay $0x1  }
0xd1: {  	v3 =	vperm.xlane v3, v2;
	_ =	sdelay $0x1  }
0xd2: {  	s19 =	simm.s32 $0x600;
	v3 =	vadd.s32 v1, v3  }
0xd3: {  	[hbm4b:s2+s3] =	stream.indirect_vreg.scatter [tilespmem:s19], [sflag:$0x4], $0x80, v4, vm0, $0xb8;
	[tilespmem:$0x18600] =	vst v63  }
0xd4: {  	s22 =	simm.s32 $0xE00  }
0xd5: {  	[hbm4b:s6+s3] =	stream.indirect_vreg.scatter [tilespmem:s22], [sflag:$0x4], $0x80, v4, vm0, $0xb8;
	[tilespmem:$0x18600] =	vst v63  }
0xd6: {  	s23 =	simm.s32 $0x1600  }
0xd7: {  	[hbm4b:s2+s3] =	stream.indirect_vreg.scatter [tilespmem:s23], [sflag:$0x4], $0x80, v3, vm0, $0xb8;
	[tilespmem:$0x18600] =	vst v63  }
0xd8: {  	s21 =	simm.s32 $0x1E00  }
0xd9: {  	[hbm4b:s6+s3] =	stream.indirect_vreg.scatter [tilespmem:s21], [sflag:$0x4], $0x80, v3, vm0, $0xb8;
	[tilespmem:$0x18600] =	vst v63  }
0xda: {  	v3 =	vld [tilespmem:$0x10];
	_ =	sdelay $0x4  }
0xdb: {  	v13 =	vshll.u32 v3, $0x2  }
0xdc: {  	v3 =	vand.u32 $0x7, v3;
	v4 =	vand.u32 $0xFFFFFFE0, v13  }
0xdd: {  	v3 =	vor.u32 v3, v4  }
0xde: {  	v4 =	vperm.xlane v3, v0;
	_ =	sdelay $0x1  }
0xdf: {  	v4 =	vadd.s32 v1, v4;
	_ =	sdelay $0x1  }
0xe0: {  	v3 =	vperm.xlane v3, v2;
	_ =	sdelay $0x1  }
0xe1: {  	s1 =	simm.s32 $0x2600;
	v3 =	vadd.s32 v1, v3  }
0xe2: {  	[hbm4b:s2+s3] =	stream.indirect_vreg.scatter [tilespmem:s1], [sflag:$0x4], $0x80, v4, vm0, $0xb8;
	[tilespmem:$0x18600] =	vst v63  }
0xe3: {  	s8 =	simm.s32 $0x2E00  }
0xe4: {  	[hbm4b:s6+s3] =	stream.indirect_vreg.scatter [tilespmem:s8], [sflag:$0x4], $0x80, v4, vm0, $0xb8;
	[tilespmem:$0x18600] =	vst v63  }
0xe5: {  	s9 =	simm.s32 $0x3600  }
0xe6: {  	[hbm4b:s2+s3] =	stream.indirect_vreg.scatter [tilespmem:s9], [sflag:$0x4], $0x80, v3, vm0, $0xb8;
	[tilespmem:$0x18600] =	vst v63  }
0xe7: {  	s7 =	simm.s32 $0x3E00  }
0xe8: {  	[hbm4b:s6+s3] =	stream.indirect_vreg.scatter [tilespmem:s7], [sflag:$0x4], $0x80, v3, vm0, $0xb8;
	[tilespmem:$0x18600] =	vst v63  }
0xe9: {  	v3 =	vld [tilespmem:$0x20];
	_ =	sdelay $0x4  }
0xea: {  	v14 =	vshll.u32 v3, $0x2  }
0xeb: {  	v3 =	vand.u32 $0x7, v3;
	v4 =	vand.u32 $0xFFFFFFE0, v14  }
0xec: {  	v3 =	vor.u32 v3, v4  }
0xed: {  	v4 =	vperm.xlane v3, v0;
	_ =	sdelay $0x1  }
0xee: {  	v4 =	vadd.s32 v1, v4;
	_ =	sdelay $0x1  }
0xef: {  	v3 =	vperm.xlane v3, v2;
	_ =	sdelay $0x1  }
0xf0: {  	s31 =	simm.s32 $0x4600;
	v3 =	vadd.s32 v1, v3  }
0xf1: {  	[hbm4b:s2+s3] =	stream.indirect_vreg.scatter [tilespmem:s31], [sflag:$0x4], $0x80, v4, vm0, $0xb8;
	[tilespmem:$0x18600] =	vst v63  }
0xf2: {  	s10 =	simm.s32 $0x4E00  }
0xf3: {  	[hbm4b:s6+s3] =	stream.indirect_vreg.scatter [tilespmem:s10], [sflag:$0x4], $0x80, v4, vm0, $0xb8;
	[tilespmem:$0x18600] =	vst v63  }
0xf4: {  	s11 =	simm.s32 $0x5600  }
0xf5: {  	[hbm4b:s2+s3] =	stream.indirect_vreg.scatter [tilespmem:s11], [sflag:$0x4], $0x80, v3, vm0, $0xb8;
	[tilespmem:$0x18600] =	vst v63  }
0xf6: {  	s26 =	simm.s32 $0x5E00  }
0xf7: {  	[hbm4b:s6+s3] =	stream.indirect_vreg.scatter [tilespmem:s26], [sflag:$0x4], $0x80, v3, vm0, $0xb8;
	[tilespmem:$0x18600] =	vst v63  }
0xf8: {  	v3 =	vld [tilespmem:$0x30];
	_ =	sdelay $0x4  }
0xf9: {  	v15 =	vshll.u32 v3, $0x2  }
0xfa: {  	v3 =	vand.u32 $0x7, v3;
	v4 =	vand.u32 $0xFFFFFFE0, v15  }
0xfb: {  	v3 =	vor.u32 v3, v4  }
0xfc: {  	v4 =	vperm.xlane v3, v0;
	_ =	sdelay $0x1  }
0xfd: {  	v4 =	vadd.s32 v1, v4;
	_ =	sdelay $0x1  }
0xfe: {  	v3 =	vperm.xlane v3, v2;
	_ =	sdelay $0x1  }
0xff: {  	s15 =	simm.s32 $0x6600;
	v3 =	vadd.s32 v1, v3  }
0x100: {  	[hbm4b:s2+s3] =	stream.indirect_vreg.scatter [tilespmem:s15], [sflag:$0x4], $0x80, v4, vm0, $0xb8;
	[tilespmem:$0x18600] =	vst v63  }
0x101: {  	s16 =	simm.s32 $0x6E00  }
0x102: {  	[hbm4b:s6+s3] =	stream.indirect_vreg.scatter [tilespmem:s16], [sflag:$0x4], $0x80, v4, vm0, $0xb8;
	[tilespmem:$0x18600] =	vst v63  }
0x103: {  	s20 =	simm.s32 $0x7600  }
0x104: {  	[hbm4b:s2+s3] =	stream.indirect_vreg.scatter [tilespmem:s20], [sflag:$0x4], $0x80, v3, vm0, $0xb8;
	[tilespmem:$0x18600] =	vst v63  }
0x105: {  	s29 =	simm.s32 $0x7E00  }
0x106: {  	[hbm4b:s6+s3] =	stream.indirect_vreg.scatter [tilespmem:s29], [sflag:$0x4], $0x80, v3, vm0, $0xb8;
	[tilespmem:$0x18600] =	vst v63  }
0x107: {  	_ =	swait.ge [sflag:s18], $0x8000  }
0x108: {  	[sflag:s18] =	ssyncset.done $0x0  }
0x109: {  	[sflag:s18] =	ssyncadd.s32 $0xFFFF8000  }
0x10a: {  	v3 =	vld [tilespmem:$0x4C0];
	_ =	sdelay $0x4  }
0x10b: {  	v16 =	vshll.u32 v3, $0x2  }
0x10c: {  	v3 =	vand.u32 $0x7, v3;
	v4 =	vand.u32 $0xFFFFFFE0, v16  }
0x10d: {  	v3 =	vor.u32 v3, v4  }
0x10e: {  	v4 =	vperm.xlane v3, v0;
	_ =	sdelay $0x1  }
0x10f: {  	v4 =	vadd.s32 v1, v4;
	_ =	sdelay $0x1  }
0x110: {  	v3 =	vperm.xlane v3, v2;
	_ =	sdelay $0x1  }
0x111: {  	v3 =	vadd.s32 v1, v3  }
0x112: {  	[tilespmem:s19], [sflag:$0x1] =	stream.indirect_vreg.gather [hbm4b:s4+s3], $0x80, v4, vm0, $0xb8;
	[tilespmem:$0x18600] =	vst v63  }
0x113: {  	_ = 	snop  }
0x114: {  	[tilespmem:s22], [sflag:$0x1] =	stream.indirect_vreg.gather [hbm4b:s5+s3], $0x80, v4, vm0, $0xb8;
	[tilespmem:$0x18600] =	vst v63  }
0x115: {  	_ = 	snop  }
0x116: {  	[tilespmem:s23], [sflag:$0x1] =	stream.indirect_vreg.gather [hbm4b:s4+s3], $0x80, v3, vm0, $0xb8;
	[tilespmem:$0x18600] =	vst v63  }
0x117: {  	_ = 	snop  }
0x118: {  	[tilespmem:s21], [sflag:$0x1] =	stream.indirect_vreg.gather [hbm4b:s5+s3], $0x80, v3, vm0, $0xb8;
	[tilespmem:$0x18600] =	vst v63  }
0x119: {  	v3 =	vld [tilespmem:$0x4D0];
	_ =	sdelay $0x4  }
0x11a: {  	v17 =	vshll.u32 v3, $0x2  }
0x11b: {  	v3 =	vand.u32 $0x7, v3;
	v4 =	vand.u32 $0xFFFFFFE0, v17  }
0x11c: {  	v3 =	vor.u32 v3, v4  }
0x11d: {  	v4 =	vperm.xlane v3, v0;
	_ =	sdelay $0x1  }
0x11e: {  	v4 =	vadd.s32 v1, v4;
	_ =	sdelay $0x1  }
0x11f: {  	v3 =	vperm.xlane v3, v2;
	_ =	sdelay $0x1  }
0x120: {  	v3 =	vadd.s32 v1, v3  }
0x121: {  	[tilespmem:s1], [sflag:$0x1] =	stream.indirect_vreg.gather [hbm4b:s4+s3], $0x80, v4, vm0, $0xb8;
	[tilespmem:$0x18600] =	vst v63  }
0x122: {  	_ = 	snop  }
0x123: {  	[tilespmem:s8], [sflag:$0x1] =	stream.indirect_vreg.gather [hbm4b:s5+s3], $0x80, v4, vm0, $0xb8;
	[tilespmem:$0x18600] =	vst v63  }
0x124: {  	_ = 	snop  }
0x125: {  	[tilespmem:s9], [sflag:$0x1] =	stream.indirect_vreg.gather [hbm4b:s4+s3], $0x80, v3, vm0, $0xb8;
	[tilespmem:$0x18600] =	vst v63  }
0x126: {  	_ = 	snop  }
0x127: {  	[tilespmem:s7], [sflag:$0x1] =	stream.indirect_vreg.gather [hbm4b:s5+s3], $0x80, v3, vm0, $0xb8;
	[tilespmem:$0x18600] =	vst v63  }
0x128: {  	v3 =	vld [tilespmem:$0x4E0];
	_ =	sdelay $0x4  }
0x129: {  	v18 =	vshll.u32 v3, $0x2  }
0x12a: {  	v3 =	vand.u32 $0x7, v3;
	v4 =	vand.u32 $0xFFFFFFE0, v18  }
0x12b: {  	v3 =	vor.u32 v3, v4  }
0x12c: {  	v4 =	vperm.xlane v3, v0;
	_ =	sdelay $0x1  }
0x12d: {  	v4 =	vadd.s32 v1, v4;
	_ =	sdelay $0x1  }
0x12e: {  	v3 =	vperm.xlane v3, v2;
	_ =	sdelay $0x1  }
0x12f: {  	v3 =	vadd.s32 v1, v3  }
0x130: {  	[tilespmem:s31], [sflag:$0x1] =	stream.indirect_vreg.gather [hbm4b:s4+s3], $0x80, v4, vm0, $0xb8;
	[tilespmem:$0x18600] =	vst v63  }
0x131: {  	_ = 	snop  }
0x132: {  	[tilespmem:s10], [sflag:$0x1] =	stream.indirect_vreg.gather [hbm4b:s5+s3], $0x80, v4, vm0, $0xb8;
	[tilespmem:$0x18600] =	vst v63  }
0x133: {  	_ = 	snop  }
0x134: {  	[tilespmem:s11], [sflag:$0x1] =	stream.indirect_vreg.gather [hbm4b:s4+s3], $0x80, v3, vm0, $0xb8;
	[tilespmem:$0x18600] =	vst v63  }
0x135: {  	_ = 	snop  }
0x136: {  	[tilespmem:s26], [sflag:$0x1] =	stream.indirect_vreg.gather [hbm4b:s5+s3], $0x80, v3, vm0, $0xb8;
	[tilespmem:$0x18600] =	vst v63  }
0x137: {  	v3 =	vld [tilespmem:$0x4F0];
	_ =	sdelay $0x4  }
0x138: {  	v19 =	vshll.u32 v3, $0x2  }
0x139: {  	v3 =	vand.u32 $0x7, v3;
	v4 =	vand.u32 $0xFFFFFFE0, v19  }
0x13a: {  	v3 =	vor.u32 v3, v4  }
0x13b: {  	v4 =	vperm.xlane v3, v0;
	_ =	sdelay $0x1  }
0x13c: {  	v4 =	vadd.s32 v1, v4;
	_ =	sdelay $0x1  }
0x13d: {  	v3 =	vperm.xlane v3, v2;
	_ =	sdelay $0x1  }
0x13e: {  	v3 =	vadd.s32 v1, v3  }
0x13f: {  	[tilespmem:s15], [sflag:$0x1] =	stream.indirect_vreg.gather [hbm4b:s4+s3], $0x80, v4, vm0, $0xb8;
	[tilespmem:$0x18600] =	vst v63  }
0x140: {  	_ = 	snop  }
0x141: {  	[tilespmem:s16], [sflag:$0x1] =	stream.indirect_vreg.gather [hbm4b:s5+s3], $0x80, v4, vm0, $0xb8;
	[tilespmem:$0x18600] =	vst v63  }
0x142: {  	_ = 	snop  }
0x143: {  	[tilespmem:s20], [sflag:$0x1] =	stream.indirect_vreg.gather [hbm4b:s4+s3], $0x80, v3, vm0, $0xb8;
	[tilespmem:$0x18600] =	vst v63  }
0x144: {  	s19 =	simm.s32 $0x2  }
0x145: {  	[tilespmem:s29], [sflag:$0x1] =	stream.indirect_vreg.gather [hbm4b:s5+s3], $0x80, v3, vm0, $0xb8;
	[tilespmem:$0x18600] =	vst v63  }
0x146: {  	_ =	swait.ge [sflag:s19], $0x8000  }
0x147: {  	[sflag:s19] =	ssyncset.done $0x0  }
0x148: {  	[sflag:s19] =	ssyncadd.s32 $0xFFFF8000  }
0x149: {  	v3 =	vld [tilespmem:$0x80];
	_ =	sdelay $0x4  }
0x14a: {  	v20 =	vshll.u32 v3, $0x2  }
0x14b: {  	v3 =	vand.u32 $0x7, v3;
	v4 =	vand.u32 $0xFFFFFFE0, v20  }
0x14c: {  	v3 =	vor.u32 v3, v4  }
0x14d: {  	v4 =	vperm.xlane v3, v0;
	_ =	sdelay $0x1  }
0x14e: {  	v4 =	vadd.s32 v1, v4;
	_ =	sdelay $0x1  }
0x14f: {  	v3 =	vperm.xlane v3, v2;
	_ =	sdelay $0x1  }
0x150: {  	s10 =	simm.s32 $0x8600;
	v3 =	vadd.s32 v1, v3  }
0x151: {  	[hbm4b:s2+s3] =	stream.indirect_vreg.scatter [tilespmem:s10], [sflag:$0x5], $0x80, v4, vm0, $0xb8;
	[tilespmem:$0x18600] =	vst v63  }
0x152: {  	s11 =	simm.s32 $0x8E00  }
0x153: {  	[hbm4b:s6+s3] =	stream.indirect_vreg.scatter [tilespmem:s11], [sflag:$0x5], $0x80, v4, vm0, $0xb8;
	[tilespmem:$0x18600] =	vst v63  }
0x154: {  	s12 =	simm.s32 $0x9600  }
0x155: {  	[hbm4b:s2+s3] =	stream.indirect_vreg.scatter [tilespmem:s12], [sflag:$0x5], $0x80, v3, vm0, $0xb8;
	[tilespmem:$0x18600] =	vst v63  }
0x156: {  	s28 =	simm.s32 $0x9E00  }
0x157: {  	[hbm4b:s6+s3] =	stream.indirect_vreg.scatter [tilespmem:s28], [sflag:$0x5], $0x80, v3, vm0, $0xb8;
	[tilespmem:$0x18600] =	vst v63  }
0x158: {  	v3 =	vld [tilespmem:$0x90];
	_ =	sdelay $0x4  }
0x159: {  	v21 =	vshll.u32 v3, $0x2  }
0x15a: {  	v3 =	vand.u32 $0x7, v3;
	v4 =	vand.u32 $0xFFFFFFE0, v21  }
0x15b: {  	v3 =	vor.u32 v3, v4  }
0x15c: {  	v4 =	vperm.xlane v3, v0;
	_ =	sdelay $0x1  }
0x15d: {  	v4 =	vadd.s32 v1, v4;
	_ =	sdelay $0x1  }
0x15e: {  	v3 =	vperm.xlane v3, v2;
	_ =	sdelay $0x1  }
0x15f: {  	s13 =	simm.s32 $0xA600;
	v3 =	vadd.s32 v1, v3  }
0x160: {  	[hbm4b:s2+s3] =	stream.indirect_vreg.scatter [tilespmem:s13], [sflag:$0x5], $0x80, v4, vm0, $0xb8;
	[tilespmem:$0x18600] =	vst v63  }
0x161: {  	s15 =	simm.s32 $0xAE00  }
0x162: {  	[hbm4b:s6+s3] =	stream.indirect_vreg.scatter [tilespmem:s15], [sflag:$0x5], $0x80, v4, vm0, $0xb8;
	[tilespmem:$0x18600] =	vst v63  }
0x163: {  	s20 =	simm.s32 $0xB600  }
0x164: {  	[hbm4b:s2+s3] =	stream.indirect_vreg.scatter [tilespmem:s20], [sflag:$0x5], $0x80, v3, vm0, $0xb8;
	[tilespmem:$0x18600] =	vst v63  }
0x165: {  	s14 =	simm.s32 $0xBE00  }
0x166: {  	[hbm4b:s6+s3] =	stream.indirect_vreg.scatter [tilespmem:s14], [sflag:$0x5], $0x80, v3, vm0, $0xb8;
	[tilespmem:$0x18600] =	vst v63  }
0x167: {  	v3 =	vld [tilespmem:$0xA0];
	_ =	sdelay $0x4  }
0x168: {  	v22 =	vshll.u32 v3, $0x2  }
0x169: {  	v3 =	vand.u32 $0x7, v3;
	v4 =	vand.u32 $0xFFFFFFE0, v22  }
0x16a: {  	v3 =	vor.u32 v3, v4  }
0x16b: {  	v4 =	vperm.xlane v3, v0;
	_ =	sdelay $0x1  }
0x16c: {  	v4 =	vadd.s32 v1, v4;
	_ =	sdelay $0x1  }
0x16d: {  	v3 =	vperm.xlane v3, v2;
	_ =	sdelay $0x1  }
0x16e: {  	s21 =	simm.s32 $0xC600;
	v3 =	vadd.s32 v1, v3  }
0x16f: {  	[hbm4b:s2+s3] =	stream.indirect_vreg.scatter [tilespmem:s21], [sflag:$0x5], $0x80, v4, vm0, $0xb8;
	[tilespmem:$0x18600] =	vst v63  }
0x170: {  	s22 =	simm.s32 $0xCE00  }
0x171: {  	[hbm4b:s6+s3] =	stream.indirect_vreg.scatter [tilespmem:s22], [sflag:$0x5], $0x80, v4, vm0, $0xb8;
	[tilespmem:$0x18600] =	vst v63  }
0x172: {  	s23 =	simm.s32 $0xD600  }
0x173: {  	[hbm4b:s2+s3] =	stream.indirect_vreg.scatter [tilespmem:s23], [sflag:$0x5], $0x80, v3, vm0, $0xb8;
	[tilespmem:$0x18600] =	vst v63  }
0x174: {  	s25 =	simm.s32 $0xDE00  }
0x175: {  	[hbm4b:s6+s3] =	stream.indirect_vreg.scatter [tilespmem:s25], [sflag:$0x5], $0x80, v3, vm0, $0xb8;
	[tilespmem:$0x18600] =	vst v63  }
0x176: {  	v3 =	vld [tilespmem:$0xB0];
	_ =	sdelay $0x4  }
0x177: {  	v23 =	vshll.u32 v3, $0x2  }
0x178: {  	v3 =	vand.u32 $0x7, v3;
	v4 =	vand.u32 $0xFFFFFFE0, v23  }
0x179: {  	v3 =	vor.u32 v3, v4  }
0x17a: {  	v4 =	vperm.xlane v3, v0;
	_ =	sdelay $0x1  }
0x17b: {  	v4 =	vadd.s32 v1, v4;
	_ =	sdelay $0x1  }
0x17c: {  	v3 =	vperm.xlane v3, v2;
	_ =	sdelay $0x1  }
0x17d: {  	s24 =	simm.s32 $0xE600;
	v3 =	vadd.s32 v1, v3  }
0x17e: {  	[hbm4b:s2+s3] =	stream.indirect_vreg.scatter [tilespmem:s24], [sflag:$0x5], $0x80, v4, vm0, $0xb8;
	[tilespmem:$0x18600] =	vst v63  }
0x17f: {  	s26 =	simm.s32 $0xEE00  }
0x180: {  	[hbm4b:s6+s3] =	stream.indirect_vreg.scatter [tilespmem:s26], [sflag:$0x5], $0x80, v4, vm0, $0xb8;
	[tilespmem:$0x18600] =	vst v63  }
0x181: {  	s29 =	simm.s32 $0xF600  }
0x182: {  	[hbm4b:s2+s3] =	stream.indirect_vreg.scatter [tilespmem:s29], [sflag:$0x5], $0x80, v3, vm0, $0xb8;
	[tilespmem:$0x18600] =	vst v63  }
0x183: {  	s7 =	simm.s32 $0x5;
	s31 =	simm.s32 $0xFE00  }
0x184: {  	[hbm4b:s6+s3] =	stream.indirect_vreg.scatter [tilespmem:s31], [sflag:$0x5], $0x80, v3, vm0, $0xb8;
	[tilespmem:$0x18600] =	vst v63  }
0x185: {  	_ =	swait.ge [sflag:s7], $0x8000  }
0x186: {  	[sflag:s7] =	ssyncset.done $0x0  }
0x187: {  	[sflag:s7] =	ssyncadd.s32 $0xFFFF8000  }
0x188: {  	v3 =	vld [tilespmem:$0x500];
	_ =	sdelay $0x4  }
0x189: {  	v24 =	vshll.u32 v3, $0x2  }
0x18a: {  	v3 =	vand.u32 $0x7, v3;
	v4 =	vand.u32 $0xFFFFFFE0, v24  }
0x18b: {  	v3 =	vor.u32 v3, v4  }
0x18c: {  	v4 =	vperm.xlane v3, v0;
	_ =	sdelay $0x1  }
0x18d: {  	v4 =	vadd.s32 v1, v4;
	_ =	sdelay $0x1  }
0x18e: {  	v3 =	vperm.xlane v3, v2;
	_ =	sdelay $0x1  }
0x18f: {  	v3 =	vadd.s32 v1, v3  }
0x190: {  	[tilespmem:s10], [sflag:$0x2] =	stream.indirect_vreg.gather [hbm4b:s4+s3], $0x80, v4, vm0, $0xb8;
	[tilespmem:$0x18600] =	vst v63  }
0x191: {  	_ = 	snop  }
0x192: {  	[tilespmem:s11], [sflag:$0x2] =	stream.indirect_vreg.gather [hbm4b:s5+s3], $0x80, v4, vm0, $0xb8;
	[tilespmem:$0x18600] =	vst v63  }
0x193: {  	_ = 	snop  }
0x194: {  	[tilespmem:s12], [sflag:$0x2] =	stream.indirect_vreg.gather [hbm4b:s4+s3], $0x80, v3, vm0, $0xb8;
	[tilespmem:$0x18600] =	vst v63  }
0x195: {  	_ = 	snop  }
0x196: {  	[tilespmem:s28], [sflag:$0x2] =	stream.indirect_vreg.gather [hbm4b:s5+s3], $0x80, v3, vm0, $0xb8;
	[tilespmem:$0x18600] =	vst v63  }
0x197: {  	v3 =	vld [tilespmem:$0x510];
	_ =	sdelay $0x4  }
0x198: {  	v25 =	vshll.u32 v3, $0x2  }
0x199: {  	v3 =	vand.u32 $0x7, v3;
	v4 =	vand.u32 $0xFFFFFFE0, v25  }
0x19a: {  	v3 =	vor.u32 v3, v4  }
0x19b: {  	v4 =	vperm.xlane v3, v0;
	_ =	sdelay $0x1  }
0x19c: {  	v4 =	vadd.s32 v1, v4;
	_ =	sdelay $0x1  }
0x19d: {  	v3 =	vperm.xlane v3, v2;
	_ =	sdelay $0x1  }
0x19e: {  	v3 =	vadd.s32 v1, v3  }
0x19f: {  	[tilespmem:s13], [sflag:$0x2] =	stream.indirect_vreg.gather [hbm4b:s4+s3], $0x80, v4, vm0, $0xb8;
	[tilespmem:$0x18600] =	vst v63  }
0x1a0: {  	_ = 	snop  }
0x1a1: {  	[tilespmem:s15], [sflag:$0x2] =	stream.indirect_vreg.gather [hbm4b:s5+s3], $0x80, v4, vm0, $0xb8;
	[tilespmem:$0x18600] =	vst v63  }
0x1a2: {  	_ = 	snop  }
0x1a3: {  	[tilespmem:s20], [sflag:$0x2] =	stream.indirect_vreg.gather [hbm4b:s4+s3], $0x80, v3, vm0, $0xb8;
	[tilespmem:$0x18600] =	vst v63  }
0x1a4: {  	_ = 	snop  }
0x1a5: {  	[tilespmem:s14], [sflag:$0x2] =	stream.indirect_vreg.gather [hbm4b:s5+s3], $0x80, v3, vm0, $0xb8;
	[tilespmem:$0x18600] =	vst v63  }
0x1a6: {  	v3 =	vld [tilespmem:$0x520];
	_ =	sdelay $0x4  }
0x1a7: {  	v26 =	vshll.u32 v3, $0x2  }
0x1a8: {  	v3 =	vand.u32 $0x7, v3;
	v4 =	vand.u32 $0xFFFFFFE0, v26  }
0x1a9: {  	v3 =	vor.u32 v3, v4  }
0x1aa: {  	v4 =	vperm.xlane v3, v0;
	_ =	sdelay $0x1  }
0x1ab: {  	v4 =	vadd.s32 v1, v4;
	_ =	sdelay $0x1  }
0x1ac: {  	v3 =	vperm.xlane v3, v2;
	_ =	sdelay $0x1  }
0x1ad: {  	v3 =	vadd.s32 v1, v3  }
0x1ae: {  	[tilespmem:s21], [sflag:$0x2] =	stream.indirect_vreg.gather [hbm4b:s4+s3], $0x80, v4, vm0, $0xb8;
	[tilespmem:$0x18600] =	vst v63  }
0x1af: {  	_ = 	snop  }
0x1b0: {  	[tilespmem:s22], [sflag:$0x2] =	stream.indirect_vreg.gather [hbm4b:s5+s3], $0x80, v4, vm0, $0xb8;
	[tilespmem:$0x18600] =	vst v63  }
0x1b1: {  	_ = 	snop  }
0x1b2: {  	[tilespmem:s23], [sflag:$0x2] =	stream.indirect_vreg.gather [hbm4b:s4+s3], $0x80, v3, vm0, $0xb8;
	[tilespmem:$0x18600] =	vst v63  }
0x1b3: {  	_ = 	snop  }
0x1b4: {  	[tilespmem:s25], [sflag:$0x2] =	stream.indirect_vreg.gather [hbm4b:s5+s3], $0x80, v3, vm0, $0xb8;
	[tilespmem:$0x18600] =	vst v63  }
0x1b5: {  	v3 =	vld [tilespmem:$0x530];
	_ =	sdelay $0x4  }
0x1b6: {  	v27 =	vshll.u32 v3, $0x2  }
0x1b7: {  	v3 =	vand.u32 $0x7, v3;
	v4 =	vand.u32 $0xFFFFFFE0, v27  }
0x1b8: {  	v3 =	vor.u32 v3, v4  }
0x1b9: {  	v4 =	vperm.xlane v3, v0;
	_ =	sdelay $0x1  }
0x1ba: {  	v4 =	vadd.s32 v1, v4;
	_ =	sdelay $0x1  }
0x1bb: {  	v3 =	vperm.xlane v3, v2;
	_ =	sdelay $0x1  }
0x1bc: {  	v3 =	vadd.s32 v1, v3  }
0x1bd: {  	[tilespmem:s24], [sflag:$0x2] =	stream.indirect_vreg.gather [hbm4b:s4+s3], $0x80, v4, vm0, $0xb8;
	[tilespmem:$0x18600] =	vst v63  }
0x1be: {  	_ = 	snop  }
0x1bf: {  	[tilespmem:s26], [sflag:$0x2] =	stream.indirect_vreg.gather [hbm4b:s5+s3], $0x80, v4, vm0, $0xb8;
	[tilespmem:$0x18600] =	vst v63  }
0x1c0: {  	_ = 	snop  }
0x1c1: {  	[tilespmem:s29], [sflag:$0x2] =	stream.indirect_vreg.gather [hbm4b:s4+s3], $0x80, v3, vm0, $0xb8;
	[tilespmem:$0x18600] =	vst v63  }
0x1c2: {  	s0 =	simm.s32 $0x3  }
0x1c3: {  	[tilespmem:s31], [sflag:$0x2] =	stream.indirect_vreg.gather [hbm4b:s5+s3], $0x80, v3, vm0, $0xb8;
	[tilespmem:$0x18600] =	vst v63  }
0x1c4: {  	_ =	swait.ge [sflag:s0], $0x8000  }
0x1c5: {  	[sflag:s0] =	ssyncset.done $0x0  }
0x1c6: {  	[sflag:s0] =	ssyncadd.s32 $0xFFFF8000  }
0x1c7: {  	v3 =	vld [tilespmem:$0x100];
	_ =	sdelay $0x4  }
0x1c8: {  	v28 =	vshll.u32 v3, $0x2  }
0x1c9: {  	v3 =	vand.u32 $0x7, v3;
	v4 =	vand.u32 $0xFFFFFFE0, v28  }
0x1ca: {  	v3 =	vor.u32 v3, v4  }
0x1cb: {  	v4 =	vperm.xlane v3, v0;
	_ =	sdelay $0x1  }
0x1cc: {  	v4 =	vadd.s32 v1, v4;
	_ =	sdelay $0x1  }
0x1cd: {  	v3 =	vperm.xlane v3, v2;
	_ =	sdelay $0x1  }
0x1ce: {  	s9 =	simm.s32 $0x10600;
	v3 =	vadd.s32 v1, v3  }
0x1cf: {  	[hbm4b:s2+s3] =	stream.indirect_vreg.scatter [tilespmem:s9], [sflag:$0x6], $0x80, v4, vm0, $0xb8;
	[tilespmem:$0x18600] =	vst v63  }
0x1d0: {  	s10 =	simm.s32 $0x10E00  }
0x1d1: {  	[hbm4b:s6+s3] =	stream.indirect_vreg.scatter [tilespmem:s10], [sflag:$0x6], $0x80, v4, vm0, $0xb8;
	[tilespmem:$0x18600] =	vst v63  }
0x1d2: {  	s26 =	simm.s32 $0x11600  }
0x1d3: {  	[hbm4b:s2+s3] =	stream.indirect_vreg.scatter [tilespmem:s26], [sflag:$0x6], $0x80, v3, vm0, $0xb8;
	[tilespmem:$0x18600] =	vst v63  }
0x1d4: {  	s11 =	simm.s32 $0x11E00  }
0x1d5: {  	[hbm4b:s6+s3] =	stream.indirect_vreg.scatter [tilespmem:s11], [sflag:$0x6], $0x80, v3, vm0, $0xb8;
	[tilespmem:$0x18600] =	vst v63  }
0x1d6: {  	v3 =	vld [tilespmem:$0x110];
	_ =	sdelay $0x4  }
0x1d7: {  	v29 =	vshll.u32 v3, $0x2  }
0x1d8: {  	v3 =	vand.u32 $0x7, v3;
	v4 =	vand.u32 $0xFFFFFFE0, v29  }
0x1d9: {  	v3 =	vor.u32 v3, v4  }
0x1da: {  	v4 =	vperm.xlane v3, v0;
	_ =	sdelay $0x1  }
0x1db: {  	v4 =	vadd.s32 v1, v4;
	_ =	sdelay $0x1  }
0x1dc: {  	v3 =	vperm.xlane v3, v2;
	_ =	sdelay $0x1  }
0x1dd: {  	s12 =	simm.s32 $0x12600;
	v3 =	vadd.s32 v1, v3  }
0x1de: {  	[hbm4b:s2+s3] =	stream.indirect_vreg.scatter [tilespmem:s12], [sflag:$0x6], $0x80, v4, vm0, $0xb8;
	[tilespmem:$0x18600] =	vst v63  }
0x1df: {  	s13 =	simm.s32 $0x12E00  }
0x1e0: {  	[hbm4b:s6+s3] =	stream.indirect_vreg.scatter [tilespmem:s13], [sflag:$0x6], $0x80, v4, vm0, $0xb8;
	[tilespmem:$0x18600] =	vst v63  }
0x1e1: {  	s14 =	simm.s32 $0x13600  }
0x1e2: {  	[hbm4b:s2+s3] =	stream.indirect_vreg.scatter [tilespmem:s14], [sflag:$0x6], $0x80, v3, vm0, $0xb8;
	[tilespmem:$0x18600] =	vst v63  }
0x1e3: {  	s15 =	simm.s32 $0x13E00  }
0x1e4: {  	[hbm4b:s6+s3] =	stream.indirect_vreg.scatter [tilespmem:s15], [sflag:$0x6], $0x80, v3, vm0, $0xb8;
	[tilespmem:$0x18600] =	vst v63  }
0x1e5: {  	v3 =	vld [tilespmem:$0x120];
	_ =	sdelay $0x4  }
0x1e6: {  	v30 =	vshll.u32 v3, $0x2  }
0x1e7: {  	v3 =	vand.u32 $0x7, v3;
	v4 =	vand.u32 $0xFFFFFFE0, v30  }
0x1e8: {  	v3 =	vor.u32 v3, v4  }
0x1e9: {  	v4 =	vperm.xlane v3, v0;
	_ =	sdelay $0x1  }
0x1ea: {  	v4 =	vadd.s32 v1, v4;
	_ =	sdelay $0x1  }
0x1eb: {  	v3 =	vperm.xlane v3, v2;
	_ =	sdelay $0x1  }
0x1ec: {  	s16 =	simm.s32 $0x14600;
	v3 =	vadd.s32 v1, v3  }
0x1ed: {  	[hbm4b:s2+s3] =	stream.indirect_vreg.scatter [tilespmem:s16], [sflag:$0x6], $0x80, v4, vm0, $0xb8;
	[tilespmem:$0x18600] =	vst v63  }
0x1ee: {  	s24 =	simm.s32 $0x14E00  }
0x1ef: {  	[hbm4b:s6+s3] =	stream.indirect_vreg.scatter [tilespmem:s24], [sflag:$0x6], $0x80, v4, vm0, $0xb8;
	[tilespmem:$0x18600] =	vst v63  }
0x1f0: {  	s25 =	simm.s32 $0x15600  }
0x1f1: {  	[hbm4b:s2+s3] =	stream.indirect_vreg.scatter [tilespmem:s25], [sflag:$0x6], $0x80, v3, vm0, $0xb8;
	[tilespmem:$0x18600] =	vst v63  }
0x1f2: {  	s20 =	simm.s32 $0x15E00  }
0x1f3: {  	[hbm4b:s6+s3] =	stream.indirect_vreg.scatter [tilespmem:s20], [sflag:$0x6], $0x80, v3, vm0, $0xb8;
	[tilespmem:$0x18600] =	vst v63  }
0x1f4: {  	v3 =	vld [tilespmem:$0x130];
	_ =	sdelay $0x4  }
0x1f5: {  	v31 =	vshll.u32 v3, $0x2  }
0x1f6: {  	v3 =	vand.u32 $0x7, v3;
	v4 =	vand.u32 $0xFFFFFFE0, v31  }
0x1f7: {  	v3 =	vor.u32 v3, v4  }
0x1f8: {  	v4 =	vperm.xlane v3, v0;
	_ =	sdelay $0x1  }
0x1f9: {  	v4 =	vadd.s32 v1, v4;
	_ =	sdelay $0x1  }
0x1fa: {  	v3 =	vperm.xlane v3, v2;
	_ =	sdelay $0x1  }
0x1fb: {  	s21 =	simm.s32 $0x16600;
	v3 =	vadd.s32 v1, v3  }
0x1fc: {  	[hbm4b:s2+s3] =	stream.indirect_vreg.scatter [tilespmem:s21], [sflag:$0x6], $0x80, v4, vm0, $0xb8;
	[tilespmem:$0x18600] =	vst v63  }
0x1fd: {  	s22 =	simm.s32 $0x16E00  }
0x1fe: {  	[hbm4b:s6+s3] =	stream.indirect_vreg.scatter [tilespmem:s22], [sflag:$0x6], $0x80, v4, vm0, $0xb8;
	[tilespmem:$0x18600] =	vst v63  }
0x1ff: {  	s23 =	simm.s32 $0x17600  }
0x200: {  	[hbm4b:s2+s3] =	stream.indirect_vreg.scatter [tilespmem:s23], [sflag:$0x6], $0x80, v3, vm0, $0xb8;
	[tilespmem:$0x18600] =	vst v63  }
0x201: {  	s1 =	simm.s32 $0x6;
	s31 =	simm.s32 $0x17E00  }
0x202: {  	[hbm4b:s6+s3] =	stream.indirect_vreg.scatter [tilespmem:s31], [sflag:$0x6], $0x80, v3, vm0, $0xb8;
	[tilespmem:$0x18600] =	vst v63  }
0x203: {  	_ =	swait.ge [sflag:s1], $0x8000  }
0x204: {  	[sflag:s1] =	ssyncset.done $0x0  }
0x205: {  	[sflag:s1] =	ssyncadd.s32 $0xFFFF8000  }
0x206: {  	v3 =	vld [tilespmem:$0x540];
	_ =	sdelay $0x4  }
0x207: {  	v32 =	vshll.u32 v3, $0x2  }
0x208: {  	v3 =	vand.u32 $0x7, v3;
	v4 =	vand.u32 $0xFFFFFFE0, v32  }
0x209: {  	v3 =	vor.u32 v3, v4  }
0x20a: {  	v4 =	vperm.xlane v3, v0;
	_ =	sdelay $0x1  }
0x20b: {  	v4 =	vadd.s32 v1, v4;
	_ =	sdelay $0x1  }
0x20c: {  	v3 =	vperm.xlane v3, v2;
	_ =	sdelay $0x1  }
0x20d: {  	v3 =	vadd.s32 v1, v3  }
0x20e: {  	[tilespmem:s9], [sflag:$0x3] =	stream.indirect_vreg.gather [hbm4b:s4+s3], $0x80, v4, vm0, $0xb8;
	[tilespmem:$0x18600] =	vst v63  }
0x20f: {  	_ = 	snop  }
0x210: {  	[tilespmem:s10], [sflag:$0x3] =	stream.indirect_vreg.gather [hbm4b:s5+s3], $0x80, v4, vm0, $0xb8;
	[tilespmem:$0x18600] =	vst v63  }
0x211: {  	_ = 	snop  }
0x212: {  	[tilespmem:s26], [sflag:$0x3] =	stream.indirect_vreg.gather [hbm4b:s4+s3], $0x80, v3, vm0, $0xb8;
	[tilespmem:$0x18600] =	vst v63  }
0x213: {  	_ = 	snop  }
0x214: {  	[tilespmem:s11], [sflag:$0x3] =	stream.indirect_vreg.gather [hbm4b:s5+s3], $0x80, v3, vm0, $0xb8;
	[tilespmem:$0x18600] =	vst v63  }
0x215: {  	v3 =	vld [tilespmem:$0x550];
	_ =	sdelay $0x4  }
0x216: {  	v33 =	vshll.u32 v3, $0x2  }
0x217: {  	v3 =	vand.u32 $0x7, v3;
	v4 =	vand.u32 $0xFFFFFFE0, v33  }
0x218: {  	v3 =	vor.u32 v3, v4  }
0x219: {  	v4 =	vperm.xlane v3, v0;
	_ =	sdelay $0x1  }
0x21a: {  	v4 =	vadd.s32 v1, v4;
	_ =	sdelay $0x1  }
0x21b: {  	v3 =	vperm.xlane v3, v2;
	_ =	sdelay $0x1  }
0x21c: {  	v3 =	vadd.s32 v1, v3  }
0x21d: {  	[tilespmem:s12], [sflag:$0x3] =	stream.indirect_vreg.gather [hbm4b:s4+s3], $0x80, v4, vm0, $0xb8;
	[tilespmem:$0x18600] =	vst v63  }
0x21e: {  	_ = 	snop  }
0x21f: {  	[tilespmem:s13], [sflag:$0x3] =	stream.indirect_vreg.gather [hbm4b:s5+s3], $0x80, v4, vm0, $0xb8;
	[tilespmem:$0x18600] =	vst v63  }
0x220: {  	_ = 	snop  }
0x221: {  	[tilespmem:s14], [sflag:$0x3] =	stream.indirect_vreg.gather [hbm4b:s4+s3], $0x80, v3, vm0, $0xb8;
	[tilespmem:$0x18600] =	vst v63  }
0x222: {  	_ = 	snop  }
0x223: {  	[tilespmem:s15], [sflag:$0x3] =	stream.indirect_vreg.gather [hbm4b:s5+s3], $0x80, v3, vm0, $0xb8;
	[tilespmem:$0x18600] =	vst v63  }
0x224: {  	v3 =	vld [tilespmem:$0x560];
	_ =	sdelay $0x4  }
0x225: {  	v34 =	vshll.u32 v3, $0x2  }
0x226: {  	v3 =	vand.u32 $0x7, v3;
	v4 =	vand.u32 $0xFFFFFFE0, v34  }
0x227: {  	v3 =	vor.u32 v3, v4  }
0x228: {  	v4 =	vperm.xlane v3, v0;
	_ =	sdelay $0x1  }
0x229: {  	v4 =	vadd.s32 v1, v4;
	_ =	sdelay $0x1  }
0x22a: {  	v3 =	vperm.xlane v3, v2;
	_ =	sdelay $0x1  }
0x22b: {  	v3 =	vadd.s32 v1, v3  }
0x22c: {  	[tilespmem:s16], [sflag:$0x3] =	stream.indirect_vreg.gather [hbm4b:s4+s3], $0x80, v4, vm0, $0xb8;
	[tilespmem:$0x18600] =	vst v63  }
0x22d: {  	_ = 	snop  }
0x22e: {  	[tilespmem:s24], [sflag:$0x3] =	stream.indirect_vreg.gather [hbm4b:s5+s3], $0x80, v4, vm0, $0xb8;
	[tilespmem:$0x18600] =	vst v63  }
0x22f: {  	_ = 	snop  }
0x230: {  	[tilespmem:s25], [sflag:$0x3] =	stream.indirect_vreg.gather [hbm4b:s4+s3], $0x80, v3, vm0, $0xb8;
	[tilespmem:$0x18600] =	vst v63  }
0x231: {  	_ = 	snop  }
0x232: {  	[tilespmem:s20], [sflag:$0x3] =	stream.indirect_vreg.gather [hbm4b:s5+s3], $0x80, v3, vm0, $0xb8;
	[tilespmem:$0x18600] =	vst v63  }
0x233: {  	v3 =	vld [tilespmem:$0x570];
	_ =	sdelay $0x4  }
0x234: {  	v35 =	vshll.u32 v3, $0x2  }
0x235: {  	v3 =	vand.u32 $0x7, v3;
	v4 =	vand.u32 $0xFFFFFFE0, v35  }
0x236: {  	v3 =	vor.u32 v3, v4  }
0x237: {  	v4 =	vperm.xlane v3, v0;
	_ =	sdelay $0x1  }
0x238: {  	v4 =	vadd.s32 v1, v4;
	_ =	sdelay $0x1  }
0x239: {  	v3 =	vperm.xlane v3, v2;
	_ =	sdelay $0x1  }
0x23a: {  	v3 =	vadd.s32 v1, v3  }
0x23b: {  	[tilespmem:s21], [sflag:$0x3] =	stream.indirect_vreg.gather [hbm4b:s4+s3], $0x80, v4, vm0, $0xb8;
	[tilespmem:$0x18600] =	vst v63  }
0x23c: {  	_ = 	snop  }
0x23d: {  	[tilespmem:s22], [sflag:$0x3] =	stream.indirect_vreg.gather [hbm4b:s5+s3], $0x80, v4, vm0, $0xb8;
	[tilespmem:$0x18600] =	vst v63  }
0x23e: {  	_ = 	snop  }
0x23f: {  	[tilespmem:s23], [sflag:$0x3] =	stream.indirect_vreg.gather [hbm4b:s4+s3], $0x80, v3, vm0, $0xb8;
	[tilespmem:$0x18600] =	vst v63  }
0x240: {  	_ = 	snop  }
0x241: {  	[tilespmem:s31], [sflag:$0x3] =	stream.indirect_vreg.gather [hbm4b:s5+s3], $0x80, v3, vm0, $0xb8;
	[tilespmem:$0x18600] =	vst v63  }
0x242: {  	_ =	swait.ge [sflag:s17], $0x8000  }
0x243: {  	[sflag:s17] =	ssyncset.done $0x0  }
0x244: {  	[sflag:s17] =	ssyncadd.s32 $0xFFFF8000  }
0x245: {  	v3 =	vld [tilespmem:$0x180];
	_ =	sdelay $0x4  }
0x246: {  	v36 =	vshll.u32 v3, $0x2  }
0x247: {  	v3 =	vand.u32 $0x7, v3;
	v4 =	vand.u32 $0xFFFFFFE0, v36  }
0x248: {  	v3 =	vor.u32 v3, v4  }
0x249: {  	v4 =	vperm.xlane v3, v0;
	_ =	sdelay $0x1  }
0x24a: {  	v4 =	vadd.s32 v1, v4;
	_ =	sdelay $0x1  }
0x24b: {  	v3 =	vperm.xlane v3, v2;
	_ =	sdelay $0x1  }
0x24c: {  	s24 =	simm.s32 $0x600;
	v3 =	vadd.s32 v1, v3  }
0x24d: {  	[hbm4b:s2+s3] =	stream.indirect_vreg.scatter [tilespmem:s24], [sflag:$0x4], $0x80, v4, vm0, $0xb8;
	[tilespmem:$0x18600] =	vst v63  }
0x24e: {  	s11 =	simm.s32 $0xE00  }
0x24f: {  	[hbm4b:s6+s3] =	stream.indirect_vreg.scatter [tilespmem:s11], [sflag:$0x4], $0x80, v4, vm0, $0xb8;
	[tilespmem:$0x18600] =	vst v63  }
0x250: {  	s15 =	simm.s32 $0x1600  }
0x251: {  	[hbm4b:s2+s3] =	stream.indirect_vreg.scatter [tilespmem:s15], [sflag:$0x4], $0x80, v3, vm0, $0xb8;
	[tilespmem:$0x18600] =	vst v63  }
0x252: {  	s28 =	simm.s32 $0x1E00  }
0x253: {  	[hbm4b:s6+s3] =	stream.indirect_vreg.scatter [tilespmem:s28], [sflag:$0x4], $0x80, v3, vm0, $0xb8;
	[tilespmem:$0x18600] =	vst v63  }
0x254: {  	v3 =	vld [tilespmem:$0x190];
	_ =	sdelay $0x4  }
0x255: {  	v37 =	vshll.u32 v3, $0x2  }
0x256: {  	v3 =	vand.u32 $0x7, v3;
	v4 =	vand.u32 $0xFFFFFFE0, v37  }
0x257: {  	v3 =	vor.u32 v3, v4  }
0x258: {  	v4 =	vperm.xlane v3, v0;
	_ =	sdelay $0x1  }
0x259: {  	v4 =	vadd.s32 v1, v4;
	_ =	sdelay $0x1  }
0x25a: {  	v3 =	vperm.xlane v3, v2;
	_ =	sdelay $0x1  }
0x25b: {  	s8 =	simm.s32 $0x2600;
	v3 =	vadd.s32 v1, v3  }
0x25c: {  	[hbm4b:s2+s3] =	stream.indirect_vreg.scatter [tilespmem:s8], [sflag:$0x4], $0x80, v4, vm0, $0xb8;
	[tilespmem:$0x18600] =	vst v63  }
0x25d: {  	s9 =	simm.s32 $0x2E00  }
0x25e: {  	[hbm4b:s6+s3] =	stream.indirect_vreg.scatter [tilespmem:s9], [sflag:$0x4], $0x80, v4, vm0, $0xb8;
	[tilespmem:$0x18600] =	vst v63  }
0x25f: {  	s20 =	simm.s32 $0x3600  }
0x260: {  	[hbm4b:s2+s3] =	stream.indirect_vreg.scatter [tilespmem:s20], [sflag:$0x4], $0x80, v3, vm0, $0xb8;
	[tilespmem:$0x18600] =	vst v63  }
0x261: {  	s29 =	simm.s32 $0x3E00  }
0x262: {  	[hbm4b:s6+s3] =	stream.indirect_vreg.scatter [tilespmem:s29], [sflag:$0x4], $0x80, v3, vm0, $0xb8;
	[tilespmem:$0x18600] =	vst v63  }
0x263: {  	v3 =	vld [tilespmem:$0x1A0];
	_ =	sdelay $0x4  }
0x264: {  	v38 =	vshll.u32 v3, $0x2  }
0x265: {  	v3 =	vand.u32 $0x7, v3;
	v4 =	vand.u32 $0xFFFFFFE0, v38  }
0x266: {  	v3 =	vor.u32 v3, v4  }
0x267: {  	v4 =	vperm.xlane v3, v0;
	_ =	sdelay $0x1  }
0x268: {  	v4 =	vadd.s32 v1, v4;
	_ =	sdelay $0x1  }
0x269: {  	v3 =	vperm.xlane v3, v2;
	_ =	sdelay $0x1  }
0x26a: {  	s10 =	simm.s32 $0x4600;
	v3 =	vadd.s32 v1, v3  }
0x26b: {  	[hbm4b:s2+s3] =	stream.indirect_vreg.scatter [tilespmem:s10], [sflag:$0x4], $0x80, v4, vm0, $0xb8;
	[tilespmem:$0x18600] =	vst v63  }
0x26c: {  	s12 =	simm.s32 $0x4E00  }
0x26d: {  	[hbm4b:s6+s3] =	stream.indirect_vreg.scatter [tilespmem:s12], [sflag:$0x4], $0x80, v4, vm0, $0xb8;
	[tilespmem:$0x18600] =	vst v63  }
0x26e: {  	s16 =	simm.s32 $0x5600  }
0x26f: {  	[hbm4b:s2+s3] =	stream.indirect_vreg.scatter [tilespmem:s16], [sflag:$0x4], $0x80, v3, vm0, $0xb8;
	[tilespmem:$0x18600] =	vst v63  }
0x270: {  	s13 =	simm.s32 $0x5E00  }
0x271: {  	[hbm4b:s6+s3] =	stream.indirect_vreg.scatter [tilespmem:s13], [sflag:$0x4], $0x80, v3, vm0, $0xb8;
	[tilespmem:$0x18600] =	vst v63  }
0x272: {  	v3 =	vld [tilespmem:$0x1B0];
	_ =	sdelay $0x4  }
0x273: {  	v39 =	vshll.u32 v3, $0x2  }
0x274: {  	v3 =	vand.u32 $0x7, v3;
	v4 =	vand.u32 $0xFFFFFFE0, v39  }
0x275: {  	v3 =	vor.u32 v3, v4  }
0x276: {  	v4 =	vperm.xlane v3, v0;
	_ =	sdelay $0x1  }
0x277: {  	v4 =	vadd.s32 v1, v4;
	_ =	sdelay $0x1  }
0x278: {  	v3 =	vperm.xlane v3, v2;
	_ =	sdelay $0x1  }
0x279: {  	s14 =	simm.s32 $0x6600;
	v3 =	vadd.s32 v1, v3  }
0x27a: {  	[hbm4b:s2+s3] =	stream.indirect_vreg.scatter [tilespmem:s14], [sflag:$0x4], $0x80, v4, vm0, $0xb8;
	[tilespmem:$0x18600] =	vst v63  }
0x27b: {  	s21 =	simm.s32 $0x6E00  }
0x27c: {  	[hbm4b:s6+s3] =	stream.indirect_vreg.scatter [tilespmem:s21], [sflag:$0x4], $0x80, v4, vm0, $0xb8;
	[tilespmem:$0x18600] =	vst v63  }
0x27d: {  	s26 =	simm.s32 $0x7600  }
0x27e: {  	[hbm4b:s2+s3] =	stream.indirect_vreg.scatter [tilespmem:s26], [sflag:$0x4], $0x80, v3, vm0, $0xb8;
	[tilespmem:$0x18600] =	vst v63  }
0x27f: {  	s25 =	simm.s32 $0x7E00  }
0x280: {  	[hbm4b:s6+s3] =	stream.indirect_vreg.scatter [tilespmem:s25], [sflag:$0x4], $0x80, v3, vm0, $0xb8;
	[tilespmem:$0x18600] =	vst v63  }
0x281: {  	_ =	swait.ge [sflag:s18], $0x8000  }
0x282: {  	[sflag:s18] =	ssyncset.done $0x0  }
0x283: {  	[sflag:s18] =	ssyncadd.s32 $0xFFFF8000  }
0x284: {  	v3 =	vld [tilespmem:$0x580];
	_ =	sdelay $0x4  }
0x285: {  	v40 =	vshll.u32 v3, $0x2  }
0x286: {  	v3 =	vand.u32 $0x7, v3;
	v4 =	vand.u32 $0xFFFFFFE0, v40  }
0x287: {  	v3 =	vor.u32 v3, v4  }
0x288: {  	v4 =	vperm.xlane v3, v0;
	_ =	sdelay $0x1  }
0x289: {  	v4 =	vadd.s32 v1, v4;
	_ =	sdelay $0x1  }
0x28a: {  	v3 =	vperm.xlane v3, v2;
	_ =	sdelay $0x1  }
0x28b: {  	v3 =	vadd.s32 v1, v3  }
0x28c: {  	[tilespmem:s24], [sflag:$0x1] =	stream.indirect_vreg.gather [hbm4b:s4+s3], $0x80, v4, vm0, $0xb8;
	[tilespmem:$0x18600] =	vst v63  }
0x28d: {  	_ = 	snop  }
0x28e: {  	[tilespmem:s11], [sflag:$0x1] =	stream.indirect_vreg.gather [hbm4b:s5+s3], $0x80, v4, vm0, $0xb8;
	[tilespmem:$0x18600] =	vst v63  }
0x28f: {  	_ = 	snop  }
0x290: {  	[tilespmem:s15], [sflag:$0x1] =	stream.indirect_vreg.gather [hbm4b:s4+s3], $0x80, v3, vm0, $0xb8;
	[tilespmem:$0x18600] =	vst v63  }
0x291: {  	_ = 	snop  }
0x292: {  	[tilespmem:s28], [sflag:$0x1] =	stream.indirect_vreg.gather [hbm4b:s5+s3], $0x80, v3, vm0, $0xb8;
	[tilespmem:$0x18600] =	vst v63  }
0x293: {  	v3 =	vld [tilespmem:$0x590];
	_ =	sdelay $0x4  }
0x294: {  	v41 =	vshll.u32 v3, $0x2  }
0x295: {  	v3 =	vand.u32 $0x7, v3;
	v4 =	vand.u32 $0xFFFFFFE0, v41  }
0x296: {  	v3 =	vor.u32 v3, v4  }
0x297: {  	v4 =	vperm.xlane v3, v0;
	_ =	sdelay $0x1  }
0x298: {  	v4 =	vadd.s32 v1, v4;
	_ =	sdelay $0x1  }
0x299: {  	v3 =	vperm.xlane v3, v2;
	_ =	sdelay $0x1  }
0x29a: {  	v3 =	vadd.s32 v1, v3  }
0x29b: {  	[tilespmem:s8], [sflag:$0x1] =	stream.indirect_vreg.gather [hbm4b:s4+s3], $0x80, v4, vm0, $0xb8;
	[tilespmem:$0x18600] =	vst v63  }
0x29c: {  	_ = 	snop  }
0x29d: {  	[tilespmem:s9], [sflag:$0x1] =	stream.indirect_vreg.gather [hbm4b:s5+s3], $0x80, v4, vm0, $0xb8;
	[tilespmem:$0x18600] =	vst v63  }
0x29e: {  	_ = 	snop  }
0x29f: {  	[tilespmem:s20], [sflag:$0x1] =	stream.indirect_vreg.gather [hbm4b:s4+s3], $0x80, v3, vm0, $0xb8;
	[tilespmem:$0x18600] =	vst v63  }
0x2a0: {  	_ = 	snop  }
0x2a1: {  	[tilespmem:s29], [sflag:$0x1] =	stream.indirect_vreg.gather [hbm4b:s5+s3], $0x80, v3, vm0, $0xb8;
	[tilespmem:$0x18600] =	vst v63  }
0x2a2: {  	v3 =	vld [tilespmem:$0x5A0];
	_ =	sdelay $0x4  }
0x2a3: {  	v42 =	vshll.u32 v3, $0x2  }
0x2a4: {  	v3 =	vand.u32 $0x7, v3;
	v4 =	vand.u32 $0xFFFFFFE0, v42  }
0x2a5: {  	v3 =	vor.u32 v3, v4  }
0x2a6: {  	v4 =	vperm.xlane v3, v0;
	_ =	sdelay $0x1  }
0x2a7: {  	v4 =	vadd.s32 v1, v4;
	_ =	sdelay $0x1  }
0x2a8: {  	v3 =	vperm.xlane v3, v2;
	_ =	sdelay $0x1  }
0x2a9: {  	v3 =	vadd.s32 v1, v3  }
0x2aa: {  	[tilespmem:s10], [sflag:$0x1] =	stream.indirect_vreg.gather [hbm4b:s4+s3], $0x80, v4, vm0, $0xb8;
	[tilespmem:$0x18600] =	vst v63  }
0x2ab: {  	_ = 	snop  }
0x2ac: {  	[tilespmem:s12], [sflag:$0x1] =	stream.indirect_vreg.gather [hbm4b:s5+s3], $0x80, v4, vm0, $0xb8;
	[tilespmem:$0x18600] =	vst v63  }
0x2ad: {  	_ = 	snop  }
0x2ae: {  	[tilespmem:s16], [sflag:$0x1] =	stream.indirect_vreg.gather [hbm4b:s4+s3], $0x80, v3, vm0, $0xb8;
	[tilespmem:$0x18600] =	vst v63  }
0x2af: {  	_ = 	snop  }
0x2b0: {  	[tilespmem:s13], [sflag:$0x1] =	stream.indirect_vreg.gather [hbm4b:s5+s3], $0x80, v3, vm0, $0xb8;
	[tilespmem:$0x18600] =	vst v63  }
0x2b1: {  	v3 =	vld [tilespmem:$0x5B0];
	_ =	sdelay $0x4  }
0x2b2: {  	v43 =	vshll.u32 v3, $0x2  }
0x2b3: {  	v3 =	vand.u32 $0x7, v3;
	v4 =	vand.u32 $0xFFFFFFE0, v43  }
0x2b4: {  	v3 =	vor.u32 v3, v4  }
0x2b5: {  	v4 =	vperm.xlane v3, v0;
	_ =	sdelay $0x1  }
0x2b6: {  	v4 =	vadd.s32 v1, v4;
	_ =	sdelay $0x1  }
0x2b7: {  	v3 =	vperm.xlane v3, v2;
	_ =	sdelay $0x1  }
0x2b8: {  	v3 =	vadd.s32 v1, v3  }
0x2b9: {  	[tilespmem:s14], [sflag:$0x1] =	stream.indirect_vreg.gather [hbm4b:s4+s3], $0x80, v4, vm0, $0xb8;
	[tilespmem:$0x18600] =	vst v63  }
0x2ba: {  	_ = 	snop  }
0x2bb: {  	[tilespmem:s21], [sflag:$0x1] =	stream.indirect_vreg.gather [hbm4b:s5+s3], $0x80, v4, vm0, $0xb8;
	[tilespmem:$0x18600] =	vst v63  }
0x2bc: {  	_ = 	snop  }
0x2bd: {  	[tilespmem:s26], [sflag:$0x1] =	stream.indirect_vreg.gather [hbm4b:s4+s3], $0x80, v3, vm0, $0xb8;
	[tilespmem:$0x18600] =	vst v63  }
0x2be: {  	_ = 	snop  }
0x2bf: {  	[tilespmem:s25], [sflag:$0x1] =	stream.indirect_vreg.gather [hbm4b:s5+s3], $0x80, v3, vm0, $0xb8;
	[tilespmem:$0x18600] =	vst v63  }
0x2c0: {  	_ =	swait.ge [sflag:s19], $0x8000  }
0x2c1: {  	[sflag:s19] =	ssyncset.done $0x0  }
0x2c2: {  	[sflag:s19] =	ssyncadd.s32 $0xFFFF8000  }
0x2c3: {  	v3 =	vld [tilespmem:$0x200];
	_ =	sdelay $0x4  }
0x2c4: {  	v44 =	vshll.u32 v3, $0x2  }
0x2c5: {  	v3 =	vand.u32 $0x7, v3;
	v4 =	vand.u32 $0xFFFFFFE0, v44  }
0x2c6: {  	v3 =	vor.u32 v3, v4  }
0x2c7: {  	v4 =	vperm.xlane v3, v0;
	_ =	sdelay $0x1  }
0x2c8: {  	v4 =	vadd.s32 v1, v4;
	_ =	sdelay $0x1  }
0x2c9: {  	v3 =	vperm.xlane v3, v2;
	_ =	sdelay $0x1  }
0x2ca: {  	s9 =	simm.s32 $0x8600;
	v3 =	vadd.s32 v1, v3  }
0x2cb: {  	[hbm4b:s2+s3] =	stream.indirect_vreg.scatter [tilespmem:s9], [sflag:$0x5], $0x80, v4, vm0, $0xb8;
	[tilespmem:$0x18600] =	vst v63  }
0x2cc: {  	s10 =	simm.s32 $0x8E00  }
0x2cd: {  	[hbm4b:s6+s3] =	stream.indirect_vreg.scatter [tilespmem:s10], [sflag:$0x5], $0x80, v4, vm0, $0xb8;
	[tilespmem:$0x18600] =	vst v63  }
0x2ce: {  	s11 =	simm.s32 $0x9600  }
0x2cf: {  	[hbm4b:s2+s3] =	stream.indirect_vreg.scatter [tilespmem:s11], [sflag:$0x5], $0x80, v3, vm0, $0xb8;
	[tilespmem:$0x18600] =	vst v63  }
0x2d0: {  	s26 =	simm.s32 $0x9E00  }
0x2d1: {  	[hbm4b:s6+s3] =	stream.indirect_vreg.scatter [tilespmem:s26], [sflag:$0x5], $0x80, v3, vm0, $0xb8;
	[tilespmem:$0x18600] =	vst v63  }
0x2d2: {  	v3 =	vld [tilespmem:$0x210];
	_ =	sdelay $0x4  }
0x2d3: {  	v45 =	vshll.u32 v3, $0x2  }
0x2d4: {  	v3 =	vand.u32 $0x7, v3;
	v4 =	vand.u32 $0xFFFFFFE0, v45  }
0x2d5: {  	v3 =	vor.u32 v3, v4  }
0x2d6: {  	v4 =	vperm.xlane v3, v0;
	_ =	sdelay $0x1  }
0x2d7: {  	v4 =	vadd.s32 v1, v4;
	_ =	sdelay $0x1  }
0x2d8: {  	v3 =	vperm.xlane v3, v2;
	_ =	sdelay $0x1  }
0x2d9: {  	s12 =	simm.s32 $0xA600;
	v3 =	vadd.s32 v1, v3  }
0x2da: {  	[hbm4b:s2+s3] =	stream.indirect_vreg.scatter [tilespmem:s12], [sflag:$0x5], $0x80, v4, vm0, $0xb8;
	[tilespmem:$0x18600] =	vst v63  }
0x2db: {  	s15 =	simm.s32 $0xAE00  }
0x2dc: {  	[hbm4b:s6+s3] =	stream.indirect_vreg.scatter [tilespmem:s15], [sflag:$0x5], $0x80, v4, vm0, $0xb8;
	[tilespmem:$0x18600] =	vst v63  }
0x2dd: {  	s16 =	simm.s32 $0xB600  }
0x2de: {  	[hbm4b:s2+s3] =	stream.indirect_vreg.scatter [tilespmem:s16], [sflag:$0x5], $0x80, v3, vm0, $0xb8;
	[tilespmem:$0x18600] =	vst v63  }
0x2df: {  	s13 =	simm.s32 $0xBE00  }
0x2e0: {  	[hbm4b:s6+s3] =	stream.indirect_vreg.scatter [tilespmem:s13], [sflag:$0x5], $0x80, v3, vm0, $0xb8;
	[tilespmem:$0x18600] =	vst v63  }
0x2e1: {  	v3 =	vld [tilespmem:$0x220];
	_ =	sdelay $0x4  }
0x2e2: {  	v46 =	vshll.u32 v3, $0x2  }
0x2e3: {  	v3 =	vand.u32 $0x7, v3;
	v4 =	vand.u32 $0xFFFFFFE0, v46  }
0x2e4: {  	v3 =	vor.u32 v3, v4  }
0x2e5: {  	v4 =	vperm.xlane v3, v0;
	_ =	sdelay $0x1  }
0x2e6: {  	v4 =	vadd.s32 v1, v4;
	_ =	sdelay $0x1  }
0x2e7: {  	v3 =	vperm.xlane v3, v2;
	_ =	sdelay $0x1  }
0x2e8: {  	s20 =	simm.s32 $0xC600;
	v3 =	vadd.s32 v1, v3  }
0x2e9: {  	[hbm4b:s2+s3] =	stream.indirect_vreg.scatter [tilespmem:s20], [sflag:$0x5], $0x80, v4, vm0, $0xb8;
	[tilespmem:$0x18600] =	vst v63  }
0x2ea: {  	s21 =	simm.s32 $0xCE00  }
0x2eb: {  	[hbm4b:s6+s3] =	stream.indirect_vreg.scatter [tilespmem:s21], [sflag:$0x5], $0x80, v4, vm0, $0xb8;
	[tilespmem:$0x18600] =	vst v63  }
0x2ec: {  	s22 =	simm.s32 $0xD600  }
0x2ed: {  	[hbm4b:s2+s3] =	stream.indirect_vreg.scatter [tilespmem:s22], [sflag:$0x5], $0x80, v3, vm0, $0xb8;
	[tilespmem:$0x18600] =	vst v63  }
0x2ee: {  	s14 =	simm.s32 $0xDE00  }
0x2ef: {  	[hbm4b:s6+s3] =	stream.indirect_vreg.scatter [tilespmem:s14], [sflag:$0x5], $0x80, v3, vm0, $0xb8;
	[tilespmem:$0x18600] =	vst v63  }
0x2f0: {  	v3 =	vld [tilespmem:$0x230];
	_ =	sdelay $0x4  }
0x2f1: {  	v47 =	vshll.u32 v3, $0x2  }
0x2f2: {  	v3 =	vand.u32 $0x7, v3;
	v4 =	vand.u32 $0xFFFFFFE0, v47  }
0x2f3: {  	v3 =	vor.u32 v3, v4  }
0x2f4: {  	v4 =	vperm.xlane v3, v0;
	_ =	sdelay $0x1  }
0x2f5: {  	v4 =	vadd.s32 v1, v4;
	_ =	sdelay $0x1  }
0x2f6: {  	v3 =	vperm.xlane v3, v2;
	_ =	sdelay $0x1  }
0x2f7: {  	s23 =	simm.s32 $0xE600;
	v3 =	vadd.s32 v1, v3  }
0x2f8: {  	[hbm4b:s2+s3] =	stream.indirect_vreg.scatter [tilespmem:s23], [sflag:$0x5], $0x80, v4, vm0, $0xb8;
	[tilespmem:$0x18600] =	vst v63  }
0x2f9: {  	s24 =	simm.s32 $0xEE00  }
0x2fa: {  	[hbm4b:s6+s3] =	stream.indirect_vreg.scatter [tilespmem:s24], [sflag:$0x5], $0x80, v4, vm0, $0xb8;
	[tilespmem:$0x18600] =	vst v63  }
0x2fb: {  	s25 =	simm.s32 $0xF600  }
0x2fc: {  	[hbm4b:s2+s3] =	stream.indirect_vreg.scatter [tilespmem:s25], [sflag:$0x5], $0x80, v3, vm0, $0xb8;
	[tilespmem:$0x18600] =	vst v63  }
0x2fd: {  	s8 =	simm.s32 $0xFE00  }
0x2fe: {  	[hbm4b:s6+s3] =	stream.indirect_vreg.scatter [tilespmem:s8], [sflag:$0x5], $0x80, v3, vm0, $0xb8;
	[tilespmem:$0x18600] =	vst v63  }
0x2ff: {  	_ =	swait.ge [sflag:s7], $0x8000  }
0x300: {  	[sflag:s7] =	ssyncset.done $0x0  }
0x301: {  	[sflag:s7] =	ssyncadd.s32 $0xFFFF8000  }
0x302: {  	v3 =	vld [tilespmem:$0x5C0];
	_ =	sdelay $0x4  }
0x303: {  	v48 =	vshll.u32 v3, $0x2  }
0x304: {  	v3 =	vand.u32 $0x7, v3;
	v4 =	vand.u32 $0xFFFFFFE0, v48  }
0x305: {  	v3 =	vor.u32 v3, v4  }
0x306: {  	v4 =	vperm.xlane v3, v0;
	_ =	sdelay $0x1  }
0x307: {  	v4 =	vadd.s32 v1, v4;
	_ =	sdelay $0x1  }
0x308: {  	v3 =	vperm.xlane v3, v2;
	_ =	sdelay $0x1  }
0x309: {  	v3 =	vadd.s32 v1, v3  }
0x30a: {  	[tilespmem:s9], [sflag:$0x2] =	stream.indirect_vreg.gather [hbm4b:s4+s3], $0x80, v4, vm0, $0xb8;
	[tilespmem:$0x18600] =	vst v63  }
0x30b: {  	_ = 	snop  }
0x30c: {  	[tilespmem:s10], [sflag:$0x2] =	stream.indirect_vreg.gather [hbm4b:s5+s3], $0x80, v4, vm0, $0xb8;
	[tilespmem:$0x18600] =	vst v63  }
0x30d: {  	_ = 	snop  }
0x30e: {  	[tilespmem:s11], [sflag:$0x2] =	stream.indirect_vreg.gather [hbm4b:s4+s3], $0x80, v3, vm0, $0xb8;
	[tilespmem:$0x18600] =	vst v63  }
0x30f: {  	_ = 	snop  }
0x310: {  	[tilespmem:s26], [sflag:$0x2] =	stream.indirect_vreg.gather [hbm4b:s5+s3], $0x80, v3, vm0, $0xb8;
	[tilespmem:$0x18600] =	vst v63  }
0x311: {  	v3 =	vld [tilespmem:$0x5D0];
	_ =	sdelay $0x4  }
0x312: {  	v49 =	vshll.u32 v3, $0x2  }
0x313: {  	v3 =	vand.u32 $0x7, v3;
	v4 =	vand.u32 $0xFFFFFFE0, v49  }
0x314: {  	v3 =	vor.u32 v3, v4  }
0x315: {  	v4 =	vperm.xlane v3, v0;
	_ =	sdelay $0x1  }
0x316: {  	v4 =	vadd.s32 v1, v4;
	_ =	sdelay $0x1  }
0x317: {  	v3 =	vperm.xlane v3, v2;
	_ =	sdelay $0x1  }
0x318: {  	v3 =	vadd.s32 v1, v3  }
0x319: {  	[tilespmem:s12], [sflag:$0x2] =	stream.indirect_vreg.gather [hbm4b:s4+s3], $0x80, v4, vm0, $0xb8;
	[tilespmem:$0x18600] =	vst v63  }
0x31a: {  	_ = 	snop  }
0x31b: {  	[tilespmem:s15], [sflag:$0x2] =	stream.indirect_vreg.gather [hbm4b:s5+s3], $0x80, v4, vm0, $0xb8;
	[tilespmem:$0x18600] =	vst v63  }
0x31c: {  	_ = 	snop  }
0x31d: {  	[tilespmem:s16], [sflag:$0x2] =	stream.indirect_vreg.gather [hbm4b:s4+s3], $0x80, v3, vm0, $0xb8;
	[tilespmem:$0x18600] =	vst v63  }
0x31e: {  	_ = 	snop  }
0x31f: {  	[tilespmem:s13], [sflag:$0x2] =	stream.indirect_vreg.gather [hbm4b:s5+s3], $0x80, v3, vm0, $0xb8;
	[tilespmem:$0x18600] =	vst v63  }
0x320: {  	v3 =	vld [tilespmem:$0x5E0];
	_ =	sdelay $0x4  }
0x321: {  	v50 =	vshll.u32 v3, $0x2  }
0x322: {  	v3 =	vand.u32 $0x7, v3;
	v4 =	vand.u32 $0xFFFFFFE0, v50  }
0x323: {  	v3 =	vor.u32 v3, v4  }
0x324: {  	v4 =	vperm.xlane v3, v0;
	_ =	sdelay $0x1  }
0x325: {  	v4 =	vadd.s32 v1, v4;
	_ =	sdelay $0x1  }
0x326: {  	v3 =	vperm.xlane v3, v2;
	_ =	sdelay $0x1  }
0x327: {  	v3 =	vadd.s32 v1, v3  }
0x328: {  	[tilespmem:s20], [sflag:$0x2] =	stream.indirect_vreg.gather [hbm4b:s4+s3], $0x80, v4, vm0, $0xb8;
	[tilespmem:$0x18600] =	vst v63  }
0x329: {  	_ = 	snop  }
0x32a: {  	[tilespmem:s21], [sflag:$0x2] =	stream.indirect_vreg.gather [hbm4b:s5+s3], $0x80, v4, vm0, $0xb8;
	[tilespmem:$0x18600] =	vst v63  }
0x32b: {  	_ = 	snop  }
0x32c: {  	[tilespmem:s22], [sflag:$0x2] =	stream.indirect_vreg.gather [hbm4b:s4+s3], $0x80, v3, vm0, $0xb8;
	[tilespmem:$0x18600] =	vst v63  }
0x32d: {  	_ = 	snop  }
0x32e: {  	[tilespmem:s14], [sflag:$0x2] =	stream.indirect_vreg.gather [hbm4b:s5+s3], $0x80, v3, vm0, $0xb8;
	[tilespmem:$0x18600] =	vst v63  }
0x32f: {  	v3 =	vld [tilespmem:$0x5F0];
	_ =	sdelay $0x4  }
0x330: {  	v51 =	vshll.u32 v3, $0x2  }
0x331: {  	v3 =	vand.u32 $0x7, v3;
	v4 =	vand.u32 $0xFFFFFFE0, v51  }
0x332: {  	v3 =	vor.u32 v3, v4  }
0x333: {  	v4 =	vperm.xlane v3, v0;
	_ =	sdelay $0x1  }
0x334: {  	v4 =	vadd.s32 v1, v4;
	_ =	sdelay $0x1  }
0x335: {  	v3 =	vperm.xlane v3, v2;
	_ =	sdelay $0x1  }
0x336: {  	v3 =	vadd.s32 v1, v3  }
0x337: {  	[tilespmem:s23], [sflag:$0x2] =	stream.indirect_vreg.gather [hbm4b:s4+s3], $0x80, v4, vm0, $0xb8;
	[tilespmem:$0x18600] =	vst v63  }
0x338: {  	_ = 	snop  }
0x339: {  	[tilespmem:s24], [sflag:$0x2] =	stream.indirect_vreg.gather [hbm4b:s5+s3], $0x80, v4, vm0, $0xb8;
	[tilespmem:$0x18600] =	vst v63  }
0x33a: {  	_ = 	snop  }
0x33b: {  	[tilespmem:s25], [sflag:$0x2] =	stream.indirect_vreg.gather [hbm4b:s4+s3], $0x80, v3, vm0, $0xb8;
	[tilespmem:$0x18600] =	vst v63  }
0x33c: {  	_ = 	snop  }
0x33d: {  	[tilespmem:s8], [sflag:$0x2] =	stream.indirect_vreg.gather [hbm4b:s5+s3], $0x80, v3, vm0, $0xb8;
	[tilespmem:$0x18600] =	vst v63  }
0x33e: {  	_ =	swait.ge [sflag:s0], $0x8000  }
0x33f: {  	[sflag:s0] =	ssyncset.done $0x0  }
0x340: {  	[sflag:s0] =	ssyncadd.s32 $0xFFFF8000  }
0x341: {  	v3 =	vld [tilespmem:$0x280];
	_ =	sdelay $0x4  }
0x342: {  	v52 =	vshll.u32 v3, $0x2  }
0x343: {  	v3 =	vand.u32 $0x7, v3;
	v4 =	vand.u32 $0xFFFFFFE0, v52  }
0x344: {  	v3 =	vor.u32 v3, v4  }
0x345: {  	v4 =	vperm.xlane v3, v0;
	_ =	sdelay $0x1  }
0x346: {  	v4 =	vadd.s32 v1, v4;
	_ =	sdelay $0x1  }
0x347: {  	v3 =	vperm.xlane v3, v2;
	_ =	sdelay $0x1  }
0x348: {  	s0 =	simm.s32 $0x10600;
	v3 =	vadd.s32 v1, v3  }
0x349: {  	[hbm4b:s2+s3] =	stream.indirect_vreg.scatter [tilespmem:s0], [sflag:$0x6], $0x80, v4, vm0, $0xb8;
	[tilespmem:$0x18600] =	vst v63  }
0x34a: {  	s0 =	simm.s32 $0x10E00  }
0x34b: {  	[hbm4b:s6+s3] =	stream.indirect_vreg.scatter [tilespmem:s0], [sflag:$0x6], $0x80, v4, vm0, $0xb8;
	[tilespmem:$0x18600] =	vst v63  }
0x34c: {  	s0 =	simm.s32 $0x11600  }
0x34d: {  	[hbm4b:s2+s3] =	stream.indirect_vreg.scatter [tilespmem:s0], [sflag:$0x6], $0x80, v3, vm0, $0xb8;
	[tilespmem:$0x18600] =	vst v63  }
0x34e: {  	s0 =	simm.s32 $0x11E00  }
0x34f: {  	[hbm4b:s6+s3] =	stream.indirect_vreg.scatter [tilespmem:s0], [sflag:$0x6], $0x80, v3, vm0, $0xb8;
	[tilespmem:$0x18600] =	vst v63  }
0x350: {  	v3 =	vld [tilespmem:$0x290];
	_ =	sdelay $0x4  }
0x351: {  	v53 =	vshll.u32 v3, $0x2  }
0x352: {  	v3 =	vand.u32 $0x7, v3;
	v4 =	vand.u32 $0xFFFFFFE0, v53  }
0x353: {  	v3 =	vor.u32 v3, v4  }
0x354: {  	v4 =	vperm.xlane v3, v0;
	_ =	sdelay $0x1  }
0x355: {  	v4 =	vadd.s32 v1, v4;
	_ =	sdelay $0x1  }
0x356: {  	v3 =	vperm.xlane v3, v2;
	_ =	sdelay $0x1  }
0x357: {  	s0 =	simm.s32 $0x12600;
	v3 =	vadd.s32 v1, v3  }
0x358: {  	[hbm4b:s2+s3] =	stream.indirect_vreg.scatter [tilespmem:s0], [sflag:$0x6], $0x80, v4, vm0, $0xb8;
	[tilespmem:$0x18600] =	vst v63  }
0x359: {  	s0 =	simm.s32 $0x12E00  }
0x35a: {  	[hbm4b:s6+s3] =	stream.indirect_vreg.scatter [tilespmem:s0], [sflag:$0x6], $0x80, v4, vm0, $0xb8;
	[tilespmem:$0x18600] =	vst v63  }
0x35b: {  	s0 =	simm.s32 $0x13600  }
0x35c: {  	[hbm4b:s2+s3] =	stream.indirect_vreg.scatter [tilespmem:s0], [sflag:$0x6], $0x80, v3, vm0, $0xb8;
	[tilespmem:$0x18600] =	vst v63  }
0x35d: {  	s0 =	simm.s32 $0x13E00  }
0x35e: {  	[hbm4b:s6+s3] =	stream.indirect_vreg.scatter [tilespmem:s0], [sflag:$0x6], $0x80, v3, vm0, $0xb8;
	[tilespmem:$0x18600] =	vst v63  }
0x35f: {  	v3 =	vld [tilespmem:$0x2A0];
	_ =	sdelay $0x4  }
0x360: {  	v54 =	vshll.u32 v3, $0x2  }
0x361: {  	v3 =	vand.u32 $0x7, v3;
	v4 =	vand.u32 $0xFFFFFFE0, v54  }
0x362: {  	v3 =	vor.u32 v3, v4  }
0x363: {  	v4 =	vperm.xlane v3, v0;
	_ =	sdelay $0x1  }
0x364: {  	v4 =	vadd.s32 v1, v4;
	_ =	sdelay $0x1  }
0x365: {  	v3 =	vperm.xlane v3, v2;
	_ =	sdelay $0x1  }
0x366: {  	s0 =	simm.s32 $0x14600;
	v3 =	vadd.s32 v1, v3  }
0x367: {  	[hbm4b:s2+s3] =	stream.indirect_vreg.scatter [tilespmem:s0], [sflag:$0x6], $0x80, v4, vm0, $0xb8;
	[tilespmem:$0x18600] =	vst v63  }
0x368: {  	s0 =	simm.s32 $0x14E00  }
0x369: {  	[hbm4b:s6+s3] =	stream.indirect_vreg.scatter [tilespmem:s0], [sflag:$0x6], $0x80, v4, vm0, $0xb8;
	[tilespmem:$0x18600] =	vst v63  }
0x36a: {  	s0 =	simm.s32 $0x15600  }
0x36b: {  	[hbm4b:s2+s3] =	stream.indirect_vreg.scatter [tilespmem:s0], [sflag:$0x6], $0x80, v3, vm0, $0xb8;
	[tilespmem:$0x18600] =	vst v63  }
0x36c: {  	s0 =	simm.s32 $0x15E00  }
0x36d: {  	[hbm4b:s6+s3] =	stream.indirect_vreg.scatter [tilespmem:s0], [sflag:$0x6], $0x80, v3, vm0, $0xb8;
	[tilespmem:$0x18600] =	vst v63  }
0x36e: {  	v3 =	vld [tilespmem:$0x2B0];
	_ =	sdelay $0x4  }
0x36f: {  	v55 =	vshll.u32 v3, $0x2  }
0x370: {  	v3 =	vand.u32 $0x7, v3;
	v4 =	vand.u32 $0xFFFFFFE0, v55  }
0x371: {  	v3 =	vor.u32 v3, v4  }
0x372: {  	v4 =	vperm.xlane v3, v0;
	_ =	sdelay $0x1  }
0x373: {  	v4 =	vadd.s32 v1, v4;
	_ =	sdelay $0x1  }
0x374: {  	v3 =	vperm.xlane v3, v2;
	_ =	sdelay $0x1  }
0x375: {  	s0 =	simm.s32 $0x16600;
	v3 =	vadd.s32 v1, v3  }
0x376: {  	[hbm4b:s2+s3] =	stream.indirect_vreg.scatter [tilespmem:s0], [sflag:$0x6], $0x80, v4, vm0, $0xb8;
	[tilespmem:$0x18600] =	vst v63  }
0x377: {  	s0 =	simm.s32 $0x16E00  }
0x378: {  	[hbm4b:s6+s3] =	stream.indirect_vreg.scatter [tilespmem:s0], [sflag:$0x6], $0x80, v4, vm0, $0xb8;
	[tilespmem:$0x18600] =	vst v63  }
0x379: {  	s0 =	simm.s32 $0x17600  }
0x37a: {  	[hbm4b:s2+s3] =	stream.indirect_vreg.scatter [tilespmem:s0], [sflag:$0x6], $0x80, v3, vm0, $0xb8;
	[tilespmem:$0x18600] =	vst v63  }
0x37b: {  	s0 =	simm.s32 $0x17E00  }
0x37c: {  	[hbm4b:s6+s3] =	stream.indirect_vreg.scatter [tilespmem:s0], [sflag:$0x6], $0x80, v3, vm0, $0xb8;
	[tilespmem:$0x18600] =	vst v63  }
0x37d: {  	_ =	swait.ge [sflag:s17], $0x8000  }
0x37e: {  	[sflag:s17] =	ssyncset.done $0x0  }
0x37f: {  	[sflag:s17] =	ssyncadd.s32 $0xFFFF8000  }
0x380: {  	v3 =	vld [tilespmem:$0x300];
	_ =	sdelay $0x4  }
0x381: {  	v56 =	vshll.u32 v3, $0x2  }
0x382: {  	v3 =	vand.u32 $0x7, v3;
	v4 =	vand.u32 $0xFFFFFFE0, v56  }
0x383: {  	v3 =	vor.u32 v3, v4  }
0x384: {  	v4 =	vperm.xlane v3, v0;
	_ =	sdelay $0x1  }
0x385: {  	v4 =	vadd.s32 v1, v4;
	_ =	sdelay $0x1  }
0x386: {  	v3 =	vperm.xlane v3, v2;
	_ =	sdelay $0x1  }
0x387: {  	s0 =	simm.s32 $0x600;
	v3 =	vadd.s32 v1, v3  }
0x388: {  	[hbm4b:s2+s3] =	stream.indirect_vreg.scatter [tilespmem:s0], [sflag:$0x4], $0x80, v4, vm0, $0xb8;
	[tilespmem:$0x18600] =	vst v63  }
0x389: {  	s0 =	simm.s32 $0xE00  }
0x38a: {  	[hbm4b:s6+s3] =	stream.indirect_vreg.scatter [tilespmem:s0], [sflag:$0x4], $0x80, v4, vm0, $0xb8;
	[tilespmem:$0x18600] =	vst v63  }
0x38b: {  	s0 =	simm.s32 $0x1600  }
0x38c: {  	[hbm4b:s2+s3] =	stream.indirect_vreg.scatter [tilespmem:s0], [sflag:$0x4], $0x80, v3, vm0, $0xb8;
	[tilespmem:$0x18600] =	vst v63  }
0x38d: {  	s0 =	simm.s32 $0x1E00  }
0x38e: {  	[hbm4b:s6+s3] =	stream.indirect_vreg.scatter [tilespmem:s0], [sflag:$0x4], $0x80, v3, vm0, $0xb8;
	[tilespmem:$0x18600] =	vst v63  }
0x38f: {  	v3 =	vld [tilespmem:$0x310];
	_ =	sdelay $0x4  }
0x390: {  	v57 =	vshll.u32 v3, $0x2  }
0x391: {  	v3 =	vand.u32 $0x7, v3;
	v4 =	vand.u32 $0xFFFFFFE0, v57  }
0x392: {  	v3 =	vor.u32 v3, v4  }
0x393: {  	v4 =	vperm.xlane v3, v0;
	_ =	sdelay $0x1  }
0x394: {  	v4 =	vadd.s32 v1, v4;
	_ =	sdelay $0x1  }
0x395: {  	v3 =	vperm.xlane v3, v2;
	_ =	sdelay $0x1  }
0x396: {  	s28 =	simm.s32 $0x2600;
	v3 =	vadd.s32 v1, v3  }
0x397: {  	[hbm4b:s2+s3] =	stream.indirect_vreg.scatter [tilespmem:s28], [sflag:$0x4], $0x80, v4, vm0, $0xb8;
	[tilespmem:$0x18600] =	vst v63  }
0x398: {  	s28 =	simm.s32 $0x2E00  }
0x399: {  	[hbm4b:s6+s3] =	stream.indirect_vreg.scatter [tilespmem:s28], [sflag:$0x4], $0x80, v4, vm0, $0xb8;
	[tilespmem:$0x18600] =	vst v63  }
0x39a: {  	s28 =	simm.s32 $0x3600  }
0x39b: {  	[hbm4b:s2+s3] =	stream.indirect_vreg.scatter [tilespmem:s28], [sflag:$0x4], $0x80, v3, vm0, $0xb8;
	[tilespmem:$0x18600] =	vst v63  }
0x39c: {  	s29 =	simm.s32 $0x3E00  }
0x39d: {  	[hbm4b:s6+s3] =	stream.indirect_vreg.scatter [tilespmem:s29], [sflag:$0x4], $0x80, v3, vm0, $0xb8;
	[tilespmem:$0x18600] =	vst v63  }
0x39e: {  	v3 =	vld [tilespmem:$0x320];
	_ =	sdelay $0x4  }
0x39f: {  	v58 =	vshll.u32 v3, $0x2  }
0x3a0: {  	v3 =	vand.u32 $0x7, v3;
	v4 =	vand.u32 $0xFFFFFFE0, v58  }
0x3a1: {  	v3 =	vor.u32 v3, v4  }
0x3a2: {  	v4 =	vperm.xlane v3, v0;
	_ =	sdelay $0x1  }
0x3a3: {  	v4 =	vadd.s32 v1, v4;
	_ =	sdelay $0x1  }
0x3a4: {  	v3 =	vperm.xlane v3, v2;
	_ =	sdelay $0x1  }
0x3a5: {  	s31 =	simm.s32 $0x4600;
	v3 =	vadd.s32 v1, v3  }
0x3a6: {  	[hbm4b:s2+s3] =	stream.indirect_vreg.scatter [tilespmem:s31], [sflag:$0x4], $0x80, v4, vm0, $0xb8;
	[tilespmem:$0x18600] =	vst v63  }
0x3a7: {  	s31 =	simm.s32 $0x4E00  }
0x3a8: {  	[hbm4b:s6+s3] =	stream.indirect_vreg.scatter [tilespmem:s31], [sflag:$0x4], $0x80, v4, vm0, $0xb8;
	[tilespmem:$0x18600] =	vst v63  }
0x3a9: {  	s28 =	simm.s32 $0x5600  }
0x3aa: {  	[hbm4b:s2+s3] =	stream.indirect_vreg.scatter [tilespmem:s28], [sflag:$0x4], $0x80, v3, vm0, $0xb8;
	[tilespmem:$0x18600] =	vst v63  }
0x3ab: {  	s29 =	simm.s32 $0x5E00  }
0x3ac: {  	[hbm4b:s6+s3] =	stream.indirect_vreg.scatter [tilespmem:s29], [sflag:$0x4], $0x80, v3, vm0, $0xb8;
	[tilespmem:$0x18600] =	vst v63  }
0x3ad: {  	v3 =	vld [tilespmem:$0x330];
	_ =	sdelay $0x4  }
0x3ae: {  	v59 =	vshll.u32 v3, $0x2  }
0x3af: {  	v3 =	vand.u32 $0x7, v3;
	v4 =	vand.u32 $0xFFFFFFE0, v59  }
0x3b0: {  	v3 =	vor.u32 v3, v4  }
0x3b1: {  	v4 =	vperm.xlane v3, v0;
	_ =	sdelay $0x1  }
0x3b2: {  	v4 =	vadd.s32 v1, v4;
	_ =	sdelay $0x1  }
0x3b3: {  	v3 =	vperm.xlane v3, v2;
	_ =	sdelay $0x1  }
0x3b4: {  	s31 =	simm.s32 $0x6600;
	v3 =	vadd.s32 v1, v3  }
0x3b5: {  	[hbm4b:s2+s3] =	stream.indirect_vreg.scatter [tilespmem:s31], [sflag:$0x4], $0x80, v4, vm0, $0xb8;
	[tilespmem:$0x18600] =	vst v63  }
0x3b6: {  	s28 =	simm.s32 $0x6E00  }
0x3b7: {  	[hbm4b:s6+s3] =	stream.indirect_vreg.scatter [tilespmem:s28], [sflag:$0x4], $0x80, v4, vm0, $0xb8;
	[tilespmem:$0x18600] =	vst v63  }
0x3b8: {  	s29 =	simm.s32 $0x7600  }
0x3b9: {  	[hbm4b:s2+s3] =	stream.indirect_vreg.scatter [tilespmem:s29], [sflag:$0x4], $0x80, v3, vm0, $0xb8;
	[tilespmem:$0x18600] =	vst v63  }
0x3ba: {  	s31 =	simm.s32 $0x7E00  }
0x3bb: {  	[hbm4b:s6+s3] =	stream.indirect_vreg.scatter [tilespmem:s31], [sflag:$0x4], $0x80, v3, vm0, $0xb8;
	[tilespmem:$0x18600] =	vst v63  }
0x3bc: {  	_ =	swait.ge [sflag:s19], $0x8000  }
0x3bd: {  	[sflag:s19] =	ssyncset.done $0x0  }
0x3be: {  	[sflag:s19] =	ssyncadd.s32 $0xFFFF8000  }
0x3bf: {  	v3 =	vld [tilespmem:$0x380];
	_ =	sdelay $0x4  }
0x3c0: {  	v60 =	vshll.u32 v3, $0x2  }
0x3c1: {  	v3 =	vand.u32 $0x7, v3;
	v4 =	vand.u32 $0xFFFFFFE0, v60  }
0x3c2: {  	v3 =	vor.u32 v3, v4  }
0x3c3: {  	v4 =	vperm.xlane v3, v0;
	_ =	sdelay $0x1  }
0x3c4: {  	v4 =	vadd.s32 v1, v4;
	_ =	sdelay $0x1  }
0x3c5: {  	v3 =	vperm.xlane v3, v2;
	_ =	sdelay $0x1  }
0x3c6: {  	s9 =	simm.s32 $0x8600;
	v3 =	vadd.s32 v1, v3  }
0x3c7: {  	[hbm4b:s2+s3] =	stream.indirect_vreg.scatter [tilespmem:s9], [sflag:$0x5], $0x80, v4, vm0, $0xb8;
	[tilespmem:$0x18600] =	vst v63  }
0x3c8: {  	s10 =	simm.s32 $0x8E00  }
0x3c9: {  	[hbm4b:s6+s3] =	stream.indirect_vreg.scatter [tilespmem:s10], [sflag:$0x5], $0x80, v4, vm0, $0xb8;
	[tilespmem:$0x18600] =	vst v63  }
0x3ca: {  	s11 =	simm.s32 $0x9600  }
0x3cb: {  	[hbm4b:s2+s3] =	stream.indirect_vreg.scatter [tilespmem:s11], [sflag:$0x5], $0x80, v3, vm0, $0xb8;
	[tilespmem:$0x18600] =	vst v63  }
0x3cc: {  	s26 =	simm.s32 $0x9E00  }
0x3cd: {  	[hbm4b:s6+s3] =	stream.indirect_vreg.scatter [tilespmem:s26], [sflag:$0x5], $0x80, v3, vm0, $0xb8;
	[tilespmem:$0x18600] =	vst v63  }
0x3ce: {  	v3 =	vld [tilespmem:$0x390];
	_ =	sdelay $0x4  }
0x3cf: {  	v61 =	vshll.u32 v3, $0x2  }
0x3d0: {  	v3 =	vand.u32 $0x7, v3;
	v4 =	vand.u32 $0xFFFFFFE0, v61  }
0x3d1: {  	v3 =	vor.u32 v3, v4  }
0x3d2: {  	v4 =	vperm.xlane v3, v0;
	_ =	sdelay $0x1  }
0x3d3: {  	v4 =	vadd.s32 v1, v4;
	_ =	sdelay $0x1  }
0x3d4: {  	v3 =	vperm.xlane v3, v2;
	_ =	sdelay $0x1  }
0x3d5: {  	s12 =	simm.s32 $0xA600;
	v3 =	vadd.s32 v1, v3  }
0x3d6: {  	[hbm4b:s2+s3] =	stream.indirect_vreg.scatter [tilespmem:s12], [sflag:$0x5], $0x80, v4, vm0, $0xb8;
	[tilespmem:$0x18600] =	vst v63  }
0x3d7: {  	s15 =	simm.s32 $0xAE00  }
0x3d8: {  	[hbm4b:s6+s3] =	stream.indirect_vreg.scatter [tilespmem:s15], [sflag:$0x5], $0x80, v4, vm0, $0xb8;
	[tilespmem:$0x18600] =	vst v63  }
0x3d9: {  	s16 =	simm.s32 $0xB600  }
0x3da: {  	[hbm4b:s2+s3] =	stream.indirect_vreg.scatter [tilespmem:s16], [sflag:$0x5], $0x80, v3, vm0, $0xb8;
	[tilespmem:$0x18600] =	vst v63  }
0x3db: {  	s13 =	simm.s32 $0xBE00  }
0x3dc: {  	[hbm4b:s6+s3] =	stream.indirect_vreg.scatter [tilespmem:s13], [sflag:$0x5], $0x80, v3, vm0, $0xb8;
	[tilespmem:$0x18600] =	vst v63  }
0x3dd: {  	v3 =	vld [tilespmem:$0x3A0];
	_ =	sdelay $0x4  }
0x3de: {  	v62 =	vshll.u32 v3, $0x2  }
0x3df: {  	v3 =	vand.u32 $0x7, v3;
	v4 =	vand.u32 $0xFFFFFFE0, v62  }
0x3e0: {  	v3 =	vor.u32 v3, v4  }
0x3e1: {  	v4 =	vperm.xlane v3, v0;
	_ =	sdelay $0x1  }
0x3e2: {  	v4 =	vadd.s32 v1, v4;
	_ =	sdelay $0x1  }
0x3e3: {  	v3 =	vperm.xlane v3, v2;
	_ =	sdelay $0x1  }
0x3e4: {  	s20 =	simm.s32 $0xC600;
	v3 =	vadd.s32 v1, v3  }
0x3e5: {  	[hbm4b:s2+s3] =	stream.indirect_vreg.scatter [tilespmem:s20], [sflag:$0x5], $0x80, v4, vm0, $0xb8;
	[tilespmem:$0x18600] =	vst v63  }
0x3e6: {  	s21 =	simm.s32 $0xCE00  }
0x3e7: {  	[hbm4b:s6+s3] =	stream.indirect_vreg.scatter [tilespmem:s21], [sflag:$0x5], $0x80, v4, vm0, $0xb8;
	[tilespmem:$0x18600] =	vst v63  }
0x3e8: {  	s22 =	simm.s32 $0xD600  }
0x3e9: {  	[hbm4b:s2+s3] =	stream.indirect_vreg.scatter [tilespmem:s22], [sflag:$0x5], $0x80, v3, vm0, $0xb8;
	[tilespmem:$0x18600] =	vst v63  }
0x3ea: {  	s14 =	simm.s32 $0xDE00  }
0x3eb: {  	[hbm4b:s6+s3] =	stream.indirect_vreg.scatter [tilespmem:s14], [sflag:$0x5], $0x80, v3, vm0, $0xb8;
	[tilespmem:$0x18600] =	vst v63  }
0x3ec: {  	v3 =	vld [tilespmem:$0x3B0];
	_ =	sdelay $0x4  }
0x3ed: {  	v63 =	vshll.u32 v3, $0x2  }
0x3ee: {  	v3 =	vand.u32 $0x7, v3;
	v4 =	vand.u32 $0xFFFFFFE0, v63  }
0x3ef: {  	v3 =	vor.u32 v3, v4  }
0x3f0: {  	v4 =	vperm.xlane v3, v0;
	_ =	sdelay $0x1  }
0x3f1: {  	v4 =	vadd.s32 v1, v4;
	_ =	sdelay $0x1  }
0x3f2: {  	v3 =	vperm.xlane v3, v2;
	_ =	sdelay $0x1  }
0x3f3: {  	s23 =	simm.s32 $0xE600;
	v3 =	vadd.s32 v1, v3  }
0x3f4: {  	[hbm4b:s2+s3] =	stream.indirect_vreg.scatter [tilespmem:s23], [sflag:$0x5], $0x80, v4, vm0, $0xb8;
	[tilespmem:$0x18600] =	vst v63  }
0x3f5: {  	s24 =	simm.s32 $0xEE00  }
0x3f6: {  	[hbm4b:s6+s3] =	stream.indirect_vreg.scatter [tilespmem:s24], [sflag:$0x5], $0x80, v4, vm0, $0xb8;
	[tilespmem:$0x18600] =	vst v63  }
0x3f7: {  	s25 =	simm.s32 $0xF600  }
0x3f8: {  	[hbm4b:s2+s3] =	stream.indirect_vreg.scatter [tilespmem:s25], [sflag:$0x5], $0x80, v3, vm0, $0xb8;
	[tilespmem:$0x18600] =	vst v63  }
0x3f9: {  	s8 =	simm.s32 $0xFE00  }
0x3fa: {  	[hbm4b:s6+s3] =	stream.indirect_vreg.scatter [tilespmem:s8], [sflag:$0x5], $0x80, v3, vm0, $0xb8;
	[tilespmem:$0x18600] =	vst v63  }
0x3fb: {  	_ =	swait.ge [sflag:s1], $0x8000  }
0x3fc: {  	[sflag:s1] =	ssyncset.done $0x0  }
0x3fd: {  	[sflag:s1] =	ssyncadd.s32 $0xFFFF8000  }
0x3fe: {  	p0 =	sne.s32 s30, $0x1;
	_ =	swait.ge [sflag:s18], $0x8000  }
.Ltmp0:
0x3ff: {  	[sflag:s18] =	ssyncset.done $0x0;
	(pc) =	sbr.rel @p0 .LBB2_1-.Ltmp0, $4  }
0x400: {  	[sflag:s18] =	ssyncadd.s32 $0xFFFF8000  }
0x401: {  	_ =	swait.ge [sflag:s7], $0x8000  }
0x402: {  	[sflag:s7] =	ssyncset.done $0x0  }
0x403: {  	s30 =	sadd.s32 $0xFFFFFFFF, s30;
	[sflag:s7] =	ssyncadd.s32 $0xFFFF8000  }
0x404: {  	_ =	sfence.sel $0x180000  }
0x405: {  	[bflag:$0x0] =	sbarrier.arrive $0xFFFF  }
0x406: {  	_ =	strace $0x9000004D  }
0x407: {  	s0 =	stileid.u32;
	[bflag:$0x2] =	sbarrier.arrive $0xFFFF  }
0x408: {  	p0 =	sne.s32 s0, $0x0;
	s0 =	rddreg [dreg:$0x2]  }
0x409: {  	s0 =	sadd.s32 @!p0 $0x100000, s0  }
0x40a: {  	[sflag:s0] =	ssyncadd.tile.s32 @!p0 $0x1;
	_ =	shalt  }
.Lfunc_end2:
_tile_overlayer_lowered:
.L_overlay_start_2:
0x40b: {  	(tag) =	ssettag $0x2  }
0x40c: {  	s0 =	rddreg [dreg:$0x0];
	s2 =	stileid.u32  }
0x40d: {  	s1 =	rddreg [dreg:$0x1];
	p0 =	sne.s32 s2, $0x0  }
0x40e: {  	s3 =	rddreg [dreg:$0x2];
	[bflag:$0x3] =	sbarrier.arrive $0xFFFF;
	s2 =	simm.s32 @!p0 $0x1C07  }
0x40f: {  	[timem:s3], [sflag:s2] =	dma.local @!p0 [hbm:s0], s1  }
0x410: {  	s0 =	simm.s32 @!p0 $0x7  }
0x411: {  	_ =	swait.ge @!p0 [sflag:s0], s1  }
0x412: {  	s1 =	ssub.s32 @!p0 $0x0, s1;
	[sflag:s0] =	ssyncset.done @!p0 $0x0  }
0x413: {  	[sflag:s0] =	ssyncadd.s32 @!p0 s1  }
0x414: {  	[bflag:$0x3] =	sbarrier.arrive $0xFFFF  }
0x415: {  	_ =	shalt  }

// kernel: kernel.6.cloned.1.call-start
scs
__scs_entry_jumppad:
0x0: {  	(pc) =	sbr.rel $0x88, $3  }
0x1: {  	(tag) =	ssettag $0x0;
	lr =	simm.s32 $0x1  }
0x2: {  	[smem:$0x3F9B] =	sst lr;
	_ =	strace $0xD0000000  }
0x3: {  	_ = 	snop  }
0x4: {  	_ = 	snop  }
0x5: {  	_ = 	snop  }
0x6: {  	_ = 	snop  }
0x7: {  	_ = 	snop  }
__scs_overlays_trampoline_lowered:
0x8: {  	[smem:$0x3FAA] =	sst s0  }
0x9: {  	[smem:$0x3FAB] =	sst s1  }
0xa: {  	[smem:$0x3FAC] =	sst s2  }
0xb: {  	[smem:$0x3FAD] =	sst s3  }
0xc: {  	[smem:$0x3FAE] =	sst s4  }
0xd: {  	[smem:$0x3FAF] =	sst s5  }
0xe: {  	[smem:$0x3FB0] =	sst s6  }
0xf: {  	[smem:$0x3FB1] =	sst s7  }
0x10: {  	[smem:$0x3FB2] =	sst s8  }
0x11: {  	[smem:$0x3FB3] =	sst s9;
	s0 =	simm.s32 @!p0 $0x0  }
0x12: {  	s1 =	sld [smem:$0x3F99];
	s0 =	simm.s32 @p0 $0x1  }
0x13: {  	[smem:$0x3FB4] =	sst s0;
	s0 =	simm.s32 @!p1 $0x0  }
0x14: {  	s2 =	sld [smem:$0x3F98];
	s0 =	simm.s32 @p1 $0x1  }
0x15: {  	[smem:$0x3FB5] =	sst s0;
	s0 =	simm.s32 @!p2 $0x0  }
0x16: {  	s3 =	sld [smem:$0x3FDB];
	s0 =	simm.s32 @p2 $0x1  }
0x17: {  	s4 =	simm.s32 $0x1BF5;
	[smem:$0x3FB7] =	sst s0  }
0x18: {  	s0 =	sld [smem:$0x3F9A];
	_ =	swait.ge [sflag:s4], $0x0  }
0x19: {  	s7 =	sld [smem:$0x3F9B]  }
0x1a: {  	s8 =	sadd.s32 $0xFFFFE003, lr  }
0x1b: {  	s9 =	sadd.s32 $0xFFFFFEF7, lr;
	s5 =	simm.s32 $0xFFFFFFFF;
	p2 =	slt.u32 s8, $0xFFFFF086  }
0x1c: {  	p1 =	slt.u32 s9, $0xF7A;
	s5 =	simm.s32 @!p2 $0x0  }
0x1d: {  	s5 =	simm.s32 @p1 $0x1;
	p0 =	seq.s32 s7, s2  }
0x1e: {  	s7 =	smul.u32 @!p0 $0xF7A, s2;
	p2 =	seq.s32 @!p0 s5, $0x0  }
0x1f: {  	s9 =	smul.u32 $0xF7A, s1;
	s8 =	simm.s32 @!p0 $0x1BF5;
	p2 =	por !p2, p0  }
0x20: {  	[sflag:s8] =	ssyncset.s32 @!p0 $0xFFFFF086;
	s6 =	sadd.s32 @!p0 s3, s7;
	s7 =	simm.s32 @!p0 $0x108  }
0x21: {  	s3 =	sadd.s32 s3, s9;
	s6 =	sadd.s32 @!p0 $0x88, s6;
	s7 =	simm.s32 @p2 $0x1082  }
0x22: {  	[simem:s7], [sflag:s8] =	dma.local @!p0 [hbm:s6], $0xF7A  }
0x23: {  	s9 =	sor.u32 $0xD0000000, s2;
	s6 =	simm.s32 $0x108;
	_ =	swait.ge @!p0 [sflag:s8], $0x0  }
0x24: {  	s3 =	sadd.s32 $0x88, s3;
	s6 =	simm.s32 @!p1 $0x1082;
	[sflag:s4] =	ssyncset.s32 $0xFFFFF086  }
0x25: {  	[simem:s6], [sflag:s4] =	dma.local [hbm:s3], $0xF7A  }
0x26: {  	[smem:$0x3F9B] =	sst s1;
	(tag) =	ssettag s2;
	_ =	strace s9  }
0x27: {  	s1 =	sld [smem:$0x3FAB]  }
0x28: {  	s2 =	sld [smem:$0x3FAC]  }
0x29: {  	s4 =	sld [smem:$0x3FAE]  }
0x2a: {  	p0 =	seq.s32 s5, $0x0;
	s5 =	sld [smem:$0x3FAF]  }
0x2b: {  	s6 =	sld [smem:$0x3FB0]  }
0x2c: {  	s7 =	sld [smem:$0x3FB1]  }
0x2d: {  	s3 =	simm.s32 $0x108;
	s8 =	sld [smem:$0x3FB2]  }
0x2e: {  	s3 =	simm.s32 @!p0 $0x1082;
	s9 =	sld [smem:$0x3FB3]  }
0x2f: {  	lr =	sadd.s32 s0, s3;
	s0 =	sld [smem:$0x3FAA]  }
0x30: {  	s3 =	sld [smem:$0x3FAD]  }
0x31: {  	[smem:$0x3FB6] =	sst s10  }
0x32: {  	s10 =	sld [smem:$0x3FB4];
	_ =	sdelay $0x3  }
0x33: {  	p0 =	seq.s32 s10, $0x1;
	s10 =	sld [smem:$0x3FB6];
	_ =	sdelay $0x3  }
0x34: {  	[smem:$0x3FB6] =	sst s10  }
0x35: {  	s10 =	sld [smem:$0x3FB5];
	_ =	sdelay $0x3  }
0x36: {  	p1 =	seq.s32 s10, $0x1;
	s10 =	sld [smem:$0x3FB6];
	_ =	sdelay $0x3  }
0x37: {  	[smem:$0x3FB6] =	sst s10  }
0x38: {  	s10 =	sld [smem:$0x3FB7]  }
0x39: {  	_ = 	snop;
	(pc) =	sbr.ind lr, $3  }
0x3a: {  	_ = 	snop  }
0x3b: {  	_ = 	snop  }
0x3c: {  	p2 =	seq.s32 s10, $0x1;
	s10 =	sld [smem:$0x3FB6]  }
0x3d: {  	_ =	shalt  }
0x3e: {  	_ =	shalt  }
0x3f: {  	_ =	shalt  }
0x40: {  	_ =	shalt  }
0x41: {  	_ =	shalt  }
0x42: {  	_ =	shalt  }
0x43: {  	_ =	shalt  }
0x44: {  	_ =	shalt  }
0x45: {  	_ =	shalt  }
0x46: {  	_ =	shalt  }
0x47: {  	_ =	shalt  }
0x48: {  	_ =	shalt  }
0x49: {  	_ =	shalt  }
0x4a: {  	_ =	shalt  }
0x4b: {  	_ =	shalt  }
0x4c: {  	_ =	shalt  }
0x4d: {  	_ =	shalt  }
0x4e: {  	_ =	shalt  }
0x4f: {  	_ =	shalt  }
0x50: {  	_ =	shalt  }
0x51: {  	_ =	shalt  }
0x52: {  	_ =	shalt  }
0x53: {  	_ =	shalt  }
0x54: {  	_ =	shalt  }
0x55: {  	_ =	shalt  }
0x56: {  	_ =	shalt  }
0x57: {  	_ =	shalt  }
0x58: {  	_ =	shalt  }
0x59: {  	_ =	shalt  }
0x5a: {  	_ =	shalt  }
0x5b: {  	_ =	shalt  }
0x5c: {  	_ =	shalt  }
0x5d: {  	_ =	shalt  }
0x5e: {  	_ =	shalt  }
0x5f: {  	_ =	shalt  }
0x60: {  	_ =	shalt  }
0x61: {  	_ =	shalt  }
0x62: {  	_ =	shalt  }
0x63: {  	_ =	shalt  }
0x64: {  	_ =	shalt  }
0x65: {  	_ =	shalt  }
0x66: {  	_ =	shalt  }
0x67: {  	_ =	shalt  }
0x68: {  	_ =	shalt  }
0x69: {  	_ =	shalt  }
0x6a: {  	_ =	shalt  }
0x6b: {  	_ =	shalt  }
0x6c: {  	_ =	shalt  }
0x6d: {  	_ =	shalt  }
0x6e: {  	_ =	shalt  }
0x6f: {  	_ =	shalt  }
0x70: {  	_ =	shalt  }
0x71: {  	_ =	shalt  }
0x72: {  	_ =	shalt  }
0x73: {  	_ =	shalt  }
0x74: {  	_ =	shalt  }
0x75: {  	_ =	shalt  }
0x76: {  	_ =	shalt  }
0x77: {  	_ =	shalt  }
0x78: {  	_ =	shalt  }
0x79: {  	_ =	shalt  }
0x7a: {  	_ =	shalt  }
0x7b: {  	_ =	shalt  }
0x7c: {  	_ =	shalt  }
0x7d: {  	_ =	shalt  }
0x7e: {  	_ =	shalt  }
0x7f: {  	_ =	shalt  }
0x80: {  	_ =	shalt  }
0x81: {  	_ =	shalt  }
0x82: {  	_ =	shalt  }
0x83: {  	_ =	shalt  }
0x84: {  	_ =	shalt  }
0x85: {  	_ =	shalt  }
0x86: {  	_ =	shalt  }
0x87: {  	_ =	shalt  }
.Lfunc_end0:
.L_simem_size_0:
called_computation_lowered:
.L_overlay_start_0:
0x88: {  	s2 =	sld [smem:$0x3FD9]  }
0x89: {  	s3 =	sld [smem:$0x3FFE];
	_ =	sdelay $0x1  }
0x8a: {  	s1 =	srdreg.scid  }
0x8b: {  	s0 =	sand.u32 $0x1, s1  }
0x8c: {  	s17 =	sshll.u32 s0, $0xA;
	s2 =	sadd.s32 s3, s2  }
0x8d: {  	s2 =	sadd.s32 s2, s17  }
0x8e: {  	[smem:$0x3FC2] =	sst s2  }
0x8f: {  	_ = 	snop  }
0x90: {  	s2 =	sld [smem:$0x3FC9]  }
0x91: {  	s18 =	sld [smem:$0x3FC5];
	(tm) =	ssettm $0x1  }
0x92: {  	s4 =	sld [smem:$0x3FFB];
	_ =	sdelay $0x3  }
0x93: {  	_ =	strace s4  }
0x94: {  	s4 =	sld [smem:$0x3FFC];
	_ =	sdelay $0x3  }
0x95: {  	_ =	strace s4  }
0x96: {  	s4 =	sld [smem:$0x3FFD];
	_ =	sdelay $0x3  }
0x97: {  	_ =	strace s4  }
0x98: {  	_ =	strace $0x8FFFFFFF  }
0x99: {  	s19 =	sld [smem:$0x3FDB];
	_ =	sdelay $0x1  }
0x9a: {  	s5 =	simm.s32 $_scs_section_size  }
0x9b: {  	s6 =	simm.s32 $_size__tile_overlayer_lowered;
	s7 =	simm.s32 $_tile_overlayer_lowered  }
0x9c: {  	s22 =	simm.s32 $0x1BFF;
	s21 =	sshll.u32 s7, $0x1;
	s4 =	sadd.s32 s5, s19  }
0x9d: {  	s8 =	simm.s32 $0x0;
	s20 =	sshll.u32 s6, $0x1;
	s6 =	sadd.s32 s21, s4  }
0x9e: {  	[timem:s8], [sflag:s22] =	dma.local [hbm:s6], s20  }
0x9f: {  	_ =	swait.ge [sflag:s22], s20  }
0xa0: {  	s5 =	ssub.s32 $0x0, s20;
	[sflag:s22] =	ssyncset.done $0x0  }
0xa1: {  	[sflag:s22] =	ssyncadd.s32 s5;
	_ =	sdelay $0x1  }
0xa2: {  	s23 =	simm.s32 $0x1B8B  }
0xa3: {  	_ =	swait.ge [sflag:s23], $0x1  }
0xa4: {  	[sflag:s23] =	ssyncset.done $0x0  }
0xa5: {  	s25 =	simm.s32 $0x1B8E;
	s24 =	sld [smem:$0x3FFE];
	[sflag:s23] =	ssyncadd.s32 $0xFFFFFFFF  }
0xa6: {  	s26 =	simm.s32 $execute0_lowered;
	[smem:$0x3FD2] =	sst s25  }
0xa7: {  	s6 =	sshll.u32 s26, $0x1;
	_ =	strace $0x80000046;
	[dreg:$0x1] =	wrdreg $0xFFFFFFFF  }
0xa8: {  	s28 =	simm.s32 $_size_execute0_lowered;
	s4 =	sadd.s32 s4, s6;
	[dreg:$0x0] =	wrdreg $0x0  }
0xa9: {  	s6 =	sshll.u32 s28, $0x1;
	[dreg:$0x2] =	wrdreg s4  }
0xaa: {  	[dreg:$0x3] =	wrdreg s6  }
0xab: {  	[dreg:$0x4] =	wrdreg $0xC0  }
0xac: {  	_ =	task [dreg:s8], $0x5FFFF  }
0xad: {  	[dreg:$0x1] =	wrdreg $0xFFFFFFFF  }
0xae: {  	[dreg:$0x0] =	wrdreg $0x60  }
0xaf: {  	[dreg:$0x2] =	wrdreg s2  }
0xb0: {  	[dreg:$0x3] =	wrdreg s18  }
0xb1: {  	[dreg:$0x4] =	wrdreg s24  }
0xb2: {  	[dreg:$0x5] =	wrdreg $0x9  }
0xb3: {  	_ =	task.clear_ibuf [dreg:s8], $0x6FFFF;
	_ =	strace $0x90000046  }
0xb4: {  	s29 =	simm.s32 $0x9;
	_ =	strace $0x80000048  }
0xb5: {  	_ =	swait.ge [sflag:s29], $0x1  }
0xb6: {  	[sflag:s29] =	ssyncadd.s32 $0xFFFFFFFF  }
0xb7: {  	_ =	strace $0x90000048  }
0xb8: {  	_ =	sfence  }
0xb9: {  	s30 =	sld [smem:$0x0];
	_ =	sdelay $0x2  }
0xba: {  	s31 =	sshll.u32 s1, $0xD;
	s1 =	sshrl.u32 s1, $0x2  }
0xbb: {  	s3 =	sand.u32 $0x4000, s31;
	s1 =	sadd.s32 s1, s30  }
0xbc: {  	s0 =	sor.u32 s3, s0;
	s1 =	sshll.u32 s1, $0x11  }
0xbd: {  	s0 =	sor.u32 s1, s0  }
0xbe: {  	s0 =	sadd.s32 $0x8F2B, s0  }
0xbf: {  	[sflag:s0] =	ssyncadd.remote.s32 $0x1  }
0xc0: {  	_ =	sfence.sel $0xFFFF  }
0xc1: {  	[dreg:$0x0] =	wrdreg $0xFFFFFFFF;
	(pc) =	sbr.abs _section_cstart, $3  }
0xc2: {  	[dreg:$0x1] =	wrdreg $0xFFFFFFFF  }
0xc3: {  	_ =	task.clear_ibuf [dreg:s8], $0x2FFFF;
	_ =	strace $0x9FFFFFFF  }
0xc4: {  	(tm) =	ssettm $0x7FFFFFFF  }
0xc5: {  	_ =	shalt  }
tec
execute0_lowered:
.L_overlay_start_1:
0x0: {  	(tag) =	ssettag $0x1  }
0x1: {  	s1 =	rddreg [dreg:$0x0]  }
0x2: {  	s0 =	srdreg.scid;
	s2 =	rddreg [dreg:$0x1]  }
0x3: {  	s3 =	stileid.u32;
	s4 =	rddreg [dreg:$0x2]  }
0x4: {  	s14 =	simm.s32 $0x1;
	s15 =	simm.s32 $0x4;
	s16 =	simm.s32 $0x2  }
0x5: {  	s17 =	simm.s32 $0x5;
	s29 =	simm.s32 $0x3;
	s30 =	simm.s32 $0x4200  }
0x6: {  	s31 =	simm.s32 $0x4A00;
	s7 =	simm.s32 $0x10200;
	s11 =	simm.s32 $0x10A00  }
0x7: {  	s12 =	simm.s32 $0x11200;
	s13 =	simm.s32 $0x11A00;
	s0 =	sand.u32 $0x1, s0  }
0x8: {  	s8 =	simm.s32 $0x13A00;
	s5 =	sshll.u32 s3, $0xA;
	s6 =	sshll.u32 s0, $0x9  }
0x9: {  	s9 =	simm.s32 $0x14200;
	s10 =	simm.s32 $0x14A00;
	s5 =	sor.u32 s6, s5  }
0xa: {  	s3 =	simm.s32 $0x0;
	s6 =	sshll.u32 s5, $0x6;
	s5 =	sshrl.u32 s5, $0x3  }
0xb: {  	[smem:$0x7FF] =	sst s3;
	s6 =	sadd.s32 s6, s4;
	s2 =	sadd.s32 s2, s5  }
0xc: {  	_ =	strace $0x80000047;
	[dreg:$0x4] =	wrdreg s2;
	s18 =	sadd.s32 $0x1400, s6  }
0xd: {  	s28 =	simm.s32 $0x17A00;
	s19 =	sadd.s32 $0x2400, s6;
	[dreg:$0x5] =	wrdreg s18  }
0xe: {  	s0 =	ssub.s32 $0x2, s0;
	s20 =	sadd.s32 $0x3400, s6;
	[dreg:$0x6] =	wrdreg s19  }
0xf: {  	s23 =	sshrl.u32 s0, $0x1;
	s21 =	sadd.s32 $0x4400, s6;
	[dreg:$0x7] =	wrdreg s20  }
0x10: {  	s0 =	ssub.s32 s0, s23;
	s22 =	sadd.s32 $0x5400, s6;
	[dreg:$0x8] =	wrdreg s21  }
0x11: {  	s23 =	simm.s32 $0x200;
	s24 =	sadd.s32 $0x6400, s6;
	[dreg:$0x9] =	wrdreg s22  }
0x12: {  	s4 =	sadd.s32 $0x100, s1;
	s25 =	sadd.s32 $0x7400, s6;
	[dreg:$0xa] =	wrdreg s24  }
0x13: {  	s5 =	smax.u32 s0, $0x1;
	s26 =	sadd.s32 $0x8400, s6;
	[dreg:$0xb] =	wrdreg s25  }
0x14: {  	v2 =	vlaneseq.u32;
	s6 =	simm.s32 $0x12A00;
	[dreg:$0xc] =	wrdreg s26;
	s19 =	simm.s32 $0x6  }
0x15: {  	vm0 =	vmmov $0xffff;
	v1 =	vshrl.u32 v2, $0x3;
	s18 =	simm.s32 $0x13200;
	s21 =	simm.s32 $0x15200;
	s22 =	simm.s32 $0x15A00  }
0x16: {  	v0 =	vand.u32 $0x7, v2;
	v2 =	vor.u32 $0x8, v2;
	v1 =	vmul.u32 $0x8, v1;
	s24 =	simm.s32 $0x16200;
	s25 =	simm.s32 $0x16A00;
	s26 =	simm.s32 $0x17200  }
.LBB2_1:
0x17: {  	s20 =	rddreg [dreg:$0x4];
	s2 =	simm.s32 $0x7  }
0x18: {  	[tilespmem:s3], [sflag:$0x7] =	stream.linear.gather [hbm4b:s20+s3], $0x200, $0x38;
	[tilespmem:$0x18200] =	vst v63  }
0x19: {  	_ =	swait.ge [sflag:s2], $0x200  }
0x1a: {  	[sflag:s2] =	ssyncset.done $0x0  }
0x1b: {  	[sflag:s2] =	ssyncadd.s32 $0xFFFFFE00  }
0x1c: {  	v3 =	vld [tilespmem:$0x0];
	_ =	sdelay $0x4  }
0x1d: {  	v4 =	vshll.u32 v3, $0x2  }
0x1e: {  	v3 =	vand.u32 $0x7, v3;
	v4 =	vand.u32 $0xFFFFFFE0, v4  }
0x1f: {  	v3 =	vor.u32 v3, v4  }
0x20: {  	v4 =	vperm.xlane v3, v0;
	_ =	sdelay $0x1  }
0x21: {  	v4 =	vadd.s32 v1, v4;
	_ =	sdelay $0x1  }
0x22: {  	v3 =	vperm.xlane v3, v2;
	_ =	sdelay $0x1  }
0x23: {  	v3 =	vadd.s32 v1, v3  }
0x24: {  	[tilespmem:s23], [sflag:$0x1] =	stream.indirect_vreg.gather [hbm4b:s1+s3], $0x80, v4, vm0, $0xb8;
	[tilespmem:$0x18200] =	vst v63  }
0x25: {  	s0 =	simm.s32 $0xA00  }
0x26: {  	[tilespmem:s0], [sflag:$0x1] =	stream.indirect_vreg.gather [hbm4b:s4+s3], $0x80, v4, vm0, $0xb8;
	[tilespmem:$0x18200] =	vst v63  }
0x27: {  	s20 =	simm.s32 $0x1200  }
0x28: {  	[tilespmem:s20], [sflag:$0x1] =	stream.indirect_vreg.gather [hbm4b:s1+s3], $0x80, v3, vm0, $0xb8;
	[tilespmem:$0x18200] =	vst v63  }
0x29: {  	s2 =	simm.s32 $0x1A00  }
0x2a: {  	[tilespmem:s2], [sflag:$0x1] =	stream.indirect_vreg.gather [hbm4b:s4+s3], $0x80, v3, vm0, $0xb8;
	[tilespmem:$0x18200] =	vst v63  }
0x2b: {  	v3 =	vld [tilespmem:$0x10];
	_ =	sdelay $0x4  }
0x2c: {  	v33 =	vshll.u32 v3, $0x2  }
0x2d: {  	v3 =	vand.u32 $0x7, v3;
	v4 =	vand.u32 $0xFFFFFFE0, v33  }
0x2e: {  	v3 =	vor.u32 v3, v4  }
0x2f: {  	v4 =	vperm.xlane v3, v0;
	_ =	sdelay $0x1  }
0x30: {  	v4 =	vadd.s32 v1, v4;
	_ =	sdelay $0x1  }
0x31: {  	v3 =	vperm.xlane v3, v2;
	_ =	sdelay $0x1  }
0x32: {  	s20 =	simm.s32 $0x2200;
	v3 =	vadd.s32 v1, v3  }
0x33: {  	[tilespmem:s20], [sflag:$0x1] =	stream.indirect_vreg.gather [hbm4b:s1+s3], $0x80, v4, vm0, $0xb8;
	[tilespmem:$0x18200] =	vst v63  }
0x34: {  	s2 =	simm.s32 $0x2A00  }
0x35: {  	[tilespmem:s2], [sflag:$0x1] =	stream.indirect_vreg.gather [hbm4b:s4+s3], $0x80, v4, vm0, $0xb8;
	[tilespmem:$0x18200] =	vst v63  }
0x36: {  	s20 =	simm.s32 $0x3200  }
0x37: {  	[tilespmem:s20], [sflag:$0x1] =	stream.indirect_vreg.gather [hbm4b:s1+s3], $0x80, v3, vm0, $0xb8;
	[tilespmem:$0x18200] =	vst v63  }
0x38: {  	s2 =	simm.s32 $0x3A00  }
0x39: {  	[tilespmem:s2], [sflag:$0x1] =	stream.indirect_vreg.gather [hbm4b:s4+s3], $0x80, v3, vm0, $0xb8;
	[tilespmem:$0x18200] =	vst v63  }
0x3a: {  	v3 =	vld [tilespmem:$0x20];
	_ =	sdelay $0x4  }
0x3b: {  	v34 =	vshll.u32 v3, $0x2  }
0x3c: {  	v3 =	vand.u32 $0x7, v3;
	v4 =	vand.u32 $0xFFFFFFE0, v34  }
0x3d: {  	v3 =	vor.u32 v3, v4  }
0x3e: {  	v4 =	vperm.xlane v3, v0;
	_ =	sdelay $0x1  }
0x3f: {  	v4 =	vadd.s32 v1, v4;
	_ =	sdelay $0x1  }
0x40: {  	v3 =	vperm.xlane v3, v2;
	_ =	sdelay $0x1  }
0x41: {  	v3 =	vadd.s32 v1, v3  }
0x42: {  	[tilespmem:s30], [sflag:$0x1] =	stream.indirect_vreg.gather [hbm4b:s1+s3], $0x80, v4, vm0, $0xb8;
	[tilespmem:$0x18200] =	vst v63  }
0x43: {  	_ = 	snop  }
0x44: {  	[tilespmem:s31], [sflag:$0x1] =	stream.indirect_vreg.gather [hbm4b:s4+s3], $0x80, v4, vm0, $0xb8;
	[tilespmem:$0x18200] =	vst v63  }
0x45: {  	s20 =	simm.s32 $0x5200  }
0x46: {  	[tilespmem:s20], [sflag:$0x1] =	stream.indirect_vreg.gather [hbm4b:s1+s3], $0x80, v3, vm0, $0xb8;
	[tilespmem:$0x18200] =	vst v63  }
0x47: {  	s2 =	simm.s32 $0x5A00  }
0x48: {  	[tilespmem:s2], [sflag:$0x1] =	stream.indirect_vreg.gather [hbm4b:s4+s3], $0x80, v3, vm0, $0xb8;
	[tilespmem:$0x18200] =	vst v63  }
0x49: {  	v3 =	vld [tilespmem:$0x30];
	_ =	sdelay $0x4  }
0x4a: {  	v35 =	vshll.u32 v3, $0x2  }
0x4b: {  	v3 =	vand.u32 $0x7, v3;
	v4 =	vand.u32 $0xFFFFFFE0, v35  }
0x4c: {  	v3 =	vor.u32 v3, v4  }
0x4d: {  	v4 =	vperm.xlane v3, v0;
	_ =	sdelay $0x1  }
0x4e: {  	v4 =	vadd.s32 v1, v4;
	_ =	sdelay $0x1  }
0x4f: {  	v3 =	vperm.xlane v3, v2;
	_ =	sdelay $0x1  }
0x50: {  	s20 =	simm.s32 $0x6200;
	v3 =	vadd.s32 v1, v3  }
0x51: {  	[tilespmem:s20], [sflag:$0x1] =	stream.indirect_vreg.gather [hbm4b:s1+s3], $0x80, v4, vm0, $0xb8;
	[tilespmem:$0x18200] =	vst v63  }
0x52: {  	s2 =	simm.s32 $0x6A00  }
0x53: {  	[tilespmem:s2], [sflag:$0x1] =	stream.indirect_vreg.gather [hbm4b:s4+s3], $0x80, v4, vm0, $0xb8;
	[tilespmem:$0x18200] =	vst v63  }
0x54: {  	s20 =	simm.s32 $0x7200  }
0x55: {  	[tilespmem:s20], [sflag:$0x1] =	stream.indirect_vreg.gather [hbm4b:s1+s3], $0x80, v3, vm0, $0xb8;
	[tilespmem:$0x18200] =	vst v63  }
0x56: {  	s2 =	simm.s32 $0x7A00  }
0x57: {  	[tilespmem:s2], [sflag:$0x1] =	stream.indirect_vreg.gather [hbm4b:s4+s3], $0x80, v3, vm0, $0xb8;
	[tilespmem:$0x18200] =	vst v63  }
0x58: {  	v3 =	vld [tilespmem:$0x40];
	_ =	sdelay $0x4  }
0x59: {  	v36 =	vshll.u32 v3, $0x2  }
0x5a: {  	v3 =	vand.u32 $0x7, v3;
	v4 =	vand.u32 $0xFFFFFFE0, v36  }
0x5b: {  	v3 =	vor.u32 v3, v4  }
0x5c: {  	v4 =	vperm.xlane v3, v0;
	_ =	sdelay $0x1  }
0x5d: {  	v4 =	vadd.s32 v1, v4;
	_ =	sdelay $0x1  }
0x5e: {  	v3 =	vperm.xlane v3, v2;
	_ =	sdelay $0x1  }
0x5f: {  	s0 =	simm.s32 $0x8200;
	v3 =	vadd.s32 v1, v3  }
0x60: {  	[tilespmem:s0], [sflag:$0x2] =	stream.indirect_vreg.gather [hbm4b:s1+s3], $0x80, v4, vm0, $0xb8;
	[tilespmem:$0x18200] =	vst v63  }
0x61: {  	s2 =	simm.s32 $0x8A00  }
0x62: {  	[tilespmem:s2], [sflag:$0x2] =	stream.indirect_vreg.gather [hbm4b:s4+s3], $0x80, v4, vm0, $0xb8;
	[tilespmem:$0x18200] =	vst v63  }
0x63: {  	s20 =	simm.s32 $0x9200  }
0x64: {  	[tilespmem:s20], [sflag:$0x2] =	stream.indirect_vreg.gather [hbm4b:s1+s3], $0x80, v3, vm0, $0xb8;
	[tilespmem:$0x18200] =	vst v63  }
0x65: {  	s20 =	simm.s32 $0x9A00  }
0x66: {  	[tilespmem:s20], [sflag:$0x2] =	stream.indirect_vreg.gather [hbm4b:s4+s3], $0x80, v3, vm0, $0xb8;
	[tilespmem:$0x18200] =	vst v63  }
0x67: {  	v3 =	vld [tilespmem:$0x50];
	_ =	sdelay $0x4  }
0x68: {  	v37 =	vshll.u32 v3, $0x2  }
0x69: {  	v3 =	vand.u32 $0x7, v3;
	v4 =	vand.u32 $0xFFFFFFE0, v37  }
0x6a: {  	v3 =	vor.u32 v3, v4  }
0x6b: {  	v4 =	vperm.xlane v3, v0;
	_ =	sdelay $0x1  }
0x6c: {  	v4 =	vadd.s32 v1, v4;
	_ =	sdelay $0x1  }
0x6d: {  	v3 =	vperm.xlane v3, v2;
	_ =	sdelay $0x1  }
0x6e: {  	s20 =	simm.s32 $0xA200;
	v3 =	vadd.s32 v1, v3  }
0x6f: {  	[tilespmem:s20], [sflag:$0x2] =	stream.indirect_vreg.gather [hbm4b:s1+s3], $0x80, v4, vm0, $0xb8;
	[tilespmem:$0x18200] =	vst v63  }
0x70: {  	s20 =	simm.s32 $0xAA00  }
0x71: {  	[tilespmem:s20], [sflag:$0x2] =	stream.indirect_vreg.gather [hbm4b:s4+s3], $0x80, v4, vm0, $0xb8;
	[tilespmem:$0x18200] =	vst v63  }
0x72: {  	s20 =	simm.s32 $0xB200  }
0x73: {  	[tilespmem:s20], [sflag:$0x2] =	stream.indirect_vreg.gather [hbm4b:s1+s3], $0x80, v3, vm0, $0xb8;
	[tilespmem:$0x18200] =	vst v63  }
0x74: {  	s20 =	simm.s32 $0xBA00  }
0x75: {  	[tilespmem:s20], [sflag:$0x2] =	stream.indirect_vreg.gather [hbm4b:s4+s3], $0x80, v3, vm0, $0xb8;
	[tilespmem:$0x18200] =	vst v63  }
0x76: {  	v3 =	vld [tilespmem:$0x60];
	_ =	sdelay $0x4  }
0x77: {  	v38 =	vshll.u32 v3, $0x2  }
0x78: {  	v3 =	vand.u32 $0x7, v3;
	v4 =	vand.u32 $0xFFFFFFE0, v38  }
0x79: {  	v3 =	vor.u32 v3, v4  }
0x7a: {  	v4 =	vperm.xlane v3, v0;
	_ =	sdelay $0x1  }
0x7b: {  	v4 =	vadd.s32 v1, v4;
	_ =	sdelay $0x1  }
0x7c: {  	v3 =	vperm.xlane v3, v2;
	_ =	sdelay $0x1  }
0x7d: {  	s20 =	simm.s32 $0xC200;
	v3 =	vadd.s32 v1, v3  }
0x7e: {  	[tilespmem:s20], [sflag:$0x2] =	stream.indirect_vreg.gather [hbm4b:s1+s3], $0x80, v4, vm0, $0xb8;
	[tilespmem:$0x18200] =	vst v63  }
0x7f: {  	s20 =	simm.s32 $0xCA00  }
0x80: {  	[tilespmem:s20], [sflag:$0x2] =	stream.indirect_vreg.gather [hbm4b:s4+s3], $0x80, v4, vm0, $0xb8;
	[tilespmem:$0x18200] =	vst v63  }
0x81: {  	s20 =	simm.s32 $0xD200  }
0x82: {  	[tilespmem:s20], [sflag:$0x2] =	stream.indirect_vreg.gather [hbm4b:s1+s3], $0x80, v3, vm0, $0xb8;
	[tilespmem:$0x18200] =	vst v63  }
0x83: {  	s20 =	simm.s32 $0xDA00  }
0x84: {  	[tilespmem:s20], [sflag:$0x2] =	stream.indirect_vreg.gather [hbm4b:s4+s3], $0x80, v3, vm0, $0xb8;
	[tilespmem:$0x18200] =	vst v63  }
0x85: {  	v3 =	vld [tilespmem:$0x70];
	_ =	sdelay $0x4  }
0x86: {  	v39 =	vshll.u32 v3, $0x2  }
0x87: {  	v3 =	vand.u32 $0x7, v3;
	v4 =	vand.u32 $0xFFFFFFE0, v39  }
0x88: {  	v3 =	vor.u32 v3, v4  }
0x89: {  	v4 =	vperm.xlane v3, v0;
	_ =	sdelay $0x1  }
0x8a: {  	v4 =	vadd.s32 v1, v4;
	_ =	sdelay $0x1  }
0x8b: {  	v3 =	vperm.xlane v3, v2;
	_ =	sdelay $0x1  }
0x8c: {  	s20 =	simm.s32 $0xE200;
	v3 =	vadd.s32 v1, v3  }
0x8d: {  	[tilespmem:s20], [sflag:$0x2] =	stream.indirect_vreg.gather [hbm4b:s1+s3], $0x80, v4, vm0, $0xb8;
	[tilespmem:$0x18200] =	vst v63  }
0x8e: {  	s20 =	simm.s32 $0xEA00  }
0x8f: {  	[tilespmem:s20], [sflag:$0x2] =	stream.indirect_vreg.gather [hbm4b:s4+s3], $0x80, v4, vm0, $0xb8;
	[tilespmem:$0x18200] =	vst v63  }
0x90: {  	s20 =	simm.s32 $0xF200  }
0x91: {  	[tilespmem:s20], [sflag:$0x2] =	stream.indirect_vreg.gather [hbm4b:s1+s3], $0x80, v3, vm0, $0xb8;
	[tilespmem:$0x18200] =	vst v63  }
0x92: {  	s20 =	simm.s32 $0xFA00  }
0x93: {  	[tilespmem:s20], [sflag:$0x2] =	stream.indirect_vreg.gather [hbm4b:s4+s3], $0x80, v3, vm0, $0xb8;
	[tilespmem:$0x18200] =	vst v63  }
0x94: {  	v3 =	vld [tilespmem:$0x80];
	_ =	sdelay $0x4  }
0x95: {  	v40 =	vshll.u32 v3, $0x2  }
0x96: {  	v3 =	vand.u32 $0x7, v3;
	v4 =	vand.u32 $0xFFFFFFE0, v40  }
0x97: {  	v3 =	vor.u32 v3, v4  }
0x98: {  	v4 =	vperm.xlane v3, v0;
	_ =	sdelay $0x1  }
0x99: {  	v4 =	vadd.s32 v1, v4;
	_ =	sdelay $0x1  }
0x9a: {  	v3 =	vperm.xlane v3, v2;
	_ =	sdelay $0x1  }
0x9b: {  	v3 =	vadd.s32 v1, v3  }
0x9c: {  	[tilespmem:s7], [sflag:$0x3] =	stream.indirect_vreg.gather [hbm4b:s1+s3], $0x80, v4, vm0, $0xb8;
	[tilespmem:$0x18200] =	vst v63  }
0x9d: {  	_ = 	snop  }
0x9e: {  	[tilespmem:s11], [sflag:$0x3] =	stream.indirect_vreg.gather [hbm4b:s4+s3], $0x80, v4, vm0, $0xb8;
	[tilespmem:$0x18200] =	vst v63  }
0x9f: {  	_ = 	snop  }
0xa0: {  	[tilespmem:s12], [sflag:$0x3] =	stream.indirect_vreg.gather [hbm4b:s1+s3], $0x80, v3, vm0, $0xb8;
	[tilespmem:$0x18200] =	vst v63  }
0xa1: {  	_ = 	snop  }
0xa2: {  	[tilespmem:s13], [sflag:$0x3] =	stream.indirect_vreg.gather [hbm4b:s4+s3], $0x80, v3, vm0, $0xb8;
	[tilespmem:$0x18200] =	vst v63  }
0xa3: {  	v3 =	vld [tilespmem:$0x90];
	_ =	sdelay $0x4  }
0xa4: {  	v41 =	vshll.u32 v3, $0x2  }
0xa5: {  	v3 =	vand.u32 $0x7, v3;
	v4 =	vand.u32 $0xFFFFFFE0, v41  }
0xa6: {  	v3 =	vor.u32 v3, v4  }
0xa7: {  	v4 =	vperm.xlane v3, v0;
	_ =	sdelay $0x1  }
0xa8: {  	v4 =	vadd.s32 v1, v4;
	_ =	sdelay $0x1  }
0xa9: {  	v3 =	vperm.xlane v3, v2;
	_ =	sdelay $0x1  }
0xaa: {  	s2 =	simm.s32 $0x12200;
	v3 =	vadd.s32 v1, v3  }
0xab: {  	[tilespmem:s2], [sflag:$0x3] =	stream.indirect_vreg.gather [hbm4b:s1+s3], $0x80, v4, vm0, $0xb8;
	[tilespmem:$0x18200] =	vst v63  }
0xac: {  	_ = 	snop  }
0xad: {  	[tilespmem:s6], [sflag:$0x3] =	stream.indirect_vreg.gather [hbm4b:s4+s3], $0x80, v4, vm0, $0xb8;
	[tilespmem:$0x18200] =	vst v63  }
0xae: {  	_ = 	snop  }
0xaf: {  	[tilespmem:s18], [sflag:$0x3] =	stream.indirect_vreg.gather [hbm4b:s1+s3], $0x80, v3, vm0, $0xb8;
	[tilespmem:$0x18200] =	vst v63  }
0xb0: {  	_ = 	snop  }
0xb1: {  	[tilespmem:s8], [sflag:$0x3] =	stream.indirect_vreg.gather [hbm4b:s4+s3], $0x80, v3, vm0, $0xb8;
	[tilespmem:$0x18200] =	vst v63  }
0xb2: {  	v3 =	vld [tilespmem:$0xA0];
	_ =	sdelay $0x4  }
0xb3: {  	v42 =	vshll.u32 v3, $0x2  }
0xb4: {  	v3 =	vand.u32 $0x7, v3;
	v4 =	vand.u32 $0xFFFFFFE0, v42  }
0xb5: {  	v3 =	vor.u32 v3, v4  }
0xb6: {  	v4 =	vperm.xlane v3, v0;
	_ =	sdelay $0x1  }
0xb7: {  	v4 =	vadd.s32 v1, v4;
	_ =	sdelay $0x1  }
0xb8: {  	v3 =	vperm.xlane v3, v2;
	_ =	sdelay $0x1  }
0xb9: {  	v3 =	vadd.s32 v1, v3  }
0xba: {  	[tilespmem:s9], [sflag:$0x3] =	stream.indirect_vreg.gather [hbm4b:s1+s3], $0x80, v4, vm0, $0xb8;
	[tilespmem:$0x18200] =	vst v63  }
0xbb: {  	_ = 	snop  }
0xbc: {  	[tilespmem:s10], [sflag:$0x3] =	stream.indirect_vreg.gather [hbm4b:s4+s3], $0x80, v4, vm0, $0xb8;
	[tilespmem:$0x18200] =	vst v63  }
0xbd: {  	_ = 	snop  }
0xbe: {  	[tilespmem:s21], [sflag:$0x3] =	stream.indirect_vreg.gather [hbm4b:s1+s3], $0x80, v3, vm0, $0xb8;
	[tilespmem:$0x18200] =	vst v63  }
0xbf: {  	_ = 	snop  }
0xc0: {  	[tilespmem:s22], [sflag:$0x3] =	stream.indirect_vreg.gather [hbm4b:s4+s3], $0x80, v3, vm0, $0xb8;
	[tilespmem:$0x18200] =	vst v63  }
0xc1: {  	v3 =	vld [tilespmem:$0xB0];
	_ =	sdelay $0x4  }
0xc2: {  	v43 =	vshll.u32 v3, $0x2  }
0xc3: {  	v3 =	vand.u32 $0x7, v3;
	v4 =	vand.u32 $0xFFFFFFE0, v43  }
0xc4: {  	v3 =	vor.u32 v3, v4  }
0xc5: {  	v4 =	vperm.xlane v3, v0;
	_ =	sdelay $0x1  }
0xc6: {  	v4 =	vadd.s32 v1, v4;
	_ =	sdelay $0x1  }
0xc7: {  	v3 =	vperm.xlane v3, v2;
	_ =	sdelay $0x1  }
0xc8: {  	v3 =	vadd.s32 v1, v3  }
0xc9: {  	[tilespmem:s24], [sflag:$0x3] =	stream.indirect_vreg.gather [hbm4b:s1+s3], $0x80, v4, vm0, $0xb8;
	[tilespmem:$0x18200] =	vst v63  }
0xca: {  	_ = 	snop  }
0xcb: {  	[tilespmem:s25], [sflag:$0x3] =	stream.indirect_vreg.gather [hbm4b:s4+s3], $0x80, v4, vm0, $0xb8;
	[tilespmem:$0x18200] =	vst v63  }
0xcc: {  	_ = 	snop  }
0xcd: {  	[tilespmem:s26], [sflag:$0x3] =	stream.indirect_vreg.gather [hbm4b:s1+s3], $0x80, v3, vm0, $0xb8;
	[tilespmem:$0x18200] =	vst v63  }
0xce: {  	_ = 	snop  }
0xcf: {  	[tilespmem:s28], [sflag:$0x3] =	stream.indirect_vreg.gather [hbm4b:s4+s3], $0x80, v3, vm0, $0xb8;
	[tilespmem:$0x18200] =	vst v63  }
0xd0: {  	_ =	swait.ge [sflag:s14], $0x8000  }
0xd1: {  	[sflag:s14] =	ssyncset.done $0x0  }
0xd2: {  	s20 =	rddreg [dreg:$0x5];
	[sflag:s14] =	ssyncadd.s32 $0xFFFF8000  }
0xd3: {  	[hbm4b:s20+s3] =	stream.linear.scatter [tilespmem:s23], [sflag:$0x4], $0x8000, $0x38;
	[tilespmem:$0x18200] =	vst v63  }
0xd4: {  	_ =	swait.ge [sflag:s15], $0x8000  }
0xd5: {  	[sflag:s15] =	ssyncset.done $0x0  }
0xd6: {  	[sflag:s15] =	ssyncadd.s32 $0xFFFF8000  }
0xd7: {  	v3 =	vld [tilespmem:$0xC0];
	_ =	sdelay $0x4  }
0xd8: {  	v44 =	vshll.u32 v3, $0x2  }
0xd9: {  	v3 =	vand.u32 $0x7, v3;
	v4 =	vand.u32 $0xFFFFFFE0, v44  }
0xda: {  	v3 =	vor.u32 v3, v4  }
0xdb: {  	v4 =	vperm.xlane v3, v0;
	_ =	sdelay $0x1  }
0xdc: {  	v4 =	vadd.s32 v1, v4;
	_ =	sdelay $0x1  }
0xdd: {  	v3 =	vperm.xlane v3, v2;
	_ =	sdelay $0x1  }
0xde: {  	v3 =	vadd.s32 v1, v3  }
0xdf: {  	[tilespmem:s23], [sflag:$0x1] =	stream.indirect_vreg.gather [hbm4b:s1+s3], $0x80, v4, vm0, $0xb8;
	[tilespmem:$0x18200] =	vst v63  }
0xe0: {  	s20 =	simm.s32 $0xA00  }
0xe1: {  	[tilespmem:s20], [sflag:$0x1] =	stream.indirect_vreg.gather [hbm4b:s4+s3], $0x80, v4, vm0, $0xb8;
	[tilespmem:$0x18200] =	vst v63  }
0xe2: {  	s20 =	simm.s32 $0x1200  }
0xe3: {  	[tilespmem:s20], [sflag:$0x1] =	stream.indirect_vreg.gather [hbm4b:s1+s3], $0x80, v3, vm0, $0xb8;
	[tilespmem:$0x18200] =	vst v63  }
0xe4: {  	s20 =	simm.s32 $0x1A00  }
0xe5: {  	[tilespmem:s20], [sflag:$0x1] =	stream.indirect_vreg.gather [hbm4b:s4+s3], $0x80, v3, vm0, $0xb8;
	[tilespmem:$0x18200] =	vst v63  }
0xe6: {  	v3 =	vld [tilespmem:$0xD0];
	_ =	sdelay $0x4  }
0xe7: {  	v45 =	vshll.u32 v3, $0x2  }
0xe8: {  	v3 =	vand.u32 $0x7, v3;
	v4 =	vand.u32 $0xFFFFFFE0, v45  }
0xe9: {  	v3 =	vor.u32 v3, v4  }
0xea: {  	v4 =	vperm.xlane v3, v0;
	_ =	sdelay $0x1  }
0xeb: {  	v4 =	vadd.s32 v1, v4;
	_ =	sdelay $0x1  }
0xec: {  	v3 =	vperm.xlane v3, v2;
	_ =	sdelay $0x1  }
0xed: {  	s20 =	simm.s32 $0x2200;
	v3 =	vadd.s32 v1, v3  }
0xee: {  	[tilespmem:s20], [sflag:$0x1] =	stream.indirect_vreg.gather [hbm4b:s1+s3], $0x80, v4, vm0, $0xb8;
	[tilespmem:$0x18200] =	vst v63  }
0xef: {  	s20 =	simm.s32 $0x2A00  }
0xf0: {  	[tilespmem:s20], [sflag:$0x1] =	stream.indirect_vreg.gather [hbm4b:s4+s3], $0x80, v4, vm0, $0xb8;
	[tilespmem:$0x18200] =	vst v63  }
0xf1: {  	s20 =	simm.s32 $0x3200  }
0xf2: {  	[tilespmem:s20], [sflag:$0x1] =	stream.indirect_vreg.gather [hbm4b:s1+s3], $0x80, v3, vm0, $0xb8;
	[tilespmem:$0x18200] =	vst v63  }
0xf3: {  	s20 =	simm.s32 $0x3A00  }
0xf4: {  	[tilespmem:s20], [sflag:$0x1] =	stream.indirect_vreg.gather [hbm4b:s4+s3], $0x80, v3, vm0, $0xb8;
	[tilespmem:$0x18200] =	vst v63  }
0xf5: {  	v3 =	vld [tilespmem:$0xE0];
	_ =	sdelay $0x4  }
0xf6: {  	v46 =	vshll.u32 v3, $0x2  }
0xf7: {  	v3 =	vand.u32 $0x7, v3;
	v4 =	vand.u32 $0xFFFFFFE0, v46  }
0xf8: {  	v3 =	vor.u32 v3, v4  }
0xf9: {  	v4 =	vperm.xlane v3, v0;
	_ =	sdelay $0x1  }
0xfa: {  	v4 =	vadd.s32 v1, v4;
	_ =	sdelay $0x1  }
0xfb: {  	v3 =	vperm.xlane v3, v2;
	_ =	sdelay $0x1  }
0xfc: {  	v3 =	vadd.s32 v1, v3  }
0xfd: {  	[tilespmem:s30], [sflag:$0x1] =	stream.indirect_vreg.gather [hbm4b:s1+s3], $0x80, v4, vm0, $0xb8;
	[tilespmem:$0x18200] =	vst v63  }
0xfe: {  	_ = 	snop  }
0xff: {  	[tilespmem:s31], [sflag:$0x1] =	stream.indirect_vreg.gather [hbm4b:s4+s3], $0x80, v4, vm0, $0xb8;
	[tilespmem:$0x18200] =	vst v63  }
0x100: {  	s20 =	simm.s32 $0x5200  }
0x101: {  	[tilespmem:s20], [sflag:$0x1] =	stream.indirect_vreg.gather [hbm4b:s1+s3], $0x80, v3, vm0, $0xb8;
	[tilespmem:$0x18200] =	vst v63  }
0x102: {  	s20 =	simm.s32 $0x5A00  }
0x103: {  	[tilespmem:s20], [sflag:$0x1] =	stream.indirect_vreg.gather [hbm4b:s4+s3], $0x80, v3, vm0, $0xb8;
	[tilespmem:$0x18200] =	vst v63  }
0x104: {  	v3 =	vld [tilespmem:$0xF0];
	_ =	sdelay $0x4  }
0x105: {  	v47 =	vshll.u32 v3, $0x2  }
0x106: {  	v3 =	vand.u32 $0x7, v3;
	v4 =	vand.u32 $0xFFFFFFE0, v47  }
0x107: {  	v3 =	vor.u32 v3, v4  }
0x108: {  	v4 =	vperm.xlane v3, v0;
	_ =	sdelay $0x1  }
0x109: {  	v4 =	vadd.s32 v1, v4;
	_ =	sdelay $0x1  }
0x10a: {  	v3 =	vperm.xlane v3, v2;
	_ =	sdelay $0x1  }
0x10b: {  	s20 =	simm.s32 $0x6200;
	v3 =	vadd.s32 v1, v3  }
0x10c: {  	[tilespmem:s20], [sflag:$0x1] =	stream.indirect_vreg.gather [hbm4b:s1+s3], $0x80, v4, vm0, $0xb8;
	[tilespmem:$0x18200] =	vst v63  }
0x10d: {  	s20 =	simm.s32 $0x6A00  }
0x10e: {  	[tilespmem:s20], [sflag:$0x1] =	stream.indirect_vreg.gather [hbm4b:s4+s3], $0x80, v4, vm0, $0xb8;
	[tilespmem:$0x18200] =	vst v63  }
0x10f: {  	s20 =	simm.s32 $0x7200  }
0x110: {  	[tilespmem:s20], [sflag:$0x1] =	stream.indirect_vreg.gather [hbm4b:s1+s3], $0x80, v3, vm0, $0xb8;
	[tilespmem:$0x18200] =	vst v63  }
0x111: {  	s20 =	simm.s32 $0x7A00  }
0x112: {  	[tilespmem:s20], [sflag:$0x1] =	stream.indirect_vreg.gather [hbm4b:s4+s3], $0x80, v3, vm0, $0xb8;
	[tilespmem:$0x18200] =	vst v63  }
0x113: {  	_ =	swait.ge [sflag:s16], $0x8000  }
0x114: {  	[sflag:s16] =	ssyncset.done $0x0  }
0x115: {  	s20 =	rddreg [dreg:$0x6];
	[sflag:s16] =	ssyncadd.s32 $0xFFFF8000  }
0x116: {  	[hbm4b:s20+s3] =	stream.linear.scatter [tilespmem:s0], [sflag:$0x5], $0x8000, $0x38;
	[tilespmem:$0x18200] =	vst v63  }
0x117: {  	_ =	swait.ge [sflag:s17], $0x8000  }
0x118: {  	[sflag:s17] =	ssyncset.done $0x0  }
0x119: {  	[sflag:s17] =	ssyncadd.s32 $0xFFFF8000  }
0x11a: {  	v3 =	vld [tilespmem:$0x100];
	_ =	sdelay $0x4  }
0x11b: {  	v48 =	vshll.u32 v3, $0x2  }
0x11c: {  	v3 =	vand.u32 $0x7, v3;
	v4 =	vand.u32 $0xFFFFFFE0, v48  }
0x11d: {  	v3 =	vor.u32 v3, v4  }
0x11e: {  	v4 =	vperm.xlane v3, v0;
	_ =	sdelay $0x1  }
0x11f: {  	v4 =	vadd.s32 v1, v4;
	_ =	sdelay $0x1  }
0x120: {  	v3 =	vperm.xlane v3, v2;
	_ =	sdelay $0x1  }
0x121: {  	v3 =	vadd.s32 v1, v3  }
0x122: {  	[tilespmem:s0], [sflag:$0x2] =	stream.indirect_vreg.gather [hbm4b:s1+s3], $0x80, v4, vm0, $0xb8;
	[tilespmem:$0x18200] =	vst v63  }
0x123: {  	s20 =	simm.s32 $0x8A00  }
0x124: {  	[tilespmem:s20], [sflag:$0x2] =	stream.indirect_vreg.gather [hbm4b:s4+s3], $0x80, v4, vm0, $0xb8;
	[tilespmem:$0x18200] =	vst v63  }
0x125: {  	s20 =	simm.s32 $0x9200  }
0x126: {  	[tilespmem:s20], [sflag:$0x2] =	stream.indirect_vreg.gather [hbm4b:s1+s3], $0x80, v3, vm0, $0xb8;
	[tilespmem:$0x18200] =	vst v63  }
0x127: {  	s20 =	simm.s32 $0x9A00  }
0x128: {  	[tilespmem:s20], [sflag:$0x2] =	stream.indirect_vreg.gather [hbm4b:s4+s3], $0x80, v3, vm0, $0xb8;
	[tilespmem:$0x18200] =	vst v63  }
0x129: {  	v3 =	vld [tilespmem:$0x110];
	_ =	sdelay $0x4  }
0x12a: {  	v49 =	vshll.u32 v3, $0x2  }
0x12b: {  	v3 =	vand.u32 $0x7, v3;
	v4 =	vand.u32 $0xFFFFFFE0, v49  }
0x12c: {  	v3 =	vor.u32 v3, v4  }
0x12d: {  	v4 =	vperm.xlane v3, v0;
	_ =	sdelay $0x1  }
0x12e: {  	v4 =	vadd.s32 v1, v4;
	_ =	sdelay $0x1  }
0x12f: {  	v3 =	vperm.xlane v3, v2;
	_ =	sdelay $0x1  }
0x130: {  	s20 =	simm.s32 $0xA200;
	v3 =	vadd.s32 v1, v3  }
0x131: {  	[tilespmem:s20], [sflag:$0x2] =	stream.indirect_vreg.gather [hbm4b:s1+s3], $0x80, v4, vm0, $0xb8;
	[tilespmem:$0x18200] =	vst v63  }
0x132: {  	s20 =	simm.s32 $0xAA00  }
0x133: {  	[tilespmem:s20], [sflag:$0x2] =	stream.indirect_vreg.gather [hbm4b:s4+s3], $0x80, v4, vm0, $0xb8;
	[tilespmem:$0x18200] =	vst v63  }
0x134: {  	s20 =	simm.s32 $0xB200  }
0x135: {  	[tilespmem:s20], [sflag:$0x2] =	stream.indirect_vreg.gather [hbm4b:s1+s3], $0x80, v3, vm0, $0xb8;
	[tilespmem:$0x18200] =	vst v63  }
0x136: {  	s20 =	simm.s32 $0xBA00  }
0x137: {  	[tilespmem:s20], [sflag:$0x2] =	stream.indirect_vreg.gather [hbm4b:s4+s3], $0x80, v3, vm0, $0xb8;
	[tilespmem:$0x18200] =	vst v63  }
0x138: {  	v3 =	vld [tilespmem:$0x120];
	_ =	sdelay $0x4  }
0x139: {  	v50 =	vshll.u32 v3, $0x2  }
0x13a: {  	v3 =	vand.u32 $0x7, v3;
	v4 =	vand.u32 $0xFFFFFFE0, v50  }
0x13b: {  	v3 =	vor.u32 v3, v4  }
0x13c: {  	v4 =	vperm.xlane v3, v0;
	_ =	sdelay $0x1  }
0x13d: {  	v4 =	vadd.s32 v1, v4;
	_ =	sdelay $0x1  }
0x13e: {  	v3 =	vperm.xlane v3, v2;
	_ =	sdelay $0x1  }
0x13f: {  	s20 =	simm.s32 $0xC200;
	v3 =	vadd.s32 v1, v3  }
0x140: {  	[tilespmem:s20], [sflag:$0x2] =	stream.indirect_vreg.gather [hbm4b:s1+s3], $0x80, v4, vm0, $0xb8;
	[tilespmem:$0x18200] =	vst v63  }
0x141: {  	s20 =	simm.s32 $0xCA00  }
0x142: {  	[tilespmem:s20], [sflag:$0x2] =	stream.indirect_vreg.gather [hbm4b:s4+s3], $0x80, v4, vm0, $0xb8;
	[tilespmem:$0x18200] =	vst v63  }
0x143: {  	s20 =	simm.s32 $0xD200  }
0x144: {  	[tilespmem:s20], [sflag:$0x2] =	stream.indirect_vreg.gather [hbm4b:s1+s3], $0x80, v3, vm0, $0xb8;
	[tilespmem:$0x18200] =	vst v63  }
0x145: {  	s20 =	simm.s32 $0xDA00  }
0x146: {  	[tilespmem:s20], [sflag:$0x2] =	stream.indirect_vreg.gather [hbm4b:s4+s3], $0x80, v3, vm0, $0xb8;
	[tilespmem:$0x18200] =	vst v63  }
0x147: {  	v3 =	vld [tilespmem:$0x130];
	_ =	sdelay $0x4  }
0x148: {  	v51 =	vshll.u32 v3, $0x2  }
0x149: {  	v3 =	vand.u32 $0x7, v3;
	v4 =	vand.u32 $0xFFFFFFE0, v51  }
0x14a: {  	v3 =	vor.u32 v3, v4  }
0x14b: {  	v4 =	vperm.xlane v3, v0;
	_ =	sdelay $0x1  }
0x14c: {  	v4 =	vadd.s32 v1, v4;
	_ =	sdelay $0x1  }
0x14d: {  	v3 =	vperm.xlane v3, v2;
	_ =	sdelay $0x1  }
0x14e: {  	s20 =	simm.s32 $0xE200;
	v3 =	vadd.s32 v1, v3  }
0x14f: {  	[tilespmem:s20], [sflag:$0x2] =	stream.indirect_vreg.gather [hbm4b:s1+s3], $0x80, v4, vm0, $0xb8;
	[tilespmem:$0x18200] =	vst v63  }
0x150: {  	s20 =	simm.s32 $0xEA00  }
0x151: {  	[tilespmem:s20], [sflag:$0x2] =	stream.indirect_vreg.gather [hbm4b:s4+s3], $0x80, v4, vm0, $0xb8;
	[tilespmem:$0x18200] =	vst v63  }
0x152: {  	s20 =	simm.s32 $0xF200  }
0x153: {  	[tilespmem:s20], [sflag:$0x2] =	stream.indirect_vreg.gather [hbm4b:s1+s3], $0x80, v3, vm0, $0xb8;
	[tilespmem:$0x18200] =	vst v63  }
0x154: {  	s20 =	simm.s32 $0xFA00  }
0x155: {  	[tilespmem:s20], [sflag:$0x2] =	stream.indirect_vreg.gather [hbm4b:s4+s3], $0x80, v3, vm0, $0xb8;
	[tilespmem:$0x18200] =	vst v63  }
0x156: {  	_ =	swait.ge [sflag:s29], $0x8000  }
0x157: {  	[sflag:s29] =	ssyncset.done $0x0  }
0x158: {  	s20 =	rddreg [dreg:$0x7];
	[sflag:s29] =	ssyncadd.s32 $0xFFFF8000  }
0x159: {  	[hbm4b:s20+s3] =	stream.linear.scatter [tilespmem:s7], [sflag:$0x6], $0x8000, $0x38;
	[tilespmem:$0x18200] =	vst v63  }
0x15a: {  	_ =	swait.ge [sflag:s19], $0x8000  }
0x15b: {  	[sflag:s19] =	ssyncset.done $0x0  }
0x15c: {  	[sflag:s19] =	ssyncadd.s32 $0xFFFF8000  }
0x15d: {  	v3 =	vld [tilespmem:$0x140];
	_ =	sdelay $0x4  }
0x15e: {  	v52 =	vshll.u32 v3, $0x2  }
0x15f: {  	v3 =	vand.u32 $0x7, v3;
	v4 =	vand.u32 $0xFFFFFFE0, v52  }
0x160: {  	v3 =	vor.u32 v3, v4  }
0x161: {  	v4 =	vperm.xlane v3, v0;
	_ =	sdelay $0x1  }
0x162: {  	v4 =	vadd.s32 v1, v4;
	_ =	sdelay $0x1  }
0x163: {  	v3 =	vperm.xlane v3, v2;
	_ =	sdelay $0x1  }
0x164: {  	v3 =	vadd.s32 v1, v3  }
0x165: {  	[tilespmem:s7], [sflag:$0x3] =	stream.indirect_vreg.gather [hbm4b:s1+s3], $0x80, v4, vm0, $0xb8;
	[tilespmem:$0x18200] =	vst v63  }
0x166: {  	_ = 	snop  }
0x167: {  	[tilespmem:s11], [sflag:$0x3] =	stream.indirect_vreg.gather [hbm4b:s4+s3], $0x80, v4, vm0, $0xb8;
	[tilespmem:$0x18200] =	vst v63  }
0x168: {  	_ = 	snop  }
0x169: {  	[tilespmem:s12], [sflag:$0x3] =	stream.indirect_vreg.gather [hbm4b:s1+s3], $0x80, v3, vm0, $0xb8;
	[tilespmem:$0x18200] =	vst v63  }
0x16a: {  	_ = 	snop  }
0x16b: {  	[tilespmem:s13], [sflag:$0x3] =	stream.indirect_vreg.gather [hbm4b:s4+s3], $0x80, v3, vm0, $0xb8;
	[tilespmem:$0x18200] =	vst v63  }
0x16c: {  	v3 =	vld [tilespmem:$0x150];
	_ =	sdelay $0x4  }
0x16d: {  	v53 =	vshll.u32 v3, $0x2  }
0x16e: {  	v3 =	vand.u32 $0x7, v3;
	v4 =	vand.u32 $0xFFFFFFE0, v53  }
0x16f: {  	v3 =	vor.u32 v3, v4  }
0x170: {  	v4 =	vperm.xlane v3, v0;
	_ =	sdelay $0x1  }
0x171: {  	v4 =	vadd.s32 v1, v4;
	_ =	sdelay $0x1  }
0x172: {  	v3 =	vperm.xlane v3, v2;
	_ =	sdelay $0x1  }
0x173: {  	v3 =	vadd.s32 v1, v3  }
0x174: {  	[tilespmem:s2], [sflag:$0x3] =	stream.indirect_vreg.gather [hbm4b:s1+s3], $0x80, v4, vm0, $0xb8;
	[tilespmem:$0x18200] =	vst v63  }
0x175: {  	_ = 	snop  }
0x176: {  	[tilespmem:s6], [sflag:$0x3] =	stream.indirect_vreg.gather [hbm4b:s4+s3], $0x80, v4, vm0, $0xb8;
	[tilespmem:$0x18200] =	vst v63  }
0x177: {  	_ = 	snop  }
0x178: {  	[tilespmem:s18], [sflag:$0x3] =	stream.indirect_vreg.gather [hbm4b:s1+s3], $0x80, v3, vm0, $0xb8;
	[tilespmem:$0x18200] =	vst v63  }
0x179: {  	_ = 	snop  }
0x17a: {  	[tilespmem:s8], [sflag:$0x3] =	stream.indirect_vreg.gather [hbm4b:s4+s3], $0x80, v3, vm0, $0xb8;
	[tilespmem:$0x18200] =	vst v63  }
0x17b: {  	v3 =	vld [tilespmem:$0x160];
	_ =	sdelay $0x4  }
0x17c: {  	v54 =	vshll.u32 v3, $0x2  }
0x17d: {  	v3 =	vand.u32 $0x7, v3;
	v4 =	vand.u32 $0xFFFFFFE0, v54  }
0x17e: {  	v3 =	vor.u32 v3, v4  }
0x17f: {  	v4 =	vperm.xlane v3, v0;
	_ =	sdelay $0x1  }
0x180: {  	v4 =	vadd.s32 v1, v4;
	_ =	sdelay $0x1  }
0x181: {  	v3 =	vperm.xlane v3, v2;
	_ =	sdelay $0x1  }
0x182: {  	v3 =	vadd.s32 v1, v3  }
0x183: {  	[tilespmem:s9], [sflag:$0x3] =	stream.indirect_vreg.gather [hbm4b:s1+s3], $0x80, v4, vm0, $0xb8;
	[tilespmem:$0x18200] =	vst v63  }
0x184: {  	_ = 	snop  }
0x185: {  	[tilespmem:s10], [sflag:$0x3] =	stream.indirect_vreg.gather [hbm4b:s4+s3], $0x80, v4, vm0, $0xb8;
	[tilespmem:$0x18200] =	vst v63  }
0x186: {  	_ = 	snop  }
0x187: {  	[tilespmem:s21], [sflag:$0x3] =	stream.indirect_vreg.gather [hbm4b:s1+s3], $0x80, v3, vm0, $0xb8;
	[tilespmem:$0x18200] =	vst v63  }
0x188: {  	_ = 	snop  }
0x189: {  	[tilespmem:s22], [sflag:$0x3] =	stream.indirect_vreg.gather [hbm4b:s4+s3], $0x80, v3, vm0, $0xb8;
	[tilespmem:$0x18200] =	vst v63  }
0x18a: {  	v3 =	vld [tilespmem:$0x170];
	_ =	sdelay $0x4  }
0x18b: {  	v55 =	vshll.u32 v3, $0x2  }
0x18c: {  	v3 =	vand.u32 $0x7, v3;
	v4 =	vand.u32 $0xFFFFFFE0, v55  }
0x18d: {  	v3 =	vor.u32 v3, v4  }
0x18e: {  	v4 =	vperm.xlane v3, v0;
	_ =	sdelay $0x1  }
0x18f: {  	v4 =	vadd.s32 v1, v4;
	_ =	sdelay $0x1  }
0x190: {  	v3 =	vperm.xlane v3, v2;
	_ =	sdelay $0x1  }
0x191: {  	v3 =	vadd.s32 v1, v3  }
0x192: {  	[tilespmem:s24], [sflag:$0x3] =	stream.indirect_vreg.gather [hbm4b:s1+s3], $0x80, v4, vm0, $0xb8;
	[tilespmem:$0x18200] =	vst v63  }
0x193: {  	_ = 	snop  }
0x194: {  	[tilespmem:s25], [sflag:$0x3] =	stream.indirect_vreg.gather [hbm4b:s4+s3], $0x80, v4, vm0, $0xb8;
	[tilespmem:$0x18200] =	vst v63  }
0x195: {  	_ = 	snop  }
0x196: {  	[tilespmem:s26], [sflag:$0x3] =	stream.indirect_vreg.gather [hbm4b:s1+s3], $0x80, v3, vm0, $0xb8;
	[tilespmem:$0x18200] =	vst v63  }
0x197: {  	_ = 	snop  }
0x198: {  	[tilespmem:s28], [sflag:$0x3] =	stream.indirect_vreg.gather [hbm4b:s4+s3], $0x80, v3, vm0, $0xb8;
	[tilespmem:$0x18200] =	vst v63  }
0x199: {  	_ =	swait.ge [sflag:s14], $0x8000  }
0x19a: {  	[sflag:s14] =	ssyncset.done $0x0  }
0x19b: {  	s2 =	rddreg [dreg:$0x8];
	[sflag:s14] =	ssyncadd.s32 $0xFFFF8000  }
0x19c: {  	[hbm4b:s2+s3] =	stream.linear.scatter [tilespmem:s23], [sflag:$0x4], $0x8000, $0x38;
	[tilespmem:$0x18200] =	vst v63  }
0x19d: {  	_ =	swait.ge [sflag:s15], $0x8000  }
0x19e: {  	[sflag:s15] =	ssyncset.done $0x0  }
0x19f: {  	[sflag:s15] =	ssyncadd.s32 $0xFFFF8000  }
0x1a0: {  	v3 =	vld [tilespmem:$0x180];
	_ =	sdelay $0x4  }
0x1a1: {  	v56 =	vshll.u32 v3, $0x2  }
0x1a2: {  	v3 =	vand.u32 $0x7, v3;
	v4 =	vand.u32 $0xFFFFFFE0, v56  }
0x1a3: {  	v3 =	vor.u32 v3, v4  }
0x1a4: {  	v4 =	vperm.xlane v3, v0;
	_ =	sdelay $0x1  }
0x1a5: {  	v4 =	vadd.s32 v1, v4;
	_ =	sdelay $0x1  }
0x1a6: {  	v3 =	vperm.xlane v3, v2;
	_ =	sdelay $0x1  }
0x1a7: {  	v3 =	vadd.s32 v1, v3  }
0x1a8: {  	[tilespmem:s23], [sflag:$0x1] =	stream.indirect_vreg.gather [hbm4b:s1+s3], $0x80, v4, vm0, $0xb8;
	[tilespmem:$0x18200] =	vst v63  }
0x1a9: {  	s20 =	simm.s32 $0xA00  }
0x1aa: {  	[tilespmem:s20], [sflag:$0x1] =	stream.indirect_vreg.gather [hbm4b:s4+s3], $0x80, v4, vm0, $0xb8;
	[tilespmem:$0x18200] =	vst v63  }
0x1ab: {  	s20 =	simm.s32 $0x1200  }
0x1ac: {  	[tilespmem:s20], [sflag:$0x1] =	stream.indirect_vreg.gather [hbm4b:s1+s3], $0x80, v3, vm0, $0xb8;
	[tilespmem:$0x18200] =	vst v63  }
0x1ad: {  	s20 =	simm.s32 $0x1A00  }
0x1ae: {  	[tilespmem:s20], [sflag:$0x1] =	stream.indirect_vreg.gather [hbm4b:s4+s3], $0x80, v3, vm0, $0xb8;
	[tilespmem:$0x18200] =	vst v63  }
0x1af: {  	v3 =	vld [tilespmem:$0x190];
	_ =	sdelay $0x4  }
0x1b0: {  	v57 =	vshll.u32 v3, $0x2  }
0x1b1: {  	v3 =	vand.u32 $0x7, v3;
	v4 =	vand.u32 $0xFFFFFFE0, v57  }
0x1b2: {  	v3 =	vor.u32 v3, v4  }
0x1b3: {  	v4 =	vperm.xlane v3, v0;
	_ =	sdelay $0x1  }
0x1b4: {  	v4 =	vadd.s32 v1, v4;
	_ =	sdelay $0x1  }
0x1b5: {  	v3 =	vperm.xlane v3, v2;
	_ =	sdelay $0x1  }
0x1b6: {  	s20 =	simm.s32 $0x2200;
	v3 =	vadd.s32 v1, v3  }
0x1b7: {  	[tilespmem:s20], [sflag:$0x1] =	stream.indirect_vreg.gather [hbm4b:s1+s3], $0x80, v4, vm0, $0xb8;
	[tilespmem:$0x18200] =	vst v63  }
0x1b8: {  	s20 =	simm.s32 $0x2A00  }
0x1b9: {  	[tilespmem:s20], [sflag:$0x1] =	stream.indirect_vreg.gather [hbm4b:s4+s3], $0x80, v4, vm0, $0xb8;
	[tilespmem:$0x18200] =	vst v63  }
0x1ba: {  	s20 =	simm.s32 $0x3200  }
0x1bb: {  	[tilespmem:s20], [sflag:$0x1] =	stream.indirect_vreg.gather [hbm4b:s1+s3], $0x80, v3, vm0, $0xb8;
	[tilespmem:$0x18200] =	vst v63  }
0x1bc: {  	s20 =	simm.s32 $0x3A00  }
0x1bd: {  	[tilespmem:s20], [sflag:$0x1] =	stream.indirect_vreg.gather [hbm4b:s4+s3], $0x80, v3, vm0, $0xb8;
	[tilespmem:$0x18200] =	vst v63  }
0x1be: {  	v3 =	vld [tilespmem:$0x1A0];
	_ =	sdelay $0x4  }
0x1bf: {  	v58 =	vshll.u32 v3, $0x2  }
0x1c0: {  	v3 =	vand.u32 $0x7, v3;
	v4 =	vand.u32 $0xFFFFFFE0, v58  }
0x1c1: {  	v3 =	vor.u32 v3, v4  }
0x1c2: {  	v4 =	vperm.xlane v3, v0;
	_ =	sdelay $0x1  }
0x1c3: {  	v4 =	vadd.s32 v1, v4;
	_ =	sdelay $0x1  }
0x1c4: {  	v3 =	vperm.xlane v3, v2;
	_ =	sdelay $0x1  }
0x1c5: {  	v3 =	vadd.s32 v1, v3  }
0x1c6: {  	[tilespmem:s30], [sflag:$0x1] =	stream.indirect_vreg.gather [hbm4b:s1+s3], $0x80, v4, vm0, $0xb8;
	[tilespmem:$0x18200] =	vst v63  }
0x1c7: {  	_ = 	snop  }
0x1c8: {  	[tilespmem:s31], [sflag:$0x1] =	stream.indirect_vreg.gather [hbm4b:s4+s3], $0x80, v4, vm0, $0xb8;
	[tilespmem:$0x18200] =	vst v63  }
0x1c9: {  	s20 =	simm.s32 $0x5200  }
0x1ca: {  	[tilespmem:s20], [sflag:$0x1] =	stream.indirect_vreg.gather [hbm4b:s1+s3], $0x80, v3, vm0, $0xb8;
	[tilespmem:$0x18200] =	vst v63  }
0x1cb: {  	s20 =	simm.s32 $0x5A00  }
0x1cc: {  	[tilespmem:s20], [sflag:$0x1] =	stream.indirect_vreg.gather [hbm4b:s4+s3], $0x80, v3, vm0, $0xb8;
	[tilespmem:$0x18200] =	vst v63  }
0x1cd: {  	v3 =	vld [tilespmem:$0x1B0];
	_ =	sdelay $0x4  }
0x1ce: {  	v59 =	vshll.u32 v3, $0x2  }
0x1cf: {  	v3 =	vand.u32 $0x7, v3;
	v4 =	vand.u32 $0xFFFFFFE0, v59  }
0x1d0: {  	v3 =	vor.u32 v3, v4  }
0x1d1: {  	v4 =	vperm.xlane v3, v0;
	_ =	sdelay $0x1  }
0x1d2: {  	v4 =	vadd.s32 v1, v4;
	_ =	sdelay $0x1  }
0x1d3: {  	v3 =	vperm.xlane v3, v2;
	_ =	sdelay $0x1  }
0x1d4: {  	s20 =	simm.s32 $0x6200;
	v3 =	vadd.s32 v1, v3  }
0x1d5: {  	[tilespmem:s20], [sflag:$0x1] =	stream.indirect_vreg.gather [hbm4b:s1+s3], $0x80, v4, vm0, $0xb8;
	[tilespmem:$0x18200] =	vst v63  }
0x1d6: {  	s20 =	simm.s32 $0x6A00  }
0x1d7: {  	[tilespmem:s20], [sflag:$0x1] =	stream.indirect_vreg.gather [hbm4b:s4+s3], $0x80, v4, vm0, $0xb8;
	[tilespmem:$0x18200] =	vst v63  }
0x1d8: {  	s20 =	simm.s32 $0x7200  }
0x1d9: {  	[tilespmem:s20], [sflag:$0x1] =	stream.indirect_vreg.gather [hbm4b:s1+s3], $0x80, v3, vm0, $0xb8;
	[tilespmem:$0x18200] =	vst v63  }
0x1da: {  	s20 =	simm.s32 $0x7A00  }
0x1db: {  	[tilespmem:s20], [sflag:$0x1] =	stream.indirect_vreg.gather [hbm4b:s4+s3], $0x80, v3, vm0, $0xb8;
	[tilespmem:$0x18200] =	vst v63  }
0x1dc: {  	_ =	swait.ge [sflag:s16], $0x8000  }
0x1dd: {  	[sflag:s16] =	ssyncset.done $0x0  }
0x1de: {  	s2 =	rddreg [dreg:$0x9];
	[sflag:s16] =	ssyncadd.s32 $0xFFFF8000  }
0x1df: {  	[hbm4b:s2+s3] =	stream.linear.scatter [tilespmem:s0], [sflag:$0x5], $0x8000, $0x38;
	[tilespmem:$0x18200] =	vst v63  }
0x1e0: {  	_ =	swait.ge [sflag:s17], $0x8000  }
0x1e1: {  	[sflag:s17] =	ssyncset.done $0x0  }
0x1e2: {  	[sflag:s17] =	ssyncadd.s32 $0xFFFF8000  }
0x1e3: {  	v3 =	vld [tilespmem:$0x1C0];
	_ =	sdelay $0x4  }
0x1e4: {  	v60 =	vshll.u32 v3, $0x2  }
0x1e5: {  	v3 =	vand.u32 $0x7, v3;
	v4 =	vand.u32 $0xFFFFFFE0, v60  }
0x1e6: {  	v3 =	vor.u32 v3, v4  }
0x1e7: {  	v4 =	vperm.xlane v3, v0;
	_ =	sdelay $0x1  }
0x1e8: {  	v4 =	vadd.s32 v1, v4;
	_ =	sdelay $0x1  }
0x1e9: {  	v3 =	vperm.xlane v3, v2;
	_ =	sdelay $0x1  }
0x1ea: {  	v3 =	vadd.s32 v1, v3  }
0x1eb: {  	[tilespmem:s0], [sflag:$0x2] =	stream.indirect_vreg.gather [hbm4b:s1+s3], $0x80, v4, vm0, $0xb8;
	[tilespmem:$0x18200] =	vst v63  }
0x1ec: {  	s20 =	simm.s32 $0x8A00  }
0x1ed: {  	[tilespmem:s20], [sflag:$0x2] =	stream.indirect_vreg.gather [hbm4b:s4+s3], $0x80, v4, vm0, $0xb8;
	[tilespmem:$0x18200] =	vst v63  }
0x1ee: {  	s20 =	simm.s32 $0x9200  }
0x1ef: {  	[tilespmem:s20], [sflag:$0x2] =	stream.indirect_vreg.gather [hbm4b:s1+s3], $0x80, v3, vm0, $0xb8;
	[tilespmem:$0x18200] =	vst v63  }
0x1f0: {  	s20 =	simm.s32 $0x9A00  }
0x1f1: {  	[tilespmem:s20], [sflag:$0x2] =	stream.indirect_vreg.gather [hbm4b:s4+s3], $0x80, v3, vm0, $0xb8;
	[tilespmem:$0x18200] =	vst v63  }
0x1f2: {  	v3 =	vld [tilespmem:$0x1D0];
	_ =	sdelay $0x4  }
0x1f3: {  	v61 =	vshll.u32 v3, $0x2  }
0x1f4: {  	v3 =	vand.u32 $0x7, v3;
	v4 =	vand.u32 $0xFFFFFFE0, v61  }
0x1f5: {  	v3 =	vor.u32 v3, v4  }
0x1f6: {  	v4 =	vperm.xlane v3, v0;
	_ =	sdelay $0x1  }
0x1f7: {  	v4 =	vadd.s32 v1, v4;
	_ =	sdelay $0x1  }
0x1f8: {  	v3 =	vperm.xlane v3, v2;
	_ =	sdelay $0x1  }
0x1f9: {  	s20 =	simm.s32 $0xA200;
	v3 =	vadd.s32 v1, v3  }
0x1fa: {  	[tilespmem:s20], [sflag:$0x2] =	stream.indirect_vreg.gather [hbm4b:s1+s3], $0x80, v4, vm0, $0xb8;
	[tilespmem:$0x18200] =	vst v63  }
0x1fb: {  	s20 =	simm.s32 $0xAA00  }
0x1fc: {  	[tilespmem:s20], [sflag:$0x2] =	stream.indirect_vreg.gather [hbm4b:s4+s3], $0x80, v4, vm0, $0xb8;
	[tilespmem:$0x18200] =	vst v63  }
0x1fd: {  	s20 =	simm.s32 $0xB200  }
0x1fe: {  	[tilespmem:s20], [sflag:$0x2] =	stream.indirect_vreg.gather [hbm4b:s1+s3], $0x80, v3, vm0, $0xb8;
	[tilespmem:$0x18200] =	vst v63  }
0x1ff: {  	s20 =	simm.s32 $0xBA00  }
0x200: {  	[tilespmem:s20], [sflag:$0x2] =	stream.indirect_vreg.gather [hbm4b:s4+s3], $0x80, v3, vm0, $0xb8;
	[tilespmem:$0x18200] =	vst v63  }
0x201: {  	v3 =	vld [tilespmem:$0x1E0];
	_ =	sdelay $0x4  }
0x202: {  	v62 =	vshll.u32 v3, $0x2  }
0x203: {  	v3 =	vand.u32 $0x7, v3;
	v4 =	vand.u32 $0xFFFFFFE0, v62  }
0x204: {  	v3 =	vor.u32 v3, v4  }
0x205: {  	v4 =	vperm.xlane v3, v0;
	_ =	sdelay $0x1  }
0x206: {  	v4 =	vadd.s32 v1, v4;
	_ =	sdelay $0x1  }
0x207: {  	v3 =	vperm.xlane v3, v2;
	_ =	sdelay $0x1  }
0x208: {  	s20 =	simm.s32 $0xC200;
	v3 =	vadd.s32 v1, v3  }
0x209: {  	[tilespmem:s20], [sflag:$0x2] =	stream.indirect_vreg.gather [hbm4b:s1+s3], $0x80, v4, vm0, $0xb8;
	[tilespmem:$0x18200] =	vst v63  }
0x20a: {  	s20 =	simm.s32 $0xCA00  }
0x20b: {  	[tilespmem:s20], [sflag:$0x2] =	stream.indirect_vreg.gather [hbm4b:s4+s3], $0x80, v4, vm0, $0xb8;
	[tilespmem:$0x18200] =	vst v63  }
0x20c: {  	s20 =	simm.s32 $0xD200  }
0x20d: {  	[tilespmem:s20], [sflag:$0x2] =	stream.indirect_vreg.gather [hbm4b:s1+s3], $0x80, v3, vm0, $0xb8;
	[tilespmem:$0x18200] =	vst v63  }
0x20e: {  	s20 =	simm.s32 $0xDA00  }
0x20f: {  	[tilespmem:s20], [sflag:$0x2] =	stream.indirect_vreg.gather [hbm4b:s4+s3], $0x80, v3, vm0, $0xb8;
	[tilespmem:$0x18200] =	vst v63  }
0x210: {  	v3 =	vld [tilespmem:$0x1F0];
	_ =	sdelay $0x4  }
0x211: {  	v63 =	vshll.u32 v3, $0x2  }
0x212: {  	v3 =	vand.u32 $0x7, v3;
	v4 =	vand.u32 $0xFFFFFFE0, v63  }
0x213: {  	v3 =	vor.u32 v3, v4  }
0x214: {  	v4 =	vperm.xlane v3, v0;
	_ =	sdelay $0x1  }
0x215: {  	v4 =	vadd.s32 v1, v4;
	_ =	sdelay $0x1  }
0x216: {  	v3 =	vperm.xlane v3, v2;
	_ =	sdelay $0x1  }
0x217: {  	s20 =	simm.s32 $0xE200;
	v3 =	vadd.s32 v1, v3  }
0x218: {  	[tilespmem:s20], [sflag:$0x2] =	stream.indirect_vreg.gather [hbm4b:s1+s3], $0x80, v4, vm0, $0xb8;
	[tilespmem:$0x18200] =	vst v63  }
0x219: {  	s20 =	simm.s32 $0xEA00  }
0x21a: {  	[tilespmem:s20], [sflag:$0x2] =	stream.indirect_vreg.gather [hbm4b:s4+s3], $0x80, v4, vm0, $0xb8;
	[tilespmem:$0x18200] =	vst v63  }
0x21b: {  	s20 =	simm.s32 $0xF200  }
0x21c: {  	[tilespmem:s20], [sflag:$0x2] =	stream.indirect_vreg.gather [hbm4b:s1+s3], $0x80, v3, vm0, $0xb8;
	[tilespmem:$0x18200] =	vst v63  }
0x21d: {  	s20 =	simm.s32 $0xFA00  }
0x21e: {  	[tilespmem:s20], [sflag:$0x2] =	stream.indirect_vreg.gather [hbm4b:s4+s3], $0x80, v3, vm0, $0xb8;
	[tilespmem:$0x18200] =	vst v63  }
0x21f: {  	_ =	swait.ge [sflag:s29], $0x8000  }
0x220: {  	[sflag:s29] =	ssyncset.done $0x0  }
0x221: {  	s2 =	rddreg [dreg:$0xa];
	[sflag:s29] =	ssyncadd.s32 $0xFFFF8000  }
0x222: {  	[hbm4b:s2+s3] =	stream.linear.scatter [tilespmem:s7], [sflag:$0x6], $0x8000, $0x38;
	[tilespmem:$0x18200] =	vst v63  }
0x223: {  	_ =	swait.ge [sflag:s14], $0x8000  }
0x224: {  	[sflag:s14] =	ssyncset.done $0x0  }
0x225: {  	s2 =	rddreg [dreg:$0xb];
	[sflag:s14] =	ssyncadd.s32 $0xFFFF8000  }
0x226: {  	[hbm4b:s2+s3] =	stream.linear.scatter [tilespmem:s23], [sflag:$0x4], $0x8000, $0x38;
	[tilespmem:$0x18200] =	vst v63  }
0x227: {  	_ =	swait.ge [sflag:s16], $0x8000  }
0x228: {  	[sflag:s16] =	ssyncset.done $0x0  }
0x229: {  	s2 =	rddreg [dreg:$0xc];
	[sflag:s16] =	ssyncadd.s32 $0xFFFF8000  }
0x22a: {  	[hbm4b:s2+s3] =	stream.linear.scatter [tilespmem:s0], [sflag:$0x5], $0x8000, $0x38;
	[tilespmem:$0x18200] =	vst v63  }
0x22b: {  	_ =	swait.ge [sflag:s19], $0x8000  }
0x22c: {  	[sflag:s19] =	ssyncset.done $0x0  }
0x22d: {  	[sflag:s19] =	ssyncadd.s32 $0xFFFF8000  }
0x22e: {  	p0 =	sne.s32 s5, $0x1;
	_ =	swait.ge [sflag:s15], $0x8000  }
.Ltmp0:
0x22f: {  	[sflag:s15] =	ssyncset.done $0x0;
	(pc) =	sbr.rel @p0 .LBB2_1-.Ltmp0, $4  }
0x230: {  	[sflag:s15] =	ssyncadd.s32 $0xFFFF8000  }
0x231: {  	_ =	swait.ge [sflag:s17], $0x8000  }
0x232: {  	[sflag:s17] =	ssyncset.done $0x0  }
0x233: {  	s5 =	sadd.s32 $0xFFFFFFFF, s5;
	[sflag:s17] =	ssyncadd.s32 $0xFFFF8000  }
0x234: {  	_ =	sfence.sel $0x180000  }
0x235: {  	[bflag:$0x0] =	sbarrier.arrive $0xFFFF  }
0x236: {  	_ =	strace $0x90000047  }
0x237: {  	s0 =	stileid.u32;
	[bflag:$0x2] =	sbarrier.arrive $0xFFFF  }
0x238: {  	p0 =	sne.s32 s0, $0x0;
	s0 =	rddreg [dreg:$0x3]  }
0x239: {  	s0 =	sadd.s32 @!p0 $0x100000, s0  }
0x23a: {  	[sflag:s0] =	ssyncadd.tile.s32 @!p0 $0x1;
	_ =	shalt  }
.Lfunc_end2:
_tile_overlayer_lowered:
.L_overlay_start_2:
0x23b: {  	(tag) =	ssettag $0x2  }
0x23c: {  	s0 =	rddreg [dreg:$0x0];
	s2 =	stileid.u32  }
0x23d: {  	s1 =	rddreg [dreg:$0x1];
	p0 =	sne.s32 s2, $0x0  }
0x23e: {  	s3 =	rddreg [dreg:$0x2];
	[bflag:$0x3] =	sbarrier.arrive $0xFFFF;
	s2 =	simm.s32 @!p0 $0x1C07  }
0x23f: {  	[timem:s3], [sflag:s2] =	dma.local @!p0 [hbm:s0], s1  }
0x240: {  	s0 =	simm.s32 @!p0 $0x7  }
0x241: {  	_ =	swait.ge @!p0 [sflag:s0], s1  }
0x242: {  	s1 =	ssub.s32 @!p0 $0x0, s1;
	[sflag:s0] =	ssyncset.done @!p0 $0x0  }
0x243: {  	[sflag:s0] =	ssyncadd.s32 @!p0 s1  }
0x244: {  	[bflag:$0x3] =	sbarrier.arrive $0xFFFF  }
0x245: {  	_ =	shalt  }

// kernel: kernel.9.cloned.1.call-start
scs
__scs_entry_jumppad:
0x0: {  	(pc) =	sbr.rel $0x88, $3  }
0x1: {  	(tag) =	ssettag $0x0;
	lr =	simm.s32 $0x1  }
0x2: {  	[smem:$0x3F9B] =	sst lr;
	_ =	strace $0xD0000000  }
0x3: {  	_ = 	snop  }
0x4: {  	_ = 	snop  }
0x5: {  	_ = 	snop  }
0x6: {  	_ = 	snop  }
0x7: {  	_ = 	snop  }
__scs_overlays_trampoline_lowered:
0x8: {  	[smem:$0x3FAA] =	sst s0  }
0x9: {  	[smem:$0x3FAB] =	sst s1  }
0xa: {  	[smem:$0x3FAC] =	sst s2  }
0xb: {  	[smem:$0x3FAD] =	sst s3  }
0xc: {  	[smem:$0x3FAE] =	sst s4  }
0xd: {  	[smem:$0x3FAF] =	sst s5  }
0xe: {  	[smem:$0x3FB0] =	sst s6  }
0xf: {  	[smem:$0x3FB1] =	sst s7  }
0x10: {  	[smem:$0x3FB2] =	sst s8  }
0x11: {  	[smem:$0x3FB3] =	sst s9;
	s0 =	simm.s32 @!p0 $0x0  }
0x12: {  	s1 =	sld [smem:$0x3F99];
	s0 =	simm.s32 @p0 $0x1  }
0x13: {  	[smem:$0x3FB4] =	sst s0;
	s0 =	simm.s32 @!p1 $0x0  }
0x14: {  	s2 =	sld [smem:$0x3F98];
	s0 =	simm.s32 @p1 $0x1  }
0x15: {  	[smem:$0x3FB5] =	sst s0;
	s0 =	simm.s32 @!p2 $0x0  }
0x16: {  	s3 =	sld [smem:$0x3FDB];
	s0 =	simm.s32 @p2 $0x1  }
0x17: {  	s4 =	simm.s32 $0x1BF5;
	[smem:$0x3FB7] =	sst s0  }
0x18: {  	s0 =	sld [smem:$0x3F9A];
	_ =	swait.ge [sflag:s4], $0x0  }
0x19: {  	s7 =	sld [smem:$0x3F9B]  }
0x1a: {  	s8 =	sadd.s32 $0xFFFFE003, lr  }
0x1b: {  	s9 =	sadd.s32 $0xFFFFFEF7, lr;
	s5 =	simm.s32 $0xFFFFFFFF;
	p2 =	slt.u32 s8, $0xFFFFF086  }
0x1c: {  	p1 =	slt.u32 s9, $0xF7A;
	s5 =	simm.s32 @!p2 $0x0  }
0x1d: {  	s5 =	simm.s32 @p1 $0x1;
	p0 =	seq.s32 s7, s2  }
0x1e: {  	s7 =	smul.u32 @!p0 $0xF7A, s2;
	p2 =	seq.s32 @!p0 s5, $0x0  }
0x1f: {  	s9 =	smul.u32 $0xF7A, s1;
	s8 =	simm.s32 @!p0 $0x1BF5;
	p2 =	por !p2, p0  }
0x20: {  	[sflag:s8] =	ssyncset.s32 @!p0 $0xFFFFF086;
	s6 =	sadd.s32 @!p0 s3, s7;
	s7 =	simm.s32 @!p0 $0x108  }
0x21: {  	s3 =	sadd.s32 s3, s9;
	s6 =	sadd.s32 @!p0 $0x88, s6;
	s7 =	simm.s32 @p2 $0x1082  }
0x22: {  	[simem:s7], [sflag:s8] =	dma.local @!p0 [hbm:s6], $0xF7A  }
0x23: {  	s9 =	sor.u32 $0xD0000000, s2;
	s6 =	simm.s32 $0x108;
	_ =	swait.ge @!p0 [sflag:s8], $0x0  }
0x24: {  	s3 =	sadd.s32 $0x88, s3;
	s6 =	simm.s32 @!p1 $0x1082;
	[sflag:s4] =	ssyncset.s32 $0xFFFFF086  }
0x25: {  	[simem:s6], [sflag:s4] =	dma.local [hbm:s3], $0xF7A  }
0x26: {  	[smem:$0x3F9B] =	sst s1;
	(tag) =	ssettag s2;
	_ =	strace s9  }
0x27: {  	s1 =	sld [smem:$0x3FAB]  }
0x28: {  	s2 =	sld [smem:$0x3FAC]  }
0x29: {  	s4 =	sld [smem:$0x3FAE]  }
0x2a: {  	p0 =	seq.s32 s5, $0x0;
	s5 =	sld [smem:$0x3FAF]  }
0x2b: {  	s6 =	sld [smem:$0x3FB0]  }
0x2c: {  	s7 =	sld [smem:$0x3FB1]  }
0x2d: {  	s3 =	simm.s32 $0x108;
	s8 =	sld [smem:$0x3FB2]  }
0x2e: {  	s3 =	simm.s32 @!p0 $0x1082;
	s9 =	sld [smem:$0x3FB3]  }
0x2f: {  	lr =	sadd.s32 s0, s3;
	s0 =	sld [smem:$0x3FAA]  }
0x30: {  	s3 =	sld [smem:$0x3FAD]  }
0x31: {  	[smem:$0x3FB6] =	sst s10  }
0x32: {  	s10 =	sld [smem:$0x3FB4];
	_ =	sdelay $0x3  }
0x33: {  	p0 =	seq.s32 s10, $0x1;
	s10 =	sld [smem:$0x3FB6];
	_ =	sdelay $0x3  }
0x34: {  	[smem:$0x3FB6] =	sst s10  }
0x35: {  	s10 =	sld [smem:$0x3FB5];
	_ =	sdelay $0x3  }
0x36: {  	p1 =	seq.s32 s10, $0x1;
	s10 =	sld [smem:$0x3FB6];
	_ =	sdelay $0x3  }
0x37: {  	[smem:$0x3FB6] =	sst s10  }
0x38: {  	s10 =	sld [smem:$0x3FB7]  }
0x39: {  	_ = 	snop;
	(pc) =	sbr.ind lr, $3  }
0x3a: {  	_ = 	snop  }
0x3b: {  	_ = 	snop  }
0x3c: {  	p2 =	seq.s32 s10, $0x1;
	s10 =	sld [smem:$0x3FB6]  }
0x3d: {  	_ =	shalt  }
0x3e: {  	_ =	shalt  }
0x3f: {  	_ =	shalt  }
0x40: {  	_ =	shalt  }
0x41: {  	_ =	shalt  }
0x42: {  	_ =	shalt  }
0x43: {  	_ =	shalt  }
0x44: {  	_ =	shalt  }
0x45: {  	_ =	shalt  }
0x46: {  	_ =	shalt  }
0x47: {  	_ =	shalt  }
0x48: {  	_ =	shalt  }
0x49: {  	_ =	shalt  }
0x4a: {  	_ =	shalt  }
0x4b: {  	_ =	shalt  }
0x4c: {  	_ =	shalt  }
0x4d: {  	_ =	shalt  }
0x4e: {  	_ =	shalt  }
0x4f: {  	_ =	shalt  }
0x50: {  	_ =	shalt  }
0x51: {  	_ =	shalt  }
0x52: {  	_ =	shalt  }
0x53: {  	_ =	shalt  }
0x54: {  	_ =	shalt  }
0x55: {  	_ =	shalt  }
0x56: {  	_ =	shalt  }
0x57: {  	_ =	shalt  }
0x58: {  	_ =	shalt  }
0x59: {  	_ =	shalt  }
0x5a: {  	_ =	shalt  }
0x5b: {  	_ =	shalt  }
0x5c: {  	_ =	shalt  }
0x5d: {  	_ =	shalt  }
0x5e: {  	_ =	shalt  }
0x5f: {  	_ =	shalt  }
0x60: {  	_ =	shalt  }
0x61: {  	_ =	shalt  }
0x62: {  	_ =	shalt  }
0x63: {  	_ =	shalt  }
0x64: {  	_ =	shalt  }
0x65: {  	_ =	shalt  }
0x66: {  	_ =	shalt  }
0x67: {  	_ =	shalt  }
0x68: {  	_ =	shalt  }
0x69: {  	_ =	shalt  }
0x6a: {  	_ =	shalt  }
0x6b: {  	_ =	shalt  }
0x6c: {  	_ =	shalt  }
0x6d: {  	_ =	shalt  }
0x6e: {  	_ =	shalt  }
0x6f: {  	_ =	shalt  }
0x70: {  	_ =	shalt  }
0x71: {  	_ =	shalt  }
0x72: {  	_ =	shalt  }
0x73: {  	_ =	shalt  }
0x74: {  	_ =	shalt  }
0x75: {  	_ =	shalt  }
0x76: {  	_ =	shalt  }
0x77: {  	_ =	shalt  }
0x78: {  	_ =	shalt  }
0x79: {  	_ =	shalt  }
0x7a: {  	_ =	shalt  }
0x7b: {  	_ =	shalt  }
0x7c: {  	_ =	shalt  }
0x7d: {  	_ =	shalt  }
0x7e: {  	_ =	shalt  }
0x7f: {  	_ =	shalt  }
0x80: {  	_ =	shalt  }
0x81: {  	_ =	shalt  }
0x82: {  	_ =	shalt  }
0x83: {  	_ =	shalt  }
0x84: {  	_ =	shalt  }
0x85: {  	_ =	shalt  }
0x86: {  	_ =	shalt  }
0x87: {  	_ =	shalt  }
.Lfunc_end0:
.L_simem_size_0:
called_computation.1_lowered:
.L_overlay_start_0:
0x88: {  	s2 =	sld [smem:$0x3FD9]  }
0x89: {  	s3 =	sld [smem:$0x3FFE];
	_ =	sdelay $0x1  }
0x8a: {  	s1 =	srdreg.scid  }
0x8b: {  	s0 =	sand.u32 $0x1, s1  }
0x8c: {  	s17 =	sshll.u32 s0, $0xA;
	s2 =	sadd.s32 s3, s2  }
0x8d: {  	s2 =	sadd.s32 s2, s17  }
0x8e: {  	[smem:$0x3FC2] =	sst s2  }
0x8f: {  	_ = 	snop  }
0x90: {  	s18 =	sld [smem:$0x3FC4];
	(tm) =	ssettm $0x1  }
0x91: {  	s19 =	sld [smem:$0x3FFB];
	_ =	sdelay $0x3  }
0x92: {  	_ =	strace s19  }
0x93: {  	s2 =	sld [smem:$0x3FFC];
	_ =	sdelay $0x3  }
0x94: {  	_ =	strace s2  }
0x95: {  	s2 =	sld [smem:$0x3FFD];
	_ =	sdelay $0x3  }
0x96: {  	_ =	strace s2  }
0x97: {  	_ =	strace $0x8FFFFFFF  }
0x98: {  	s20 =	sld [smem:$0x3FDB];
	_ =	sdelay $0x1  }
0x99: {  	s4 =	simm.s32 $_scs_section_size  }
0x9a: {  	s5 =	simm.s32 $_size__tile_overlayer_lowered;
	s6 =	simm.s32 $_tile_overlayer_lowered  }
0x9b: {  	s7 =	simm.s32 $0x1BFF;
	s21 =	sshll.u32 s6, $0x1;
	s4 =	sadd.s32 s4, s20  }
0x9c: {  	s22 =	simm.s32 $0x0;
	s5 =	sshll.u32 s5, $0x1;
	s6 =	sadd.s32 s21, s4  }
0x9d: {  	[timem:s22], [sflag:s7] =	dma.local [hbm:s6], s5  }
0x9e: {  	_ =	swait.ge [sflag:s7], s5  }
0x9f: {  	s5 =	ssub.s32 $0x0, s5;
	[sflag:s7] =	ssyncset.done $0x0  }
0xa0: {  	[sflag:s7] =	ssyncadd.s32 s5;
	_ =	sdelay $0x1  }
0xa1: {  	s23 =	simm.s32 $0x1B8B  }
0xa2: {  	_ =	swait.ge [sflag:s23], $0x1  }
0xa3: {  	[sflag:s23] =	ssyncset.done $0x0  }
0xa4: {  	[sflag:s23] =	ssyncadd.s32 $0xFFFFFFFF  }
0xa5: {  	s5 =	sld [smem:$0x0]  }
0xa6: {  	s6 =	sand.u32 $0xFFFFFFFE, s1  }
0xa7: {  	p0 =	sne.s32 s1, s6  }
0xa8: {  	s6 =	sshll.u32 @p0 s6, $0xE  }
0xa9: {  	s6 =	sadd.s32 @p0 $0x11B8D, s6;
	s7 =	sshll.u32 @p0 s5, $0x11  }
0xaa: {  	s6 =	sor.u32 @p0 s7, s6  }
0xab: {  	[sflag:s6] =	ssyncadd.remote.s32 @p0 $0x1;
	_ =	sdelay $0x1  }
0xac: {  	s6 =	simm.s32 @p0 $0x1B8D  }
0xad: {  	_ =	swait.eq @p0 [sflag:s6], $0x1  }
0xae: {  	[sflag:s6] =	ssyncadd.s32 @p0 $0xFFFFFFFF  }
0xaf: {  	s7 =	sshll.u32 @!p0 s1, $0xE  }
0xb0: {  	s7 =	sor.u32 @!p0 $0x4000, s7;
	s6 =	simm.s32 @!p0 $0x1B8D  }
0xb1: {  	s5 =	sshll.u32 @!p0 s5, $0x11;
	s7 =	sadd.s32 @!p0 $0x11B8D, s7;
	_ =	swait.eq @!p0 [sflag:s6], $0x1  }
0xb2: {  	s5 =	sor.u32 @!p0 s5, s7;
	[sflag:s6] =	ssyncadd.s32 @!p0 $0xFFFFFFFF  }
0xb3: {  	s25 =	simm.s32 $0x1B8E;
	s24 =	sld [smem:$0x3FFE];
	[sflag:s5] =	ssyncadd.remote.s32 @!p0 $0x1  }
0xb4: {  	s26 =	simm.s32 $execute0_lowered;
	[smem:$0x3FD2] =	sst s25  }
0xb5: {  	s6 =	sshll.u32 s26, $0x1;
	_ =	strace $0x80000049;
	[dreg:$0x1] =	wrdreg $0xFFFFFFFF  }
0xb6: {  	s28 =	simm.s32 $_size_execute0_lowered;
	s4 =	sadd.s32 s4, s6;
	[dreg:$0x0] =	wrdreg $0x0  }
0xb7: {  	s6 =	sshll.u32 s28, $0x1;
	[dreg:$0x2] =	wrdreg s4  }
0xb8: {  	[dreg:$0x3] =	wrdreg s6  }
0xb9: {  	[dreg:$0x4] =	wrdreg $0xC0  }
0xba: {  	_ =	task [dreg:s22], $0x5FFFF  }
0xbb: {  	[dreg:$0x1] =	wrdreg $0xFFFFFFFF  }
0xbc: {  	[dreg:$0x0] =	wrdreg $0x60  }
0xbd: {  	[dreg:$0x2] =	wrdreg s18  }
0xbe: {  	[dreg:$0x3] =	wrdreg s24  }
0xbf: {  	[dreg:$0x4] =	wrdreg $0xA  }
0xc0: {  	_ =	task.clear_ibuf [dreg:s22], $0x5FFFF;
	_ =	strace $0x90000049  }
0xc1: {  	s29 =	simm.s32 $0xA;
	_ =	strace $0x8000004B  }
0xc2: {  	_ =	swait.ge [sflag:s29], $0x1  }
0xc3: {  	[sflag:s29] =	ssyncadd.s32 $0xFFFFFFFF  }
0xc4: {  	_ =	strace $0x9000004B  }
0xc5: {  	_ =	sfence  }
0xc6: {  	s30 =	sld [smem:$0x0];
	_ =	sdelay $0x2  }
0xc7: {  	s31 =	sshll.u32 s1, $0xD;
	s1 =	sshrl.u32 s1, $0x2  }
0xc8: {  	s4 =	sand.u32 $0x4000, s31;
	s1 =	sadd.s32 s1, s30  }
0xc9: {  	s0 =	sor.u32 s4, s0;
	s1 =	sshll.u32 s1, $0x11  }
0xca: {  	s0 =	sor.u32 s1, s0  }
0xcb: {  	s0 =	sadd.s32 $0x8F2B, s0  }
0xcc: {  	[sflag:s0] =	ssyncadd.remote.s32 $0x1  }
0xcd: {  	_ =	sfence.sel $0xFFFF  }
0xce: {  	[dreg:$0x0] =	wrdreg $0xFFFFFFFF;
	(pc) =	sbr.abs _section_cstart, $3  }
0xcf: {  	[dreg:$0x1] =	wrdreg $0xFFFFFFFF  }
0xd0: {  	_ =	task.clear_ibuf [dreg:s22], $0x2FFFF;
	_ =	strace $0x9FFFFFFF  }
0xd1: {  	(tm) =	ssettm $0x7FFFFFFF  }
tec
execute0_lowered:
.L_overlay_start_1:
0x0: {  	(tag) =	ssettag $0x1  }
0x1: {  	s2 =	rddreg [dreg:$0x0];
	s0 =	srdreg.scid  }
0x2: {  	s4 =	rddreg [dreg:$0x1];
	s1 =	stileid.u32;
	s3 =	simm.s32 $0x0  }
0x3: {  	s9 =	simm.s32 $0x0;
	s5 =	sand.u32 $0x1, s0;
	s0 =	rddreg [dreg:$0x2]  }
0x4: {  	s6 =	sshll.u32 s1, $0xA;
	s7 =	sshll.u32 s5, $0x9;
	s5 =	ssub.s32 $0x2, s5  }
0x5: {  	[smem:$0x7FF] =	sst s3;
	s6 =	sor.u32 s7, s6;
	s8 =	sshrl.u32 s5, $0x1  }
0x6: {  	_ =	strace $0x8000004A;
	s7 =	sshrl.u32 s6, $0x3;
	s8 =	ssub.s32 s5, s8  }
0x7: {  	s7 =	sadd.s32 s7, s4;
	s4 =	sadd.s32 $0x18700, s6;
	s6 =	smax.u32 s8, $0x1  }
0x8: {  	v0 =	vlaneseq.u32;
	s8 =	simm.s32 $0x1C700;
	s5 =	sadd.s32 $0x101400, s7;
	s7 =	simm.s32 $0x1  }
.LBB2_1:
0x9: {  	s10 =	simm.s32 $0x18700  }
0xa: {  	[tilespmem:s10], [sflag:$0x1] =	stream.linear.gather [hbm4b:s2+s3], $0x4000, $0x38;
	[tilespmem:$0x1C900] =	vst v63  }
0xb: {  	_ =	swait.ge [sflag:s7], $0x4000  }
0xc: {  	[sflag:s7] =	ssyncset.done $0x0  }
0xd: {  	s11 =	simm.s32 $0x0;
	[sflag:s7] =	ssyncadd.s32 $0xFFFFC000  }
.LBB2_2:
0xe: {  	v1 =	vld [tilespmem:s10+$0x0];
	_ =	sdelay $0x4  }
0xf: {  	(xrf1) =	vunique.msk.u32 $0xffff, v1;
	_ =	sdelay $0xd  }
0x10: {  	_, v2, vm0 =	vpop (xrf1)  }
0x11: {  	p0 =	sne.s32 s11, $0x3FF0  }
.Ltmp0:
0x12: {  	_ = 	snop;
	(pc) =	sbr.rel @p0 .LBB2_2-.Ltmp0, $3  }
0x13: {  	_ =	sdelay $0x1  }
0x14: {  	s12 =	simm.s32 $0x0;
	v2 =	vor.u32 s11, v0  }
0x15: {  	s10 =	sadd.s32 $0x10, s10;
	s11 =	sadd.s32 $0x10, s11;
	[tilespmem:v1+s12+$0x0] =	vst.idx.msk vm0, v2  }
0x16: {  	s10 =	sand.u32 $0x180, s12  }
0x17: {  	s11 =	sand.u32 $0x70, s12;
	s10 =	sadd.s32 s10, s4  }
0x18: {  	s10 =	sadd.s32 s11, s10  }
0x19: {  	v1 =	vld [tilespmem:s10+$0x0];
	_ =	sdelay $0x7  }
0x1a: {  	v1 =	vld.idx.msk [tilespmem:v1+s3+$0x0], $0xffff;
	_ =	sdelay $0x1  }
0x1b: {  	s11 =	simm.s32 $0x10  }
0x1c: {  	s12 =	simm.s32 $0x20;
	s10 =	simm.s32 $0x1C700;
	s13 =	sand.u32 $0x180, s11  }
.LBB2_4:
0x1d: {  	p0 =	sne.s32 s12, $0x1F0;
	s11 =	sand.u32 $0x70, s11;
	s13 =	sadd.s32 s13, s4  }
0x1e: {  	s13 =	sadd.s32 s11, s13;
	[tilespmem:s10+$0x0] =	vst v1;
	s11 =	smov.u32 s12  }
0x1f: {  	v1 =	vld [tilespmem:s13+$0x0];
	_ =	sdelay $0x7  }
.Ltmp1:
0x20: {  	v1 =	vld.idx.msk [tilespmem:v1+s3+$0x0], $0xffff;
	(pc) =	sbr.rel @p0 .LBB2_4-.Ltmp1, $2  }
0x21: {  	_ =	sdelay $0x2  }
0x22: {  	s12 =	sadd.s32 $0x10, s12;
	s10 =	sadd.s32 $0x10, s10;
	s13 =	sand.u32 $0x180, s11  }
0x23: {  	s11 =	sand.u32 $0x70, s11;
	s12 =	sadd.s32 s13, s4  }
0x24: {  	[tilespmem:s10+$0x0] =	vst v1;
	s11 =	sadd.s32 s11, s12  }
0x25: {  	v1 =	vld [tilespmem:s11+$0x0];
	_ =	sdelay $0x7  }
0x26: {  	v1 =	vld.idx.msk [tilespmem:v1+s3+$0x0], $0xffff;
	_ =	sdelay $0x2  }
0x27: {  	s9 =	sadd.s32 $0x1, s9  }
0x28: {  	s31 =	sadd.s32 $0x10, s10;
	p0 =	sne.s32 s9, s6  }
.Ltmp2:
0x29: {  	[tilespmem:s31+$0x0] =	vst v1;
	(pc) =	sbr.rel @p0 .LBB2_1-.Ltmp2, $4  }
0x2a: {  	[hbm4b:s5+s3] =	stream.linear.scatter [tilespmem:s8], [sflag:$0x1], $0x200, $0x38;
	[tilespmem:$0x1C900] =	vst v63  }
0x2b: {  	_ =	swait.ge [sflag:s7], $0x200  }
0x2c: {  	[sflag:s7] =	ssyncset.done $0x0  }
0x2d: {  	[sflag:s7] =	ssyncadd.s32 $0xFFFFFE00  }
0x2e: {  	_ =	sfence.sel $0x180000  }
0x2f: {  	[bflag:$0x0] =	sbarrier.arrive $0xFFFF  }
0x30: {  	p0 =	sne.s32 s1, $0x0;
	_ =	strace $0x9000004A  }
0x31: {  	s0 =	sadd.s32 @!p0 $0x100000, s0;
	[bflag:$0x2] =	sbarrier.arrive $0xFFFF  }
0x32: {  	[sflag:s0] =	ssyncadd.tile.s32 @!p0 $0x1;
	_ =	shalt  }
.Lfunc_end2:
_tile_overlayer_lowered:
.L_overlay_start_2:
0x33: {  	(tag) =	ssettag $0x2  }
0x34: {  	s0 =	rddreg [dreg:$0x0];
	s2 =	stileid.u32  }
0x35: {  	s1 =	rddreg [dreg:$0x1];
	p0 =	sne.s32 s2, $0x0  }
0x36: {  	s3 =	rddreg [dreg:$0x2];
	[bflag:$0x3] =	sbarrier.arrive $0xFFFF;
	s2 =	simm.s32 @!p0 $0x1C01  }
0x37: {  	[timem:s3], [sflag:s2] =	dma.local @!p0 [hbm:s0], s1  }
0x38: {  	s0 =	simm.s32 @!p0 $0x1  }
0x39: {  	_ =	swait.ge @!p0 [sflag:s0], s1  }
0x3a: {  	s1 =	ssub.s32 @!p0 $0x0, s1;
	[sflag:s0] =	ssyncset.done @!p0 $0x0  }
0x3b: {  	[sflag:s0] =	ssyncadd.s32 @!p0 s1  }
0x3c: {  	[bflag:$0x3] =	sbarrier.arrive $0xFFFF  }
0x3d: {  	_ =	shalt  }

</sc_bundles>
